<compile_context>
chip_gen: v7x
topology: tpu7x:2x2x1
jax: 0.10.2.dev20260603
libtpu: 0.0.44.dev20260713+nightly
codegen_flags: <defaults>
</compile_context>

<pallas_src>
import jax
import jax.numpy as jnp
from jax import lax
from jax.experimental import pallas as pl
from jax.experimental.pallas import tpu as pltpu
from jax.experimental.pallas import tpu_sc as plsc

B = 16384
N_CAT = 26
N_DENSE = 13
NUM_BINS = 128
N_ONEHOT = N_CAT + 3
OUT_W = N_ONEHOT * NUM_BINS + N_DENSE

NC, NS, L = 2, 16, 16
NW = NC * NS
CB = 256
NCHUNK = B // CB
N_ITEMS = N_ONEHOT * NCHUNK
KMAX = N_ITEMS // NW
NBUF = 3
DENSE_ROW0 = N_ONEHOT * NUM_BINS


def _item_srcs(item):
    f = item >> 6
    b0 = (item & 63) * CB
    is_cross = f >= N_CAT
    p = f - N_CAT
    fa = jnp.where(is_cross, 2 * p, f)
    fb = jnp.where(is_cross, 2 * p + 1, f)
    return f, b0, fa, fb, is_cross


def _sc_body(xi_hbm, xf_hbm, out_hbm, stg0, stg1, stg2, buf0, buf1, buf2,
             hrec0, hrec1, hrec2, dbuf, sin0, sin1, sin2, sout0, sout1,
             sout2):
    wid = lax.axis_index("s") * NC + lax.axis_index("c")
    iot = lax.iota(jnp.int32, L)
    ones = jnp.ones((L,), jnp.float32)
    zeros = jnp.zeros((L,), jnp.float32)
    izeros = jnp.zeros((L,), jnp.int32)

    stgs = (stg0, stg1, stg2)
    bufs = (buf0, buf1, buf2)
    hrecs = (hrec0, hrec1, hrec2)
    sins = (sin0, sin1, sin2)
    souts = (sout0, sout1, sout2)

    def _issue_in(item, s):
        _, b0, fa, fb, _ = _item_srcs(item)
        pltpu.async_copy(xi_hbm.at[pl.ds(fa, 1), pl.ds(b0, CB)],
                         stgs[s].at[pl.ds(0, 1), pl.ds(0, CB)], sins[s])
        pltpu.async_copy(xi_hbm.at[pl.ds(fb, 1), pl.ds(b0, CB)],
                         stgs[s].at[pl.ds(1, 1), pl.ds(0, CB)], sins[s])

    for s in range(NBUF):
        _issue_in(wid + NW * s, s)

    def _zero(i, _):
        for u in range(8):
            g = i * 8 + u
            for buf in bufs:
                buf[g >> 4, pl.ds((g & 15) * L, L)] = zeros
        return _

    lax.fori_loop(0, NUM_BINS * CB // L // 8, _zero, None)
    for g in range(CB // L):
        for hrec in hrecs:
            hrec[pl.ds(g * L, L)] = izeros

    def _run_item(k, s):
        item = wid + NW * k
        buf, stg, hrec = bufs[s], stgs[s], hrecs[s]
        f, b0, _fa, _fb, is_cross = _item_srcs(item)
        pltpu.make_async_copy(
            xi_hbm.at[pl.ds(0, 2), pl.ds(0, CB)], stg, sins[s]).wait()

        @pl.when(k >= NBUF)
        def _cleanup():
            pltpu.make_async_copy(
                buf, out_hbm.at[pl.ds(0, NUM_BINS), pl.ds(0, CB)],
                souts[s]).wait()

            def _cl(g, c):
                hold = hrec[pl.ds(g * L, L)]
                plsc.store_scatter(buf, [hold, g * L + iot], zeros)
                return c

            lax.fori_loop(0, CB // L, _cl, None)

        @pl.when(is_cross)
        def _cross():
            def _cr(g, c):
                xa = stg[0, pl.ds(g * L, L)]
                xb = stg[1, pl.ds(g * L, L)]
                comb = (xa % 32749) * 32749 + (xb % 32749)
                h = (comb * 31 + 17) & 127
                plsc.store_scatter(buf, [h, g * L + iot], ones)
                hrec[pl.ds(g * L, L)] = h
                return c

            lax.fori_loop(0, CB // L, _cr, None)

        @pl.when(jnp.logical_not(is_cross))
        def _plain():
            def _pl(g, c):
                xa = stg[0, pl.ds(g * L, L)]
                h = (xa * 31 + 17) & 127
                plsc.store_scatter(buf, [h, g * L + iot], ones)
                hrec[pl.ds(g * L, L)] = h
                return c

            lax.fori_loop(0, CB // L, _pl, None)

        pltpu.async_copy(
            buf, out_hbm.at[pl.ds(f * NUM_BINS, NUM_BINS), pl.ds(b0, CB)],
            souts[s])

        @pl.when(k < KMAX - NBUF)
        def _prefetch():
            _issue_in(item + NBUF * NW, s)

    def _round(kk, carry):
        for s in range(NBUF):
            _run_item(kk * NBUF + s, s)
        return carry

    lax.fori_loop(0, KMAX // NBUF, _round, None)
    for t in range(KMAX - (KMAX // NBUF) * NBUF):
        _run_item(jnp.int32((KMAX // NBUF) * NBUF + t), t)

    @pl.when(wid < N_DENSE)
    def _dense():
        pltpu.sync_copy(xf_hbm.at[pl.ds(wid, 1), pl.ds(0, B)], dbuf)
        pltpu.sync_copy(dbuf, out_hbm.at[pl.ds(DENSE_ROW0 + wid, 1),
                                         pl.ds(0, B)])

    for s in range(NBUF):
        pltpu.make_async_copy(
            bufs[s], out_hbm.at[pl.ds(0, NUM_BINS), pl.ds(0, CB)],
            souts[s]).wait()


def kernel(int_features, float_features):
    run = pl.kernel(
        _sc_body,
        out_type=jax.ShapeDtypeStruct((OUT_W, B), jnp.float32),
        mesh=plsc.VectorSubcoreMesh(core_axis_name="c", subcore_axis_name="s"),
        compiler_params=pltpu.CompilerParams(needs_layout_passes=False),
        scratch_types=[
            pltpu.VMEM((2, CB), jnp.int32),
            pltpu.VMEM((2, CB), jnp.int32),
            pltpu.VMEM((2, CB), jnp.int32),
            pltpu.VMEM((NUM_BINS, CB), jnp.float32),
            pltpu.VMEM((NUM_BINS, CB), jnp.float32),
            pltpu.VMEM((NUM_BINS, CB), jnp.float32),
            pltpu.VMEM((CB,), jnp.int32),
            pltpu.VMEM((CB,), jnp.int32),
            pltpu.VMEM((CB,), jnp.int32),
            pltpu.VMEM((1, B), jnp.float32),
            pltpu.SemaphoreType.DMA,
            pltpu.SemaphoreType.DMA,
            pltpu.SemaphoreType.DMA,
            pltpu.SemaphoreType.DMA,
            pltpu.SemaphoreType.DMA,
            pltpu.SemaphoreType.DMA,
        ],
    )
    return run(int_features.T, float_features.T).T

# --- scband reference (transcript-rebuilt; emitter-appended) ---
"""Pipeline reference for scband-feature-space-17282948399389 (READ-ONLY COPY).

The authoritative reference and input builder live on the scoring server;
editing this copy changes nothing except your own understanding.
"""

import jax, jax.numpy as jnp
import numpy as np

B = 16384
N_CAT = 26
N_DENSE = 13
NUM_BINS = 128
CROSSING_DIM = 128
CROSS_PAIRS = [(0, 1), (2, 3), (4, 5)]


def _hash_ids(x, num_bins):
    # Deterministic stand-in for Keras Hashing (FarmHash64): affine hash then mod.
    return jnp.mod(x * 31 + 17, num_bins)


def setup_inputs(seed: int = 0) -> dict:
    key = jax.random.key(seed)
    k1, k2 = jax.random.split(key)
    int_features = jax.random.randint(k1, (B, N_CAT), 0, 1000000, dtype=jnp.int32)
    float_features = jax.random.normal(k2, (B, N_DENSE), dtype=jnp.float32)
    return {"int_features": int_features, "float_features": float_features}


def reference(int_features, float_features):
    # Per-feature integer hashing -> one-hot (output_mode='one_hot'), like
    # FeatureSpace.integer_hashed(num_bins=hashing_dim).
    h = _hash_ids(int_features, NUM_BINS)                      # [B, 26]
    oh = jax.nn.one_hot(h, NUM_BINS, dtype=jnp.float32)       # [B, 26, 128]
    cat_part = oh.reshape(oh.shape[0], N_CAT * NUM_BINS)       # [B, 3328]

    # Feature crosses: combine the two raw id columns, hash into crossing_dim,
    # one-hot encode (Cross with output_mode='one_hot').
    crossed = []
    for i, j in CROSS_PAIRS:
        a = jnp.mod(int_features[:, i], 32749)
        b = jnp.mod(int_features[:, j], 32749)
        comb = a * 32749 + b
        hc = _hash_ids(comb, CROSSING_DIM)
        crossed.append(jax.nn.one_hot(hc, CROSSING_DIM, dtype=jnp.float32))

    # Dense floats: float_rescaled with default scale=1.0, offset=0.0.
    dense_part = float_features * 1.0 + 0.0                    # [B, 13]

    # output_mode='concat' -> TFDConcat(axis=-1) over all encoded features.
    return jnp.concatenate([cat_part] + crossed + [dense_part], axis=-1)

if __name__ == "__main__":
    import jax
    _d = setup_inputs()
    print(jax.jit(kernel)(*tuple(_d.values())))

</pallas_src>

<mosaic_0001>
#map = affine_map<(d0, d1) -> (0, 0)>
module attributes {stable_mosaic.version = 14 : i64} {
  func.func @_sc_body(%arg0: i32, %arg1: i32, %arg2: memref<26x16384xi32, #tpu.memory_space<hbm>>, %arg3: memref<13x16384xf32, #tpu.memory_space<hbm>>, %arg4: memref<3725x16384xf32, #tpu.memory_space<hbm>>, %arg5: memref<2x256xi32, #tpu.memory_space<vmem>>, %arg6: memref<2x256xi32, #tpu.memory_space<vmem>>, %arg7: memref<2x256xi32, #tpu.memory_space<vmem>>, %arg8: memref<128x256xf32, #tpu.memory_space<vmem>>, %arg9: memref<128x256xf32, #tpu.memory_space<vmem>>, %arg10: memref<128x256xf32, #tpu.memory_space<vmem>>, %arg11: memref<256xi32, #tpu.memory_space<vmem>>, %arg12: memref<256xi32, #tpu.memory_space<vmem>>, %arg13: memref<256xi32, #tpu.memory_space<vmem>>, %arg14: memref<1x16384xf32, #tpu.memory_space<vmem>>, %arg15: memref<!tpu.dma_semaphore, #tpu.memory_space<semaphore_mem>>, %arg16: memref<!tpu.dma_semaphore, #tpu.memory_space<semaphore_mem>>, %arg17: memref<!tpu.dma_semaphore, #tpu.memory_space<semaphore_mem>>, %arg18: memref<!tpu.dma_semaphore, #tpu.memory_space<semaphore_mem>>, %arg19: memref<!tpu.dma_semaphore, #tpu.memory_space<semaphore_mem>>, %arg20: memref<!tpu.dma_semaphore, #tpu.memory_space<semaphore_mem>>) attributes {dimension_semantics = [#tpu.dimension_semantics<core_parallel>, #tpu.dimension_semantics<subcore_parallel>], iteration_bounds = array<i64: 2, 16>, scalar_prefetch = 0 : i64, scratch_operands = 16 : i64, tpu.core_type = #tpu.core_type<sc_vector_subcore>, window_params = [{transform_indices = #map}, {transform_indices = #map}, {transform_indices = #map}]} {
    %mul3A = arith.constant 2 : i32
    %mul3A_0 = arith.muli %arg1, %mul3A : i32
    %add3A = arith.addi %mul3A_0, %arg0 : i32
    %iota3A = tpu.iota {dimensions = array<i32: 0>} : vector<16xi32>
    %broadcast_in_dim3A = arith.constant 1.000000e+00 : f32
    %broadcast_in_dim3A_1 = vector.broadcast %broadcast_in_dim3A : f32 to vector<16xf32>
    %broadcast_in_dim3A_2 = arith.constant 0.000000e+00 : f32
    %broadcast_in_dim3A_3 = vector.broadcast %broadcast_in_dim3A_2 : f32 to vector<16xf32>
    %broadcast_in_dim3A_4 = arith.constant 0 : i32
    %broadcast_in_dim3A_5 = vector.broadcast %broadcast_in_dim3A_4 : i32 to vector<16xi32>
    %add3A_6 = arith.constant 0 : i32
    %add3A_7 = arith.addi %add3A, %add3A_6 : i32
    %shift_right_arithmetic3A = arith.constant 6 : i32
    %shift_right_arithmetic3A_8 = arith.shrsi %add3A_7, %shift_right_arithmetic3A : i32
    %and3A = arith.constant 63 : i32
    %and3A_9 = arith.andi %add3A_7, %and3A : i32
    %mul3A_10 = arith.constant 256 : i32
    %mul3A_11 = arith.muli %and3A_9, %mul3A_10 : i32
    %ge3A = arith.constant 26 : i32
    %ge3A_12 = arith.cmpi sge, %shift_right_arithmetic3A_8, %ge3A : i32
    %sub3A = arith.constant 26 : i32
    %sub3A_13 = arith.subi %shift_right_arithmetic3A_8, %sub3A : i32
    %mul3A_14 = arith.constant 2 : i32
    %mul3A_15 = arith.muli %mul3A_14, %sub3A_13 : i32
    %select_n3A = arith.select %ge3A_12, %mul3A_15, %shift_right_arithmetic3A_8 : i32
    %mul3A_16 = arith.constant 2 : i32
    %mul3A_17 = arith.muli %mul3A_16, %sub3A_13 : i32
    %add3A_18 = arith.constant 1 : i32
    %add3A_19 = arith.addi %mul3A_17, %add3A_18 : i32
    %select_n3A_20 = arith.select %ge3A_12, %add3A_19, %shift_right_arithmetic3A_8 : i32
    %dma_start3A = arith.constant 0 : i32
    %dma_start3A_21 = arith.constant 0 : i32
    %dma_start3A_22 = tpu.memref_slice %arg5[%dma_start3A, %dma_start3A_21] : memref<2x256xi32, #tpu.memory_space<vmem>> -> memref<1x256xi32, #tpu.memory_space<vmem>>
    %dma_start3A_23 = tpu.memref_slice %arg2[%select_n3A, %mul3A_11] : memref<26x16384xi32, #tpu.memory_space<hbm>> -> memref<1x256xi32, #tpu.memory_space<hbm>>
    %dma_start3A_24 = arith.constant 0 : i32
    %dma_start3A_25 = arith.constant 0 : i32
    %dma_start3A_26 = tpu.memref_slice %arg5[%dma_start3A_24, %dma_start3A_25] : memref<2x256xi32, #tpu.memory_space<vmem>> -> memref<1x256xi32, #tpu.memory_space<vmem>>
    %dma_start3A_27 = tpu.memref_slice %arg2[%select_n3A, %mul3A_11] : memref<26x16384xi32, #tpu.memory_space<hbm>> -> memref<1x256xi32, #tpu.memory_space<hbm>>
    tpu.enqueue_dma source(%dma_start3A_27 : memref<1x256xi32, #tpu.memory_space<hbm>>) target(%dma_start3A_26 : memref<1x256xi32, #tpu.memory_space<vmem>>) target_semaphore(%arg15 : memref<!tpu.dma_semaphore, #tpu.memory_space<semaphore_mem>>)
    %dma_start3A_28 = arith.constant 1 : i32
    %dma_start3A_29 = arith.constant 0 : i32
    %dma_start3A_30 = tpu.memref_slice %arg5[%dma_start3A_28, %dma_start3A_29] : memref<2x256xi32, #tpu.memory_space<vmem>> -> memref<1x256xi32, #tpu.memory_space<vmem>>
    %dma_start3A_31 = tpu.memref_slice %arg2[%select_n3A_20, %mul3A_11] : memref<26x16384xi32, #tpu.memory_space<hbm>> -> memref<1x256xi32, #tpu.memory_space<hbm>>
    %dma_start3A_32 = arith.constant 1 : i32
    %dma_start3A_33 = arith.constant 0 : i32
    %dma_start3A_34 = tpu.memref_slice %arg5[%dma_start3A_32, %dma_start3A_33] : memref<2x256xi32, #tpu.memory_space<vmem>> -> memref<1x256xi32, #tpu.memory_space<vmem>>
    %dma_start3A_35 = tpu.memref_slice %arg2[%select_n3A_20, %mul3A_11] : memref<26x16384xi32, #tpu.memory_space<hbm>> -> memref<1x256xi32, #tpu.memory_space<hbm>>
    tpu.enqueue_dma source(%dma_start3A_35 : memref<1x256xi32, #tpu.memory_space<hbm>>) target(%dma_start3A_34 : memref<1x256xi32, #tpu.memory_space<vmem>>) target_semaphore(%arg15 : memref<!tpu.dma_semaphore, #tpu.memory_space<semaphore_mem>>)
    %add3A_36 = arith.constant 32 : i32
    %add3A_37 = arith.addi %add3A, %add3A_36 : i32
    %shift_right_arithmetic3A_38 = arith.constant 6 : i32
    %shift_right_arithmetic3A_39 = arith.shrsi %add3A_37, %shift_right_arithmetic3A_38 : i32
    %and3A_40 = arith.constant 63 : i32
    %and3A_41 = arith.andi %add3A_37, %and3A_40 : i32
    %mul3A_42 = arith.constant 256 : i32
    %mul3A_43 = arith.muli %and3A_41, %mul3A_42 : i32
    %ge3A_44 = arith.constant 26 : i32
    %ge3A_45 = arith.cmpi sge, %shift_right_arithmetic3A_39, %ge3A_44 : i32
    %sub3A_46 = arith.constant 26 : i32
    %sub3A_47 = arith.subi %shift_right_arithmetic3A_39, %sub3A_46 : i32
    %mul3A_48 = arith.constant 2 : i32
    %mul3A_49 = arith.muli %mul3A_48, %sub3A_47 : i32
    %select_n3A_50 = arith.select %ge3A_45, %mul3A_49, %shift_right_arithmetic3A_39 : i32
    %mul3A_51 = arith.constant 2 : i32
    %mul3A_52 = arith.muli %mul3A_51, %sub3A_47 : i32
    %add3A_53 = arith.constant 1 : i32
    %add3A_54 = arith.addi %mul3A_52, %add3A_53 : i32
    %select_n3A_55 = arith.select %ge3A_45, %add3A_54, %shift_right_arithmetic3A_39 : i32
    %dma_start3A_56 = arith.constant 0 : i32
    %dma_start3A_57 = arith.constant 0 : i32
    %dma_start3A_58 = tpu.memref_slice %arg6[%dma_start3A_56, %dma_start3A_57] : memref<2x256xi32, #tpu.memory_space<vmem>> -> memref<1x256xi32, #tpu.memory_space<vmem>>
    %dma_start3A_59 = tpu.memref_slice %arg2[%select_n3A_50, %mul3A_43] : memref<26x16384xi32, #tpu.memory_space<hbm>> -> memref<1x256xi32, #tpu.memory_space<hbm>>
    %dma_start3A_60 = arith.constant 0 : i32
    %dma_start3A_61 = arith.constant 0 : i32
    %dma_start3A_62 = tpu.memref_slice %arg6[%dma_start3A_60, %dma_start3A_61] : memref<2x256xi32, #tpu.memory_space<vmem>> -> memref<1x256xi32, #tpu.memory_space<vmem>>
    %dma_start3A_63 = tpu.memref_slice %arg2[%select_n3A_50, %mul3A_43] : memref<26x16384xi32, #tpu.memory_space<hbm>> -> memref<1x256xi32, #tpu.memory_space<hbm>>
    tpu.enqueue_dma source(%dma_start3A_63 : memref<1x256xi32, #tpu.memory_space<hbm>>) target(%dma_start3A_62 : memref<1x256xi32, #tpu.memory_space<vmem>>) target_semaphore(%arg16 : memref<!tpu.dma_semaphore, #tpu.memory_space<semaphore_mem>>)
    %dma_start3A_64 = arith.constant 1 : i32
    %dma_start3A_65 = arith.constant 0 : i32
    %dma_start3A_66 = tpu.memref_slice %arg6[%dma_start3A_64, %dma_start3A_65] : memref<2x256xi32, #tpu.memory_space<vmem>> -> memref<1x256xi32, #tpu.memory_space<vmem>>
    %dma_start3A_67 = tpu.memref_slice %arg2[%select_n3A_55, %mul3A_43] : memref<26x16384xi32, #tpu.memory_space<hbm>> -> memref<1x256xi32, #tpu.memory_space<hbm>>
    %dma_start3A_68 = arith.constant 1 : i32
    %dma_start3A_69 = arith.constant 0 : i32
    %dma_start3A_70 = tpu.memref_slice %arg6[%dma_start3A_68, %dma_start3A_69] : memref<2x256xi32, #tpu.memory_space<vmem>> -> memref<1x256xi32, #tpu.memory_space<vmem>>
    %dma_start3A_71 = tpu.memref_slice %arg2[%select_n3A_55, %mul3A_43] : memref<26x16384xi32, #tpu.memory_space<hbm>> -> memref<1x256xi32, #tpu.memory_space<hbm>>
    tpu.enqueue_dma source(%dma_start3A_71 : memref<1x256xi32, #tpu.memory_space<hbm>>) target(%dma_start3A_70 : memref<1x256xi32, #tpu.memory_space<vmem>>) target_semaphore(%arg16 : memref<!tpu.dma_semaphore, #tpu.memory_space<semaphore_mem>>)
    %add3A_72 = arith.constant 64 : i32
    %add3A_73 = arith.addi %add3A, %add3A_72 : i32
    %shift_right_arithmetic3A_74 = arith.constant 6 : i32
    %shift_right_arithmetic3A_75 = arith.shrsi %add3A_73, %shift_right_arithmetic3A_74 : i32
    %and3A_76 = arith.constant 63 : i32
    %and3A_77 = arith.andi %add3A_73, %and3A_76 : i32
    %mul3A_78 = arith.constant 256 : i32
    %mul3A_79 = arith.muli %and3A_77, %mul3A_78 : i32
    %ge3A_80 = arith.constant 26 : i32
    %ge3A_81 = arith.cmpi sge, %shift_right_arithmetic3A_75, %ge3A_80 : i32
    %sub3A_82 = arith.constant 26 : i32
    %sub3A_83 = arith.subi %shift_right_arithmetic3A_75, %sub3A_82 : i32
    %mul3A_84 = arith.constant 2 : i32
    %mul3A_85 = arith.muli %mul3A_84, %sub3A_83 : i32
    %select_n3A_86 = arith.select %ge3A_81, %mul3A_85, %shift_right_arithmetic3A_75 : i32
    %mul3A_87 = arith.constant 2 : i32
    %mul3A_88 = arith.muli %mul3A_87, %sub3A_83 : i32
    %add3A_89 = arith.constant 1 : i32
    %add3A_90 = arith.addi %mul3A_88, %add3A_89 : i32
    %select_n3A_91 = arith.select %ge3A_81, %add3A_90, %shift_right_arithmetic3A_75 : i32
    %dma_start3A_92 = arith.constant 0 : i32
    %dma_start3A_93 = arith.constant 0 : i32
    %dma_start3A_94 = tpu.memref_slice %arg7[%dma_start3A_92, %dma_start3A_93] : memref<2x256xi32, #tpu.memory_space<vmem>> -> memref<1x256xi32, #tpu.memory_space<vmem>>
    %dma_start3A_95 = tpu.memref_slice %arg2[%select_n3A_86, %mul3A_79] : memref<26x16384xi32, #tpu.memory_space<hbm>> -> memref<1x256xi32, #tpu.memory_space<hbm>>
    %dma_start3A_96 = arith.constant 0 : i32
    %dma_start3A_97 = arith.constant 0 : i32
    %dma_start3A_98 = tpu.memref_slice %arg7[%dma_start3A_96, %dma_start3A_97] : memref<2x256xi32, #tpu.memory_space<vmem>> -> memref<1x256xi32, #tpu.memory_space<vmem>>
    %dma_start3A_99 = tpu.memref_slice %arg2[%select_n3A_86, %mul3A_79] : memref<26x16384xi32, #tpu.memory_space<hbm>> -> memref<1x256xi32, #tpu.memory_space<hbm>>
    tpu.enqueue_dma source(%dma_start3A_99 : memref<1x256xi32, #tpu.memory_space<hbm>>) target(%dma_start3A_98 : memref<1x256xi32, #tpu.memory_space<vmem>>) target_semaphore(%arg17 : memref<!tpu.dma_semaphore, #tpu.memory_space<semaphore_mem>>)
    %dma_start3A_100 = arith.constant 1 : i32
    %dma_start3A_101 = arith.constant 0 : i32
    %dma_start3A_102 = tpu.memref_slice %arg7[%dma_start3A_100, %dma_start3A_101] : memref<2x256xi32, #tpu.memory_space<vmem>> -> memref<1x256xi32, #tpu.memory_space<vmem>>
    %dma_start3A_103 = tpu.memref_slice %arg2[%select_n3A_91, %mul3A_79] : memref<26x16384xi32, #tpu.memory_space<hbm>> -> memref<1x256xi32, #tpu.memory_space<hbm>>
    %dma_start3A_104 = arith.constant 1 : i32
    %dma_start3A_105 = arith.constant 0 : i32
    %dma_start3A_106 = tpu.memref_slice %arg7[%dma_start3A_104, %dma_start3A_105] : memref<2x256xi32, #tpu.memory_space<vmem>> -> memref<1x256xi32, #tpu.memory_space<vmem>>
    %dma_start3A_107 = tpu.memref_slice %arg2[%select_n3A_91, %mul3A_79] : memref<26x16384xi32, #tpu.memory_space<hbm>> -> memref<1x256xi32, #tpu.memory_space<hbm>>
    tpu.enqueue_dma source(%dma_start3A_107 : memref<1x256xi32, #tpu.memory_space<hbm>>) target(%dma_start3A_106 : memref<1x256xi32, #tpu.memory_space<vmem>>) target_semaphore(%arg17 : memref<!tpu.dma_semaphore, #tpu.memory_space<semaphore_mem>>)
    %scan3A = arith.constant 0 : i32
    %scan3A_108 = arith.constant 256 : i32
    %scan3A_109 = arith.addi %scan3A, %scan3A_108 : i32
    %scan3A_110 = arith.constant 1 : i32
    scf.for %scan3A_282 = %scan3A to %scan3A_109 step %scan3A_110  : i32 {
      %mul3A_283 = arith.constant 8 : i32
      %mul3A_284 = arith.muli %scan3A_282, %mul3A_283 : i32
      %add3A_285 = arith.constant 0 : i32
      %add3A_286 = arith.addi %mul3A_284, %add3A_285 : i32
      %shift_right_arithmetic3A_287 = arith.constant 4 : i32
      %shift_right_arithmetic3A_288 = arith.shrsi %add3A_286, %shift_right_arithmetic3A_287 : i32
      %and3A_289 = arith.constant 15 : i32
      %and3A_290 = arith.andi %add3A_286, %and3A_289 : i32
      %mul3A_291 = arith.constant 16 : i32
      %mul3A_292 = arith.muli %and3A_290, %mul3A_291 : i32
      %swap3A_293 = arith.index_cast %shift_right_arithmetic3A_288 : i32 to index
      %swap3A_294 = arith.index_cast %mul3A_292 : i32 to index
      %swap3A_295 = tpu.vector_load %arg8[%swap3A_293, %swap3A_294] {strides = array<i32>} : memref<128x256xf32, #tpu.memory_space<vmem>>, vector<16xf32>,
      tpu.vector_store %arg8[%swap3A_293, %swap3A_294], %broadcast_in_dim3A_3 {strides = array<i32>} : memref<128x256xf32, #tpu.memory_space<vmem>>, vector<16xf32>,
      %shift_right_arithmetic3A_296 = arith.constant 4 : i32
      %shift_right_arithmetic3A_297 = arith.shrsi %add3A_286, %shift_right_arithmetic3A_296 : i32
      %and3A_298 = arith.constant 15 : i32
      %and3A_299 = arith.andi %add3A_286, %and3A_298 : i32
      %mul3A_300 = arith.constant 16 : i32
      %mul3A_301 = arith.muli %and3A_299, %mul3A_300 : i32
      %swap3A_302 = arith.index_cast %shift_right_arithmetic3A_297 : i32 to index
      %swap3A_303 = arith.index_cast %mul3A_301 : i32 to index
      %swap3A_304 = tpu.vector_load %arg9[%swap3A_302, %swap3A_303] {strides = array<i32>} : memref<128x256xf32, #tpu.memory_space<vmem>>, vector<16xf32>,
      tpu.vector_store %arg9[%swap3A_302, %swap3A_303], %broadcast_in_dim3A_3 {strides = array<i32>} : memref<128x256xf32, #tpu.memory_space<vmem>>, vector<16xf32>,
      %shift_right_arithmetic3A_305 = arith.constant 4 : i32
      %shift_right_arithmetic3A_306 = arith.shrsi %add3A_286, %shift_right_arithmetic3A_305 : i32
      %and3A_307 = arith.constant 15 : i32
      %and3A_308 = arith.andi %add3A_286, %and3A_307 : i32
      %mul3A_309 = arith.constant 16 : i32
      %mul3A_310 = arith.muli %and3A_308, %mul3A_309 : i32
      %swap3A_311 = arith.index_cast %shift_right_arithmetic3A_306 : i32 to index
      %swap3A_312 = arith.index_cast %mul3A_310 : i32 to index
      %swap3A_313 = tpu.vector_load %arg10[%swap3A_311, %swap3A_312] {strides = array<i32>} : memref<128x256xf32, #tpu.memory_space<vmem>>, vector<16xf32>,
      tpu.vector_store %arg10[%swap3A_311, %swap3A_312], %broadcast_in_dim3A_3 {strides = array<i32>} : memref<128x256xf32, #tpu.memory_space<vmem>>, vector<16xf32>,
      %mul3A_314 = arith.constant 8 : i32
      %mul3A_315 = arith.muli %scan3A_282, %mul3A_314 : i32
      %add3A_316 = arith.constant 1 : i32
      %add3A_317 = arith.addi %mul3A_315, %add3A_316 : i32
      %shift_right_arithmetic3A_318 = arith.constant 4 : i32
      %shift_right_arithmetic3A_319 = arith.shrsi %add3A_317, %shift_right_arithmetic3A_318 : i32
      %and3A_320 = arith.constant 15 : i32
      %and3A_321 = arith.andi %add3A_317, %and3A_320 : i32
      %mul3A_322 = arith.constant 16 : i32
      %mul3A_323 = arith.muli %and3A_321, %mul3A_322 : i32
      %swap3A_324 = arith.index_cast %shift_right_arithmetic3A_319 : i32 to index
      %swap3A_325 = arith.index_cast %mul3A_323 : i32 to index
      %swap3A_326 = tpu.vector_load %arg8[%swap3A_324, %swap3A_325] {strides = array<i32>} : memref<128x256xf32, #tpu.memory_space<vmem>>, vector<16xf32>,
      tpu.vector_store %arg8[%swap3A_324, %swap3A_325], %broadcast_in_dim3A_3 {strides = array<i32>} : memref<128x256xf32, #tpu.memory_space<vmem>>, vector<16xf32>,
      %shift_right_arithmetic3A_327 = arith.constant 4 : i32
      %shift_right_arithmetic3A_328 = arith.shrsi %add3A_317, %shift_right_arithmetic3A_327 : i32
      %and3A_329 = arith.constant 15 : i32
      %and3A_330 = arith.andi %add3A_317, %and3A_329 : i32
      %mul3A_331 = arith.constant 16 : i32
      %mul3A_332 = arith.muli %and3A_330, %mul3A_331 : i32
      %swap3A_333 = arith.index_cast %shift_right_arithmetic3A_328 : i32 to index
      %swap3A_334 = arith.index_cast %mul3A_332 : i32 to index
      %swap3A_335 = tpu.vector_load %arg9[%swap3A_333, %swap3A_334] {strides = array<i32>} : memref<128x256xf32, #tpu.memory_space<vmem>>, vector<16xf32>,
      tpu.vector_store %arg9[%swap3A_333, %swap3A_334], %broadcast_in_dim3A_3 {strides = array<i32>} : memref<128x256xf32, #tpu.memory_space<vmem>>, vector<16xf32>,
      %shift_right_arithmetic3A_336 = arith.constant 4 : i32
      %shift_right_arithmetic3A_337 = arith.shrsi %add3A_317, %shift_right_arithmetic3A_336 : i32
      %and3A_338 = arith.constant 15 : i32
      %and3A_339 = arith.andi %add3A_317, %and3A_338 : i32
      %mul3A_340 = arith.constant 16 : i32
      %mul3A_341 = arith.muli %and3A_339, %mul3A_340 : i32
      %swap3A_342 = arith.index_cast %shift_right_arithmetic3A_337 : i32 to index
      %swap3A_343 = arith.index_cast %mul3A_341 : i32 to index
      %swap3A_344 = tpu.vector_load %arg10[%swap3A_342, %swap3A_343] {strides = array<i32>} : memref<128x256xf32, #tpu.memory_space<vmem>>, vector<16xf32>,
      tpu.vector_store %arg10[%swap3A_342, %swap3A_343], %broadcast_in_dim3A_3 {strides = array<i32>} : memref<128x256xf32, #tpu.memory_space<vmem>>, vector<16xf32>,
      %mul3A_345 = arith.constant 8 : i32
      %mul3A_346 = arith.muli %scan3A_282, %mul3A_345 : i32
      %add3A_347 = arith.constant 2 : i32
      %add3A_348 = arith.addi %mul3A_346, %add3A_347 : i32
      %shift_right_arithmetic3A_349 = arith.constant 4 : i32
      %shift_right_arithmetic3A_350 = arith.shrsi %add3A_348, %shift_right_arithmetic3A_349 : i32
      %and3A_351 = arith.constant 15 : i32
      %and3A_352 = arith.andi %add3A_348, %and3A_351 : i32
      %mul3A_353 = arith.constant 16 : i32
      %mul3A_354 = arith.muli %and3A_352, %mul3A_353 : i32
      %swap3A_355 = arith.index_cast %shift_right_arithmetic3A_350 : i32 to index
      %swap3A_356 = arith.index_cast %mul3A_354 : i32 to index
      %swap3A_357 = tpu.vector_load %arg8[%swap3A_355, %swap3A_356] {strides = array<i32>} : memref<128x256xf32, #tpu.memory_space<vmem>>, vector<16xf32>,
      tpu.vector_store %arg8[%swap3A_355, %swap3A_356], %broadcast_in_dim3A_3 {strides = array<i32>} : memref<128x256xf32, #tpu.memory_space<vmem>>, vector<16xf32>,
      %shift_right_arithmetic3A_358 = arith.constant 4 : i32
      %shift_right_arithmetic3A_359 = arith.shrsi %add3A_348, %shift_right_arithmetic3A_358 : i32
      %and3A_360 = arith.constant 15 : i32
      %and3A_361 = arith.andi %add3A_348, %and3A_360 : i32
      %mul3A_362 = arith.constant 16 : i32
      %mul3A_363 = arith.muli %and3A_361, %mul3A_362 : i32
      %swap3A_364 = arith.index_cast %shift_right_arithmetic3A_359 : i32 to index
      %swap3A_365 = arith.index_cast %mul3A_363 : i32 to index
      %swap3A_366 = tpu.vector_load %arg9[%swap3A_364, %swap3A_365] {strides = array<i32>} : memref<128x256xf32, #tpu.memory_space<vmem>>, vector<16xf32>,
      tpu.vector_store %arg9[%swap3A_364, %swap3A_365], %broadcast_in_dim3A_3 {strides = array<i32>} : memref<128x256xf32, #tpu.memory_space<vmem>>, vector<16xf32>,
      %shift_right_arithmetic3A_367 = arith.constant 4 : i32
      %shift_right_arithmetic3A_368 = arith.shrsi %add3A_348, %shift_right_arithmetic3A_367 : i32
      %and3A_369 = arith.constant 15 : i32
      %and3A_370 = arith.andi %add3A_348, %and3A_369 : i32
      %mul3A_371 = arith.constant 16 : i32
      %mul3A_372 = arith.muli %and3A_370, %mul3A_371 : i32
      %swap3A_373 = arith.index_cast %shift_right_arithmetic3A_368 : i32 to index
      %swap3A_374 = arith.index_cast %mul3A_372 : i32 to index
      %swap3A_375 = tpu.vector_load %arg10[%swap3A_373, %swap3A_374] {strides = array<i32>} : memref<128x256xf32, #tpu.memory_space<vmem>>, vector<16xf32>,
      tpu.vector_store %arg10[%swap3A_373, %swap3A_374], %broadcast_in_dim3A_3 {strides = array<i32>} : memref<128x256xf32, #tpu.memory_space<vmem>>, vector<16xf32>,
      %mul3A_376 = arith.constant 8 : i32
      %mul3A_377 = arith.muli %scan3A_282, %mul3A_376 : i32
      %add3A_378 = arith.constant 3 : i32
      %add3A_379 = arith.addi %mul3A_377, %add3A_378 : i32
      %shift_right_arithmetic3A_380 = arith.constant 4 : i32
      %shift_right_arithmetic3A_381 = arith.shrsi %add3A_379, %shift_right_arithmetic3A_380 : i32
      %and3A_382 = arith.constant 15 : i32
      %and3A_383 = arith.andi %add3A_379, %and3A_382 : i32
      %mul3A_384 = arith.constant 16 : i32
      %mul3A_385 = arith.muli %and3A_383, %mul3A_384 : i32
      %swap3A_386 = arith.index_cast %shift_right_arithmetic3A_381 : i32 to index
      %swap3A_387 = arith.index_cast %mul3A_385 : i32 to index
      %swap3A_388 = tpu.vector_load %arg8[%swap3A_386, %swap3A_387] {strides = array<i32>} : memref<128x256xf32, #tpu.memory_space<vmem>>, vector<16xf32>,
      tpu.vector_store %arg8[%swap3A_386, %swap3A_387], %broadcast_in_dim3A_3 {strides = array<i32>} : memref<128x256xf32, #tpu.memory_space<vmem>>, vector<16xf32>,
      %shift_right_arithmetic3A_389 = arith.constant 4 : i32
      %shift_right_arithmetic3A_390 = arith.shrsi %add3A_379, %shift_right_arithmetic3A_389 : i32
      %and3A_391 = arith.constant 15 : i32
      %and3A_392 = arith.andi %add3A_379, %and3A_391 : i32
      %mul3A_393 = arith.constant 16 : i32
      %mul3A_394 = arith.muli %and3A_392, %mul3A_393 : i32
      %swap3A_395 = arith.index_cast %shift_right_arithmetic3A_390 : i32 to index
      %swap3A_396 = arith.index_cast %mul3A_394 : i32 to index
      %swap3A_397 = tpu.vector_load %arg9[%swap3A_395, %swap3A_396] {strides = array<i32>} : memref<128x256xf32, #tpu.memory_space<vmem>>, vector<16xf32>,
      tpu.vector_store %arg9[%swap3A_395, %swap3A_396], %broadcast_in_dim3A_3 {strides = array<i32>} : memref<128x256xf32, #tpu.memory_space<vmem>>, vector<16xf32>,
      %shift_right_arithmetic3A_398 = arith.constant 4 : i32
      %shift_right_arithmetic3A_399 = arith.shrsi %add3A_379, %shift_right_arithmetic3A_398 : i32
      %and3A_400 = arith.constant 15 : i32
      %and3A_401 = arith.andi %add3A_379, %and3A_400 : i32
      %mul3A_402 = arith.constant 16 : i32
      %mul3A_403 = arith.muli %and3A_401, %mul3A_402 : i32
      %swap3A_404 = arith.index_cast %shift_right_arithmetic3A_399 : i32 to index
      %swap3A_405 = arith.index_cast %mul3A_403 : i32 to index
      %swap3A_406 = tpu.vector_load %arg10[%swap3A_404, %swap3A_405] {strides = array<i32>} : memref<128x256xf32, #tpu.memory_space<vmem>>, vector<16xf32>,
      tpu.vector_store %arg10[%swap3A_404, %swap3A_405], %broadcast_in_dim3A_3 {strides = array<i32>} : memref<128x256xf32, #tpu.memory_space<vmem>>, vector<16xf32>,
      %mul3A_407 = arith.constant 8 : i32
      %mul3A_408 = arith.muli %scan3A_282, %mul3A_407 : i32
      %add3A_409 = arith.constant 4 : i32
      %add3A_410 = arith.addi %mul3A_408, %add3A_409 : i32
      %shift_right_arithmetic3A_411 = arith.constant 4 : i32
      %shift_right_arithmetic3A_412 = arith.shrsi %add3A_410, %shift_right_arithmetic3A_411 : i32
      %and3A_413 = arith.constant 15 : i32
      %and3A_414 = arith.andi %add3A_410, %and3A_413 : i32
      %mul3A_415 = arith.constant 16 : i32
      %mul3A_416 = arith.muli %and3A_414, %mul3A_415 : i32
      %swap3A_417 = arith.index_cast %shift_right_arithmetic3A_412 : i32 to index
      %swap3A_418 = arith.index_cast %mul3A_416 : i32 to index
      %swap3A_419 = tpu.vector_load %arg8[%swap3A_417, %swap3A_418] {strides = array<i32>} : memref<128x256xf32, #tpu.memory_space<vmem>>, vector<16xf32>,
      tpu.vector_store %arg8[%swap3A_417, %swap3A_418], %broadcast_in_dim3A_3 {strides = array<i32>} : memref<128x256xf32, #tpu.memory_space<vmem>>, vector<16xf32>,
      %shift_right_arithmetic3A_420 = arith.constant 4 : i32
      %shift_right_arithmetic3A_421 = arith.shrsi %add3A_410, %shift_right_arithmetic3A_420 : i32
      %and3A_422 = arith.constant 15 : i32
      %and3A_423 = arith.andi %add3A_410, %and3A_422 : i32
      %mul3A_424 = arith.constant 16 : i32
      %mul3A_425 = arith.muli %and3A_423, %mul3A_424 : i32
      %swap3A_426 = arith.index_cast %shift_right_arithmetic3A_421 : i32 to index
      %swap3A_427 = arith.index_cast %mul3A_425 : i32 to index
      %swap3A_428 = tpu.vector_load %arg9[%swap3A_426, %swap3A_427] {strides = array<i32>} : memref<128x256xf32, #tpu.memory_space<vmem>>, vector<16xf32>,
      tpu.vector_store %arg9[%swap3A_426, %swap3A_427], %broadcast_in_dim3A_3 {strides = array<i32>} : memref<128x256xf32, #tpu.memory_space<vmem>>, vector<16xf32>,
      %shift_right_arithmetic3A_429 = arith.constant 4 : i32
      %shift_right_arithmetic3A_430 = arith.shrsi %add3A_410, %shift_right_arithmetic3A_429 : i32
      %and3A_431 = arith.constant 15 : i32
      %and3A_432 = arith.andi %add3A_410, %and3A_431 : i32
      %mul3A_433 = arith.constant 16 : i32
      %mul3A_434 = arith.muli %and3A_432, %mul3A_433 : i32
      %swap3A_435 = arith.index_cast %shift_right_arithmetic3A_430 : i32 to index
      %swap3A_436 = arith.index_cast %mul3A_434 : i32 to index
      %swap3A_437 = tpu.vector_load %arg10[%swap3A_435, %swap3A_436] {strides = array<i32>} : memref<128x256xf32, #tpu.memory_space<vmem>>, vector<16xf32>,
      tpu.vector_store %arg10[%swap3A_435, %swap3A_436], %broadcast_in_dim3A_3 {strides = array<i32>} : memref<128x256xf32, #tpu.memory_space<vmem>>, vector<16xf32>,
      %mul3A_438 = arith.constant 8 : i32
      %mul3A_439 = arith.muli %scan3A_282, %mul3A_438 : i32
      %add3A_440 = arith.constant 5 : i32
      %add3A_441 = arith.addi %mul3A_439, %add3A_440 : i32
      %shift_right_arithmetic3A_442 = arith.constant 4 : i32
      %shift_right_arithmetic3A_443 = arith.shrsi %add3A_441, %shift_right_arithmetic3A_442 : i32
      %and3A_444 = arith.constant 15 : i32
      %and3A_445 = arith.andi %add3A_441, %and3A_444 : i32
      %mul3A_446 = arith.constant 16 : i32
      %mul3A_447 = arith.muli %and3A_445, %mul3A_446 : i32
      %swap3A_448 = arith.index_cast %shift_right_arithmetic3A_443 : i32 to index
      %swap3A_449 = arith.index_cast %mul3A_447 : i32 to index
      %swap3A_450 = tpu.vector_load %arg8[%swap3A_448, %swap3A_449] {strides = array<i32>} : memref<128x256xf32, #tpu.memory_space<vmem>>, vector<16xf32>,
      tpu.vector_store %arg8[%swap3A_448, %swap3A_449], %broadcast_in_dim3A_3 {strides = array<i32>} : memref<128x256xf32, #tpu.memory_space<vmem>>, vector<16xf32>,
      %shift_right_arithmetic3A_451 = arith.constant 4 : i32
      %shift_right_arithmetic3A_452 = arith.shrsi %add3A_441, %shift_right_arithmetic3A_451 : i32
      %and3A_453 = arith.constant 15 : i32
      %and3A_454 = arith.andi %add3A_441, %and3A_453 : i32
      %mul3A_455 = arith.constant 16 : i32
      %mul3A_456 = arith.muli %and3A_454, %mul3A_455 : i32
      %swap3A_457 = arith.index_cast %shift_right_arithmetic3A_452 : i32 to index
      %swap3A_458 = arith.index_cast %mul3A_456 : i32 to index
      %swap3A_459 = tpu.vector_load %arg9[%swap3A_457, %swap3A_458] {strides = array<i32>} : memref<128x256xf32, #tpu.memory_space<vmem>>, vector<16xf32>,
      tpu.vector_store %arg9[%swap3A_457, %swap3A_458], %broadcast_in_dim3A_3 {strides = array<i32>} : memref<128x256xf32, #tpu.memory_space<vmem>>, vector<16xf32>,
      %shift_right_arithmetic3A_460 = arith.constant 4 : i32
      %shift_right_arithmetic3A_461 = arith.shrsi %add3A_441, %shift_right_arithmetic3A_460 : i32
      %and3A_462 = arith.constant 15 : i32
      %and3A_463 = arith.andi %add3A_441, %and3A_462 : i32
      %mul3A_464 = arith.constant 16 : i32
      %mul3A_465 = arith.muli %and3A_463, %mul3A_464 : i32
      %swap3A_466 = arith.index_cast %shift_right_arithmetic3A_461 : i32 to index
      %swap3A_467 = arith.index_cast %mul3A_465 : i32 to index
      %swap3A_468 = tpu.vector_load %arg10[%swap3A_466, %swap3A_467] {strides = array<i32>} : memref<128x256xf32, #tpu.memory_space<vmem>>, vector<16xf32>,
      tpu.vector_store %arg10[%swap3A_466, %swap3A_467], %broadcast_in_dim3A_3 {strides = array<i32>} : memref<128x256xf32, #tpu.memory_space<vmem>>, vector<16xf32>,
      %mul3A_469 = arith.constant 8 : i32
      %mul3A_470 = arith.muli %scan3A_282, %mul3A_469 : i32
      %add3A_471 = arith.constant 6 : i32
      %add3A_472 = arith.addi %mul3A_470, %add3A_471 : i32
      %shift_right_arithmetic3A_473 = arith.constant 4 : i32
      %shift_right_arithmetic3A_474 = arith.shrsi %add3A_472, %shift_right_arithmetic3A_473 : i32
      %and3A_475 = arith.constant 15 : i32
      %and3A_476 = arith.andi %add3A_472, %and3A_475 : i32
      %mul3A_477 = arith.constant 16 : i32
      %mul3A_478 = arith.muli %and3A_476, %mul3A_477 : i32
      %swap3A_479 = arith.index_cast %shift_right_arithmetic3A_474 : i32 to index
      %swap3A_480 = arith.index_cast %mul3A_478 : i32 to index
      %swap3A_481 = tpu.vector_load %arg8[%swap3A_479, %swap3A_480] {strides = array<i32>} : memref<128x256xf32, #tpu.memory_space<vmem>>, vector<16xf32>,
      tpu.vector_store %arg8[%swap3A_479, %swap3A_480], %broadcast_in_dim3A_3 {strides = array<i32>} : memref<128x256xf32, #tpu.memory_space<vmem>>, vector<16xf32>,
      %shift_right_arithmetic3A_482 = arith.constant 4 : i32
      %shift_right_arithmetic3A_483 = arith.shrsi %add3A_472, %shift_right_arithmetic3A_482 : i32
      %and3A_484 = arith.constant 15 : i32
      %and3A_485 = arith.andi %add3A_472, %and3A_484 : i32
      %mul3A_486 = arith.constant 16 : i32
      %mul3A_487 = arith.muli %and3A_485, %mul3A_486 : i32
      %swap3A_488 = arith.index_cast %shift_right_arithmetic3A_483 : i32 to index
      %swap3A_489 = arith.index_cast %mul3A_487 : i32 to index
      %swap3A_490 = tpu.vector_load %arg9[%swap3A_488, %swap3A_489] {strides = array<i32>} : memref<128x256xf32, #tpu.memory_space<vmem>>, vector<16xf32>,
      tpu.vector_store %arg9[%swap3A_488, %swap3A_489], %broadcast_in_dim3A_3 {strides = array<i32>} : memref<128x256xf32, #tpu.memory_space<vmem>>, vector<16xf32>,
      %shift_right_arithmetic3A_491 = arith.constant 4 : i32
      %shift_right_arithmetic3A_492 = arith.shrsi %add3A_472, %shift_right_arithmetic3A_491 : i32
      %and3A_493 = arith.constant 15 : i32
      %and3A_494 = arith.andi %add3A_472, %and3A_493 : i32
      %mul3A_495 = arith.constant 16 : i32
      %mul3A_496 = arith.muli %and3A_494, %mul3A_495 : i32
      %swap3A_497 = arith.index_cast %shift_right_arithmetic3A_492 : i32 to index
      %swap3A_498 = arith.index_cast %mul3A_496 : i32 to index
      %swap3A_499 = tpu.vector_load %arg10[%swap3A_497, %swap3A_498] {strides = array<i32>} : memref<128x256xf32, #tpu.memory_space<vmem>>, vector<16xf32>,
      tpu.vector_store %arg10[%swap3A_497, %swap3A_498], %broadcast_in_dim3A_3 {strides = array<i32>} : memref<128x256xf32, #tpu.memory_space<vmem>>, vector<16xf32>,
      %mul3A_500 = arith.constant 8 : i32
      %mul3A_501 = arith.muli %scan3A_282, %mul3A_500 : i32
      %add3A_502 = arith.constant 7 : i32
      %add3A_503 = arith.addi %mul3A_501, %add3A_502 : i32
      %shift_right_arithmetic3A_504 = arith.constant 4 : i32
      %shift_right_arithmetic3A_505 = arith.shrsi %add3A_503, %shift_right_arithmetic3A_504 : i32
      %and3A_506 = arith.constant 15 : i32
      %and3A_507 = arith.andi %add3A_503, %and3A_506 : i32
      %mul3A_508 = arith.constant 16 : i32
      %mul3A_509 = arith.muli %and3A_507, %mul3A_508 : i32
      %swap3A_510 = arith.index_cast %shift_right_arithmetic3A_505 : i32 to index
      %swap3A_511 = arith.index_cast %mul3A_509 : i32 to index
      %swap3A_512 = tpu.vector_load %arg8[%swap3A_510, %swap3A_511] {strides = array<i32>} : memref<128x256xf32, #tpu.memory_space<vmem>>, vector<16xf32>,
      tpu.vector_store %arg8[%swap3A_510, %swap3A_511], %broadcast_in_dim3A_3 {strides = array<i32>} : memref<128x256xf32, #tpu.memory_space<vmem>>, vector<16xf32>,
      %shift_right_arithmetic3A_513 = arith.constant 4 : i32
      %shift_right_arithmetic3A_514 = arith.shrsi %add3A_503, %shift_right_arithmetic3A_513 : i32
      %and3A_515 = arith.constant 15 : i32
      %and3A_516 = arith.andi %add3A_503, %and3A_515 : i32
      %mul3A_517 = arith.constant 16 : i32
      %mul3A_518 = arith.muli %and3A_516, %mul3A_517 : i32
      %swap3A_519 = arith.index_cast %shift_right_arithmetic3A_514 : i32 to index
      %swap3A_520 = arith.index_cast %mul3A_518 : i32 to index
      %swap3A_521 = tpu.vector_load %arg9[%swap3A_519, %swap3A_520] {strides = array<i32>} : memref<128x256xf32, #tpu.memory_space<vmem>>, vector<16xf32>,
      tpu.vector_store %arg9[%swap3A_519, %swap3A_520], %broadcast_in_dim3A_3 {strides = array<i32>} : memref<128x256xf32, #tpu.memory_space<vmem>>, vector<16xf32>,
      %shift_right_arithmetic3A_522 = arith.constant 4 : i32
      %shift_right_arithmetic3A_523 = arith.shrsi %add3A_503, %shift_right_arithmetic3A_522 : i32
      %and3A_524 = arith.constant 15 : i32
      %and3A_525 = arith.andi %add3A_503, %and3A_524 : i32
      %mul3A_526 = arith.constant 16 : i32
      %mul3A_527 = arith.muli %and3A_525, %mul3A_526 : i32
      %swap3A_528 = arith.index_cast %shift_right_arithmetic3A_523 : i32 to index
      %swap3A_529 = arith.index_cast %mul3A_527 : i32 to index
      %swap3A_530 = tpu.vector_load %arg10[%swap3A_528, %swap3A_529] {strides = array<i32>} : memref<128x256xf32, #tpu.memory_space<vmem>>, vector<16xf32>,
      tpu.vector_store %arg10[%swap3A_528, %swap3A_529], %broadcast_in_dim3A_3 {strides = array<i32>} : memref<128x256xf32, #tpu.memory_space<vmem>>, vector<16xf32>,
    }
    %scan3A_111 = arith.constant 256 : i32
    %swap3A = arith.constant 0 : index
    %swap3A_112 = tpu.vector_load %arg11[%swap3A] {strides = array<i32>} : memref<256xi32, #tpu.memory_space<vmem>>, vector<16xi32>,
    tpu.vector_store %arg11[%swap3A], %broadcast_in_dim3A_5 {strides = array<i32>} : memref<256xi32, #tpu.memory_space<vmem>>, vector<16xi32>,
    %swap3A_113 = arith.constant 0 : index
    %swap3A_114 = tpu.vector_load %arg12[%swap3A_113] {strides = array<i32>} : memref<256xi32, #tpu.memory_space<vmem>>, vector<16xi32>,
    tpu.vector_store %arg12[%swap3A_113], %broadcast_in_dim3A_5 {strides = array<i32>} : memref<256xi32, #tpu.memory_space<vmem>>, vector<16xi32>,
    %swap3A_115 = arith.constant 0 : index
    %swap3A_116 = tpu.vector_load %arg13[%swap3A_115] {strides = array<i32>} : memref<256xi32, #tpu.memory_space<vmem>>, vector<16xi32>,
    tpu.vector_store %arg13[%swap3A_115], %broadcast_in_dim3A_5 {strides = array<i32>} : memref<256xi32, #tpu.memory_space<vmem>>, vector<16xi32>,
    %swap3A_117 = arith.constant 16 : index
    %swap3A_118 = tpu.vector_load %arg11[%swap3A_117] {strides = array<i32>} : memref<256xi32, #tpu.memory_space<vmem>>, vector<16xi32>,
    tpu.vector_store %arg11[%swap3A_117], %broadcast_in_dim3A_5 {strides = array<i32>} : memref<256xi32, #tpu.memory_space<vmem>>, vector<16xi32>,
    %swap3A_119 = arith.constant 16 : index
    %swap3A_120 = tpu.vector_load %arg12[%swap3A_119] {strides = array<i32>} : memref<256xi32, #tpu.memory_space<vmem>>, vector<16xi32>,
    tpu.vector_store %arg12[%swap3A_119], %broadcast_in_dim3A_5 {strides = array<i32>} : memref<256xi32, #tpu.memory_space<vmem>>, vector<16xi32>,
    %swap3A_121 = arith.constant 16 : index
    %swap3A_122 = tpu.vector_load %arg13[%swap3A_121] {strides = array<i32>} : memref<256xi32, #tpu.memory_space<vmem>>, vector<16xi32>,
    tpu.vector_store %arg13[%swap3A_121], %broadcast_in_dim3A_5 {strides = array<i32>} : memref<256xi32, #tpu.memory_space<vmem>>, vector<16xi32>,
    %swap3A_123 = arith.constant 32 : index
    %swap3A_124 = tpu.vector_load %arg11[%swap3A_123] {strides = array<i32>} : memref<256xi32, #tpu.memory_space<vmem>>, vector<16xi32>,
    tpu.vector_store %arg11[%swap3A_123], %broadcast_in_dim3A_5 {strides = array<i32>} : memref<256xi32, #tpu.memory_space<vmem>>, vector<16xi32>,
    %swap3A_125 = arith.constant 32 : index
    %swap3A_126 = tpu.vector_load %arg12[%swap3A_125] {strides = array<i32>} : memref<256xi32, #tpu.memory_space<vmem>>, vector<16xi32>,
    tpu.vector_store %arg12[%swap3A_125], %broadcast_in_dim3A_5 {strides = array<i32>} : memref<256xi32, #tpu.memory_space<vmem>>, vector<16xi32>,
    %swap3A_127 = arith.constant 32 : index
    %swap3A_128 = tpu.vector_load %arg13[%swap3A_127] {strides = array<i32>} : memref<256xi32, #tpu.memory_space<vmem>>, vector<16xi32>,
    tpu.vector_store %arg13[%swap3A_127], %broadcast_in_dim3A_5 {strides = array<i32>} : memref<256xi32, #tpu.memory_space<vmem>>, vector<16xi32>,
    %swap3A_129 = arith.constant 48 : index
    %swap3A_130 = tpu.vector_load %arg11[%swap3A_129] {strides = array<i32>} : memref<256xi32, #tpu.memory_space<vmem>>, vector<16xi32>,
    tpu.vector_store %arg11[%swap3A_129], %broadcast_in_dim3A_5 {strides = array<i32>} : memref<256xi32, #tpu.memory_space<vmem>>, vector<16xi32>,
    %swap3A_131 = arith.constant 48 : index
    %swap3A_132 = tpu.vector_load %arg12[%swap3A_131] {strides = array<i32>} : memref<256xi32, #tpu.memory_space<vmem>>, vector<16xi32>,
    tpu.vector_store %arg12[%swap3A_131], %broadcast_in_dim3A_5 {strides = array<i32>} : memref<256xi32, #tpu.memory_space<vmem>>, vector<16xi32>,
    %swap3A_133 = arith.constant 48 : index
    %swap3A_134 = tpu.vector_load %arg13[%swap3A_133] {strides = array<i32>} : memref<256xi32, #tpu.memory_space<vmem>>, vector<16xi32>,
    tpu.vector_store %arg13[%swap3A_133], %broadcast_in_dim3A_5 {strides = array<i32>} : memref<256xi32, #tpu.memory_space<vmem>>, vector<16xi32>,
    %swap3A_135 = arith.constant 64 : index
    %swap3A_136 = tpu.vector_load %arg11[%swap3A_135] {strides = array<i32>} : memref<256xi32, #tpu.memory_space<vmem>>, vector<16xi32>,
    tpu.vector_store %arg11[%swap3A_135], %broadcast_in_dim3A_5 {strides = array<i32>} : memref<256xi32, #tpu.memory_space<vmem>>, vector<16xi32>,
    %swap3A_137 = arith.constant 64 : index
    %swap3A_138 = tpu.vector_load %arg12[%swap3A_137] {strides = array<i32>} : memref<256xi32, #tpu.memory_space<vmem>>, vector<16xi32>,
    tpu.vector_store %arg12[%swap3A_137], %broadcast_in_dim3A_5 {strides = array<i32>} : memref<256xi32, #tpu.memory_space<vmem>>, vector<16xi32>,
    %swap3A_139 = arith.constant 64 : index
    %swap3A_140 = tpu.vector_load %arg13[%swap3A_139] {strides = array<i32>} : memref<256xi32, #tpu.memory_space<vmem>>, vector<16xi32>,
    tpu.vector_store %arg13[%swap3A_139], %broadcast_in_dim3A_5 {strides = array<i32>} : memref<256xi32, #tpu.memory_space<vmem>>, vector<16xi32>,
    %swap3A_141 = arith.constant 80 : index
    %swap3A_142 = tpu.vector_load %arg11[%swap3A_141] {strides = array<i32>} : memref<256xi32, #tpu.memory_space<vmem>>, vector<16xi32>,
    tpu.vector_store %arg11[%swap3A_141], %broadcast_in_dim3A_5 {strides = array<i32>} : memref<256xi32, #tpu.memory_space<vmem>>, vector<16xi32>,
    %swap3A_143 = arith.constant 80 : index
    %swap3A_144 = tpu.vector_load %arg12[%swap3A_143] {strides = array<i32>} : memref<256xi32, #tpu.memory_space<vmem>>, vector<16xi32>,
    tpu.vector_store %arg12[%swap3A_143], %broadcast_in_dim3A_5 {strides = array<i32>} : memref<256xi32, #tpu.memory_space<vmem>>, vector<16xi32>,
    %swap3A_145 = arith.constant 80 : index
    %swap3A_146 = tpu.vector_load %arg13[%swap3A_145] {strides = array<i32>} : memref<256xi32, #tpu.memory_space<vmem>>, vector<16xi32>,
    tpu.vector_store %arg13[%swap3A_145], %broadcast_in_dim3A_5 {strides = array<i32>} : memref<256xi32, #tpu.memory_space<vmem>>, vector<16xi32>,
    %swap3A_147 = arith.constant 96 : index
    %swap3A_148 = tpu.vector_load %arg11[%swap3A_147] {strides = array<i32>} : memref<256xi32, #tpu.memory_space<vmem>>, vector<16xi32>,
    tpu.vector_store %arg11[%swap3A_147], %broadcast_in_dim3A_5 {strides = array<i32>} : memref<256xi32, #tpu.memory_space<vmem>>, vector<16xi32>,
    %swap3A_149 = arith.constant 96 : index
    %swap3A_150 = tpu.vector_load %arg12[%swap3A_149] {strides = array<i32>} : memref<256xi32, #tpu.memory_space<vmem>>, vector<16xi32>,
    tpu.vector_store %arg12[%swap3A_149], %broadcast_in_dim3A_5 {strides = array<i32>} : memref<256xi32, #tpu.memory_space<vmem>>, vector<16xi32>,
    %swap3A_151 = arith.constant 96 : index
    %swap3A_152 = tpu.vector_load %arg13[%swap3A_151] {strides = array<i32>} : memref<256xi32, #tpu.memory_space<vmem>>, vector<16xi32>,
    tpu.vector_store %arg13[%swap3A_151], %broadcast_in_dim3A_5 {strides = array<i32>} : memref<256xi32, #tpu.memory_space<vmem>>, vector<16xi32>,
    %swap3A_153 = arith.constant 112 : index
    %swap3A_154 = tpu.vector_load %arg11[%swap3A_153] {strides = array<i32>} : memref<256xi32, #tpu.memory_space<vmem>>, vector<16xi32>,
    tpu.vector_store %arg11[%swap3A_153], %broadcast_in_dim3A_5 {strides = array<i32>} : memref<256xi32, #tpu.memory_space<vmem>>, vector<16xi32>,
    %swap3A_155 = arith.constant 112 : index
    %swap3A_156 = tpu.vector_load %arg12[%swap3A_155] {strides = array<i32>} : memref<256xi32, #tpu.memory_space<vmem>>, vector<16xi32>,
    tpu.vector_store %arg12[%swap3A_155], %broadcast_in_dim3A_5 {strides = array<i32>} : memref<256xi32, #tpu.memory_space<vmem>>, vector<16xi32>,
    %swap3A_157 = arith.constant 112 : index
    %swap3A_158 = tpu.vector_load %arg13[%swap3A_157] {strides = array<i32>} : memref<256xi32, #tpu.memory_space<vmem>>, vector<16xi32>,
    tpu.vector_store %arg13[%swap3A_157], %broadcast_in_dim3A_5 {strides = array<i32>} : memref<256xi32, #tpu.memory_space<vmem>>, vector<16xi32>,
    %swap3A_159 = arith.constant 128 : index
    %swap3A_160 = tpu.vector_load %arg11[%swap3A_159] {strides = array<i32>} : memref<256xi32, #tpu.memory_space<vmem>>, vector<16xi32>,
    tpu.vector_store %arg11[%swap3A_159], %broadcast_in_dim3A_5 {strides = array<i32>} : memref<256xi32, #tpu.memory_space<vmem>>, vector<16xi32>,
    %swap3A_161 = arith.constant 128 : index
    %swap3A_162 = tpu.vector_load %arg12[%swap3A_161] {strides = array<i32>} : memref<256xi32, #tpu.memory_space<vmem>>, vector<16xi32>,
    tpu.vector_store %arg12[%swap3A_161], %broadcast_in_dim3A_5 {strides = array<i32>} : memref<256xi32, #tpu.memory_space<vmem>>, vector<16xi32>,
    %swap3A_163 = arith.constant 128 : index
    %swap3A_164 = tpu.vector_load %arg13[%swap3A_163] {strides = array<i32>} : memref<256xi32, #tpu.memory_space<vmem>>, vector<16xi32>,
    tpu.vector_store %arg13[%swap3A_163], %broadcast_in_dim3A_5 {strides = array<i32>} : memref<256xi32, #tpu.memory_space<vmem>>, vector<16xi32>,
    %swap3A_165 = arith.constant 144 : index
    %swap3A_166 = tpu.vector_load %arg11[%swap3A_165] {strides = array<i32>} : memref<256xi32, #tpu.memory_space<vmem>>, vector<16xi32>,
    tpu.vector_store %arg11[%swap3A_165], %broadcast_in_dim3A_5 {strides = array<i32>} : memref<256xi32, #tpu.memory_space<vmem>>, vector<16xi32>,
    %swap3A_167 = arith.constant 144 : index
    %swap3A_168 = tpu.vector_load %arg12[%swap3A_167] {strides = array<i32>} : memref<256xi32, #tpu.memory_space<vmem>>, vector<16xi32>,
    tpu.vector_store %arg12[%swap3A_167], %broadcast_in_dim3A_5 {strides = array<i32>} : memref<256xi32, #tpu.memory_space<vmem>>, vector<16xi32>,
    %swap3A_169 = arith.constant 144 : index
    %swap3A_170 = tpu.vector_load %arg13[%swap3A_169] {strides = array<i32>} : memref<256xi32, #tpu.memory_space<vmem>>, vector<16xi32>,
    tpu.vector_store %arg13[%swap3A_169], %broadcast_in_dim3A_5 {strides = array<i32>} : memref<256xi32, #tpu.memory_space<vmem>>, vector<16xi32>,
    %swap3A_171 = arith.constant 160 : index
    %swap3A_172 = tpu.vector_load %arg11[%swap3A_171] {strides = array<i32>} : memref<256xi32, #tpu.memory_space<vmem>>, vector<16xi32>,
    tpu.vector_store %arg11[%swap3A_171], %broadcast_in_dim3A_5 {strides = array<i32>} : memref<256xi32, #tpu.memory_space<vmem>>, vector<16xi32>,
    %swap3A_173 = arith.constant 160 : index
    %swap3A_174 = tpu.vector_load %arg12[%swap3A_173] {strides = array<i32>} : memref<256xi32, #tpu.memory_space<vmem>>, vector<16xi32>,
    tpu.vector_store %arg12[%swap3A_173], %broadcast_in_dim3A_5 {strides = array<i32>} : memref<256xi32, #tpu.memory_space<vmem>>, vector<16xi32>,
    %swap3A_175 = arith.constant 160 : index
    %swap3A_176 = tpu.vector_load %arg13[%swap3A_175] {strides = array<i32>} : memref<256xi32, #tpu.memory_space<vmem>>, vector<16xi32>,
    tpu.vector_store %arg13[%swap3A_175], %broadcast_in_dim3A_5 {strides = array<i32>} : memref<256xi32, #tpu.memory_space<vmem>>, vector<16xi32>,
    %swap3A_177 = arith.constant 176 : index
    %swap3A_178 = tpu.vector_load %arg11[%swap3A_177] {strides = array<i32>} : memref<256xi32, #tpu.memory_space<vmem>>, vector<16xi32>,
    tpu.vector_store %arg11[%swap3A_177], %broadcast_in_dim3A_5 {strides = array<i32>} : memref<256xi32, #tpu.memory_space<vmem>>, vector<16xi32>,
    %swap3A_179 = arith.constant 176 : index
    %swap3A_180 = tpu.vector_load %arg12[%swap3A_179] {strides = array<i32>} : memref<256xi32, #tpu.memory_space<vmem>>, vector<16xi32>,
    tpu.vector_store %arg12[%swap3A_179], %broadcast_in_dim3A_5 {strides = array<i32>} : memref<256xi32, #tpu.memory_space<vmem>>, vector<16xi32>,
    %swap3A_181 = arith.constant 176 : index
    %swap3A_182 = tpu.vector_load %arg13[%swap3A_181] {strides = array<i32>} : memref<256xi32, #tpu.memory_space<vmem>>, vector<16xi32>,
    tpu.vector_store %arg13[%swap3A_181], %broadcast_in_dim3A_5 {strides = array<i32>} : memref<256xi32, #tpu.memory_space<vmem>>, vector<16xi32>,
    %swap3A_183 = arith.constant 192 : index
    %swap3A_184 = tpu.vector_load %arg11[%swap3A_183] {strides = array<i32>} : memref<256xi32, #tpu.memory_space<vmem>>, vector<16xi32>,
    tpu.vector_store %arg11[%swap3A_183], %broadcast_in_dim3A_5 {strides = array<i32>} : memref<256xi32, #tpu.memory_space<vmem>>, vector<16xi32>,
    %swap3A_185 = arith.constant 192 : index
    %swap3A_186 = tpu.vector_load %arg12[%swap3A_185] {strides = array<i32>} : memref<256xi32, #tpu.memory_space<vmem>>, vector<16xi32>,
    tpu.vector_store %arg12[%swap3A_185], %broadcast_in_dim3A_5 {strides = array<i32>} : memref<256xi32, #tpu.memory_space<vmem>>, vector<16xi32>,
    %swap3A_187 = arith.constant 192 : index
    %swap3A_188 = tpu.vector_load %arg13[%swap3A_187] {strides = array<i32>} : memref<256xi32, #tpu.memory_space<vmem>>, vector<16xi32>,
    tpu.vector_store %arg13[%swap3A_187], %broadcast_in_dim3A_5 {strides = array<i32>} : memref<256xi32, #tpu.memory_space<vmem>>, vector<16xi32>,
    %swap3A_189 = arith.constant 208 : index
    %swap3A_190 = tpu.vector_load %arg11[%swap3A_189] {strides = array<i32>} : memref<256xi32, #tpu.memory_space<vmem>>, vector<16xi32>,
    tpu.vector_store %arg11[%swap3A_189], %broadcast_in_dim3A_5 {strides = array<i32>} : memref<256xi32, #tpu.memory_space<vmem>>, vector<16xi32>,
    %swap3A_191 = arith.constant 208 : index
    %swap3A_192 = tpu.vector_load %arg12[%swap3A_191] {strides = array<i32>} : memref<256xi32, #tpu.memory_space<vmem>>, vector<16xi32>,
    tpu.vector_store %arg12[%swap3A_191], %broadcast_in_dim3A_5 {strides = array<i32>} : memref<256xi32, #tpu.memory_space<vmem>>, vector<16xi32>,
    %swap3A_193 = arith.constant 208 : index
    %swap3A_194 = tpu.vector_load %arg13[%swap3A_193] {strides = array<i32>} : memref<256xi32, #tpu.memory_space<vmem>>, vector<16xi32>,
    tpu.vector_store %arg13[%swap3A_193], %broadcast_in_dim3A_5 {strides = array<i32>} : memref<256xi32, #tpu.memory_space<vmem>>, vector<16xi32>,
    %swap3A_195 = arith.constant 224 : index
    %swap3A_196 = tpu.vector_load %arg11[%swap3A_195] {strides = array<i32>} : memref<256xi32, #tpu.memory_space<vmem>>, vector<16xi32>,
    tpu.vector_store %arg11[%swap3A_195], %broadcast_in_dim3A_5 {strides = array<i32>} : memref<256xi32, #tpu.memory_space<vmem>>, vector<16xi32>,
    %swap3A_197 = arith.constant 224 : index
    %swap3A_198 = tpu.vector_load %arg12[%swap3A_197] {strides = array<i32>} : memref<256xi32, #tpu.memory_space<vmem>>, vector<16xi32>,
    tpu.vector_store %arg12[%swap3A_197], %broadcast_in_dim3A_5 {strides = array<i32>} : memref<256xi32, #tpu.memory_space<vmem>>, vector<16xi32>,
    %swap3A_199 = arith.constant 224 : index
    %swap3A_200 = tpu.vector_load %arg13[%swap3A_199] {strides = array<i32>} : memref<256xi32, #tpu.memory_space<vmem>>, vector<16xi32>,
    tpu.vector_store %arg13[%swap3A_199], %broadcast_in_dim3A_5 {strides = array<i32>} : memref<256xi32, #tpu.memory_space<vmem>>, vector<16xi32>,
    %swap3A_201 = arith.constant 240 : index
    %swap3A_202 = tpu.vector_load %arg11[%swap3A_201] {strides = array<i32>} : memref<256xi32, #tpu.memory_space<vmem>>, vector<16xi32>,
    tpu.vector_store %arg11[%swap3A_201], %broadcast_in_dim3A_5 {strides = array<i32>} : memref<256xi32, #tpu.memory_space<vmem>>, vector<16xi32>,
    %swap3A_203 = arith.constant 240 : index
    %swap3A_204 = tpu.vector_load %arg12[%swap3A_203] {strides = array<i32>} : memref<256xi32, #tpu.memory_space<vmem>>, vector<16xi32>,
    tpu.vector_store %arg12[%swap3A_203], %broadcast_in_dim3A_5 {strides = array<i32>} : memref<256xi32, #tpu.memory_space<vmem>>, vector<16xi32>,
    %swap3A_205 = arith.constant 240 : index
    %swap3A_206 = tpu.vector_load %arg13[%swap3A_205] {strides = array<i32>} : memref<256xi32, #tpu.memory_space<vmem>>, vector<16xi32>,
    tpu.vector_store %arg13[%swap3A_205], %broadcast_in_dim3A_5 {strides = array<i32>} : memref<256xi32, #tpu.memory_space<vmem>>, vector<16xi32>,
    %scan3A_207 = arith.constant 0 : i32
    %scan3A_208 = arith.constant 19 : i32
    %scan3A_209 = arith.addi %scan3A_207, %scan3A_208 : i32
    %scan3A_210 = arith.constant 1 : i32
    scf.for %scan3A_282 = %scan3A_207 to %scan3A_209 step %scan3A_210  : i32 {
      %mul3A_283 = arith.constant 3 : i32
      %mul3A_284 = arith.muli %scan3A_282, %mul3A_283 : i32
      %add3A_285 = arith.constant 0 : i32
      %add3A_286 = arith.addi %mul3A_284, %add3A_285 : i32
      %mul3A_287 = arith.constant 32 : i32
      %mul3A_288 = arith.muli %mul3A_287, %add3A_286 : i32
      %add3A_289 = arith.addi %add3A, %mul3A_288 : i32
      %shift_right_arithmetic3A_290 = arith.constant 6 : i32
      %shift_right_arithmetic3A_291 = arith.shrsi %add3A_289, %shift_right_arithmetic3A_290 : i32
      %and3A_292 = arith.constant 63 : i32
      %and3A_293 = arith.andi %add3A_289, %and3A_292 : i32
      %mul3A_294 = arith.constant 256 : i32
      %mul3A_295 = arith.muli %and3A_293, %mul3A_294 : i32
      %ge3A_296 = arith.constant 26 : i32
      %ge3A_297 = arith.cmpi sge, %shift_right_arithmetic3A_291, %ge3A_296 : i32
      %sub3A_298 = arith.constant 26 : i32
      %sub3A_299 = arith.subi %shift_right_arithmetic3A_291, %sub3A_298 : i32
      %mul3A_300 = arith.constant 2 : i32
      %mul3A_301 = arith.muli %mul3A_300, %sub3A_299 : i32
      %select_n3A_302 = arith.select %ge3A_297, %mul3A_301, %shift_right_arithmetic3A_291 : i32
      %mul3A_303 = arith.constant 2 : i32
      %mul3A_304 = arith.muli %mul3A_303, %sub3A_299 : i32
      %add3A_305 = arith.constant 1 : i32
      %add3A_306 = arith.addi %mul3A_304, %add3A_305 : i32
      %select_n3A_307 = arith.select %ge3A_297, %add3A_306, %shift_right_arithmetic3A_291 : i32
      %dma_wait3A_308 = arith.constant 0 : i32
      %dma_wait3A_309 = arith.constant 0 : i32
      %dma_wait3A_310 = tpu.memref_slice %arg2[%dma_wait3A_308, %dma_wait3A_309] : memref<26x16384xi32, #tpu.memory_space<hbm>> -> memref<2x256xi32, #tpu.memory_space<hbm>>
      %dma_wait3A_311 = arith.constant 0 : i32
      %dma_wait3A_312 = arith.constant 0 : i32
      %dma_wait3A_313 = tpu.memref_slice %arg2[%dma_wait3A_311, %dma_wait3A_312] : memref<26x16384xi32, #tpu.memory_space<hbm>> -> memref<2x256xi32, #tpu.memory_space<hbm>>
      tpu.wait_dma2 semaphore(%arg15 : memref<!tpu.dma_semaphore, #tpu.memory_space<semaphore_mem>>) src(%dma_wait3A_313 : memref<2x256xi32, #tpu.memory_space<hbm>>) dst(%arg5 : memref<2x256xi32, #tpu.memory_space<vmem>>)
      %ge3A_314 = arith.constant 3 : i32
      %ge3A_315 = arith.cmpi sge, %add3A_286, %ge3A_314 : i32
      %convert_element_type3A_316 = arith.extui %ge3A_315 : i1 to i32
      %cond3A_317 = arith.constant 0 : i32
      %cond3A_318 = arith.cmpi ne, %convert_element_type3A_316, %cond3A_317 : i32
      scf.if %cond3A_318 {
        %dma_wait3A_442 = arith.constant 0 : i32
        %dma_wait3A_443 = arith.constant 0 : i32
        %dma_wait3A_444 = tpu.memref_slice %arg4[%dma_wait3A_442, %dma_wait3A_443] : memref<3725x16384xf32, #tpu.memory_space<hbm>> -> memref<128x256xf32, #tpu.memory_space<hbm>>
        %dma_wait3A_445 = arith.constant 0 : i32
        %dma_wait3A_446 = arith.constant 0 : i32
        %dma_wait3A_447 = tpu.memref_slice %arg4[%dma_wait3A_445, %dma_wait3A_446] : memref<3725x16384xf32, #tpu.memory_space<hbm>> -> memref<128x256xf32, #tpu.memory_space<hbm>>
        tpu.wait_dma2 semaphore(%arg18 : memref<!tpu.dma_semaphore, #tpu.memory_space<semaphore_mem>>) src(%arg8 : memref<128x256xf32, #tpu.memory_space<vmem>>) dst(%dma_wait3A_447 : memref<128x256xf32, #tpu.memory_space<hbm>>)
        %scan3A_448 = arith.constant 0 : i32
        %scan3A_449 = arith.constant 16 : i32
        %scan3A_450 = arith.addi %scan3A_448, %scan3A_449 : i32
        %scan3A_451 = arith.constant 1 : i32
        scf.for %scan3A_453 = %scan3A_448 to %scan3A_450 step %scan3A_451  : i32 {
          %mul3A_454 = arith.constant 16 : i32
          %mul3A_455 = arith.muli %scan3A_453, %mul3A_454 : i32
          %get3A = arith.index_cast %mul3A_455 : i32 to index
          %get3A_456 = tpu.vector_load %arg11[%get3A] {strides = array<i32>} : memref<256xi32, #tpu.memory_space<vmem>>, vector<16xi32>,
          %mul3A_457 = arith.constant 16 : i32
          %mul3A_458 = arith.muli %scan3A_453, %mul3A_457 : i32
          %add3A_459 = vector.broadcast %mul3A_458 : i32 to vector<16xi32>
          %add3A_460 = arith.addi %add3A_459, %iota3A : vector<16xi32>
          tpu.vector_store_idx %arg8[%get3A_456, %add3A_460], %broadcast_in_dim3A_3 : memref<128x256xf32, #tpu.memory_space<vmem>>[vector<16xi32>, vector<16xi32>], vector<16xf32>,
        }
        %scan3A_452 = arith.constant 16 : i32
      } else {
      }
      %convert_element_type3A_319 = arith.extui %ge3A_297 : i1 to i32
      %cond3A_320 = arith.constant 0 : i32
      %cond3A_321 = arith.cmpi ne, %convert_element_type3A_319, %cond3A_320 : i32
      scf.if %cond3A_321 {
        %scan3A_442 = arith.constant 0 : i32
        %scan3A_443 = arith.constant 16 : i32
        %scan3A_444 = arith.addi %scan3A_442, %scan3A_443 : i32
        %scan3A_445 = arith.constant 1 : i32
        scf.for %scan3A_447 = %scan3A_442 to %scan3A_444 step %scan3A_445  : i32 {
          %mul3A_448 = arith.constant 16 : i32
          %mul3A_449 = arith.muli %scan3A_447, %mul3A_448 : i32
          %get3A = arith.constant 0 : i32
          %get3A_450 = arith.index_cast %get3A : i32 to index
          %get3A_451 = arith.index_cast %mul3A_449 : i32 to index
          %get3A_452 = tpu.vector_load %arg5[%get3A_450, %get3A_451] {strides = array<i32>} : memref<2x256xi32, #tpu.memory_space<vmem>>, vector<16xi32>,
          %mul3A_453 = arith.constant 16 : i32
          %mul3A_454 = arith.muli %scan3A_447, %mul3A_453 : i32
          %get3A_455 = arith.constant 1 : i32
          %get3A_456 = arith.index_cast %get3A_455 : i32 to index
          %get3A_457 = arith.index_cast %mul3A_454 : i32 to index
          %get3A_458 = tpu.vector_load %arg5[%get3A_456, %get3A_457] {strides = array<i32>} : memref<2x256xi32, #tpu.memory_space<vmem>>, vector<16xi32>,
          %jit3A = arith.constant 32749 : i32
          %eq3A = arith.constant 0 : i32
          %eq3A_459 = arith.cmpi eq, %jit3A, %eq3A : i32
          %jit3A_460 = arith.constant 1 : i32
          %select_n3A_461 = arith.select %eq3A_459, %jit3A_460, %jit3A : i32
          %rem3A = vector.broadcast %select_n3A_461 : i32 to vector<16xi32>
          %rem3A_462 = arith.remsi %get3A_452, %rem3A : vector<16xi32>
          %ne3A = arith.constant 0 : i32
          %ne3A_463 = vector.broadcast %ne3A : i32 to vector<16xi32>
          %ne3A_464 = arith.cmpi ne, %rem3A_462, %ne3A_463 : vector<16xi32>
          %lt3A_465 = arith.constant 0 : i32
          %lt3A_466 = vector.broadcast %lt3A_465 : i32 to vector<16xi32>
          %lt3A_467 = arith.cmpi slt, %rem3A_462, %lt3A_466 : vector<16xi32>
          %lt3A_468 = arith.constant 0 : i32
          %lt3A_469 = arith.cmpi slt, %select_n3A_461, %lt3A_468 : i32
          %ne3A_470 = vector.broadcast %lt3A_469 : i1 to vector<16xi1>
          %ne3A_471 = vector.broadcast %ne3A_470 : vector<16xi1> to vector<16xi1>
          %ne3A_472 = arith.xori %lt3A_467, %ne3A_471 : vector<16xi1>
          %and3A_473 = arith.andi %ne3A_472, %ne3A_464 : vector<16xi1>
          %add3A_474 = vector.broadcast %select_n3A_461 : i32 to vector<16xi32>
          %add3A_475 = arith.addi %rem3A_462, %add3A_474 : vector<16xi32>
          %select_n3A_476 = arith.select %and3A_473, %add3A_475, %rem3A_462 : vector<16xi1>, vector<16xi32>
          %mul3A_477 = arith.constant 32749 : i32
          %mul3A_478 = vector.broadcast %mul3A_477 : i32 to vector<16xi32>
          %mul3A_479 = arith.muli %select_n3A_476, %mul3A_478 : vector<16xi32>
          %jit3A_480 = arith.constant 32749 : i32
          %eq3A_481 = arith.constant 0 : i32
          %eq3A_482 = arith.cmpi eq, %jit3A_480, %eq3A_481 : i32
          %jit3A_483 = arith.constant 1 : i32
          %select_n3A_484 = arith.select %eq3A_482, %jit3A_483, %jit3A_480 : i32
          %rem3A_485 = vector.broadcast %select_n3A_484 : i32 to vector<16xi32>
          %rem3A_486 = arith.remsi %get3A_458, %rem3A_485 : vector<16xi32>
          %ne3A_487 = arith.constant 0 : i32
          %ne3A_488 = vector.broadcast %ne3A_487 : i32 to vector<16xi32>
          %ne3A_489 = arith.cmpi ne, %rem3A_486, %ne3A_488 : vector<16xi32>
          %lt3A_490 = arith.constant 0 : i32
          %lt3A_491 = vector.broadcast %lt3A_490 : i32 to vector<16xi32>
          %lt3A_492 = arith.cmpi slt, %rem3A_486, %lt3A_491 : vector<16xi32>
          %lt3A_493 = arith.constant 0 : i32
          %lt3A_494 = arith.cmpi slt, %select_n3A_484, %lt3A_493 : i32
          %ne3A_495 = vector.broadcast %lt3A_494 : i1 to vector<16xi1>
          %ne3A_496 = vector.broadcast %ne3A_495 : vector<16xi1> to vector<16xi1>
          %ne3A_497 = arith.xori %lt3A_492, %ne3A_496 : vector<16xi1>
          %and3A_498 = arith.andi %ne3A_497, %ne3A_489 : vector<16xi1>
          %add3A_499 = vector.broadcast %select_n3A_484 : i32 to vector<16xi32>
          %add3A_500 = arith.addi %rem3A_486, %add3A_499 : vector<16xi32>
          %select_n3A_501 = arith.select %and3A_498, %add3A_500, %rem3A_486 : vector<16xi1>, vector<16xi32>
          %add3A_502 = arith.addi %mul3A_479, %select_n3A_501 : vector<16xi32>
          %mul3A_503 = arith.constant 31 : i32
          %mul3A_504 = vector.broadcast %mul3A_503 : i32 to vector<16xi32>
          %mul3A_505 = arith.muli %add3A_502, %mul3A_504 : vector<16xi32>
          %add3A_506 = arith.constant 17 : i32
          %add3A_507 = vector.broadcast %add3A_506 : i32 to vector<16xi32>
          %add3A_508 = arith.addi %mul3A_505, %add3A_507 : vector<16xi32>
          %and3A_509 = arith.constant 127 : i32
          %and3A_510 = vector.broadcast %and3A_509 : i32 to vector<16xi32>
          %and3A_511 = arith.andi %add3A_508, %and3A_510 : vector<16xi32>
          %mul3A_512 = arith.constant 16 : i32
          %mul3A_513 = arith.muli %scan3A_447, %mul3A_512 : i32
          %add3A_514 = vector.broadcast %mul3A_513 : i32 to vector<16xi32>
          %add3A_515 = arith.addi %add3A_514, %iota3A : vector<16xi32>
          tpu.vector_store_idx %arg8[%and3A_511, %add3A_515], %broadcast_in_dim3A_1 : memref<128x256xf32, #tpu.memory_space<vmem>>[vector<16xi32>, vector<16xi32>], vector<16xf32>,
          %mul3A_516 = arith.constant 16 : i32
          %mul3A_517 = arith.muli %scan3A_447, %mul3A_516 : i32
          %swap3A_518 = arith.index_cast %mul3A_517 : i32 to index
          %swap3A_519 = tpu.vector_load %arg11[%swap3A_518] {strides = array<i32>} : memref<256xi32, #tpu.memory_space<vmem>>, vector<16xi32>,
          tpu.vector_store %arg11[%swap3A_518], %and3A_511 {strides = array<i32>} : memref<256xi32, #tpu.memory_space<vmem>>, vector<16xi32>,
        }
        %scan3A_446 = arith.constant 16 : i32
      } else {
      }
      %not3A_322 = arith.constant true
      %not3A_323 = arith.xori %ge3A_297, %not3A_322 : i1
      %convert_element_type3A_324 = arith.extui %not3A_323 : i1 to i32
      %cond3A_325 = arith.constant 0 : i32
      %cond3A_326 = arith.cmpi ne, %convert_element_type3A_324, %cond3A_325 : i32
      scf.if %cond3A_326 {
        %scan3A_442 = arith.constant 0 : i32
        %scan3A_443 = arith.constant 16 : i32
        %scan3A_444 = arith.addi %scan3A_442, %scan3A_443 : i32
        %scan3A_445 = arith.constant 1 : i32
        scf.for %scan3A_447 = %scan3A_442 to %scan3A_444 step %scan3A_445  : i32 {
          %mul3A_448 = arith.constant 16 : i32
          %mul3A_449 = arith.muli %scan3A_447, %mul3A_448 : i32
          %get3A = arith.constant 0 : i32
          %get3A_450 = arith.index_cast %get3A : i32 to index
          %get3A_451 = arith.index_cast %mul3A_449 : i32 to index
          %get3A_452 = tpu.vector_load %arg5[%get3A_450, %get3A_451] {strides = array<i32>} : memref<2x256xi32, #tpu.memory_space<vmem>>, vector<16xi32>,
          %mul3A_453 = arith.constant 31 : i32
          %mul3A_454 = vector.broadcast %mul3A_453 : i32 to vector<16xi32>
          %mul3A_455 = arith.muli %get3A_452, %mul3A_454 : vector<16xi32>
          %add3A_456 = arith.constant 17 : i32
          %add3A_457 = vector.broadcast %add3A_456 : i32 to vector<16xi32>
          %add3A_458 = arith.addi %mul3A_455, %add3A_457 : vector<16xi32>
          %and3A_459 = arith.constant 127 : i32
          %and3A_460 = vector.broadcast %and3A_459 : i32 to vector<16xi32>
          %and3A_461 = arith.andi %add3A_458, %and3A_460 : vector<16xi32>
          %mul3A_462 = arith.constant 16 : i32
          %mul3A_463 = arith.muli %scan3A_447, %mul3A_462 : i32
          %add3A_464 = vector.broadcast %mul3A_463 : i32 to vector<16xi32>
          %add3A_465 = arith.addi %add3A_464, %iota3A : vector<16xi32>
          tpu.vector_store_idx %arg8[%and3A_461, %add3A_465], %broadcast_in_dim3A_1 : memref<128x256xf32, #tpu.memory_space<vmem>>[vector<16xi32>, vector<16xi32>], vector<16xf32>,
          %mul3A_466 = arith.constant 16 : i32
          %mul3A_467 = arith.muli %scan3A_447, %mul3A_466 : i32
          %swap3A_468 = arith.index_cast %mul3A_467 : i32 to index
          %swap3A_469 = tpu.vector_load %arg11[%swap3A_468] {strides = array<i32>} : memref<256xi32, #tpu.memory_space<vmem>>, vector<16xi32>,
          tpu.vector_store %arg11[%swap3A_468], %and3A_461 {strides = array<i32>} : memref<256xi32, #tpu.memory_space<vmem>>, vector<16xi32>,
        }
        %scan3A_446 = arith.constant 16 : i32
      } else {
      }
      %mul3A_327 = arith.constant 128 : i32
      %mul3A_328 = arith.muli %shift_right_arithmetic3A_291, %mul3A_327 : i32
      %dma_start3A_329 = tpu.memref_slice %arg4[%mul3A_328, %mul3A_295] : memref<3725x16384xf32, #tpu.memory_space<hbm>> -> memref<128x256xf32, #tpu.memory_space<hbm>>
      %dma_start3A_330 = tpu.memref_slice %arg4[%mul3A_328, %mul3A_295] : memref<3725x16384xf32, #tpu.memory_space<hbm>> -> memref<128x256xf32, #tpu.memory_space<hbm>>
      tpu.enqueue_dma source(%arg8 : memref<128x256xf32, #tpu.memory_space<vmem>>) target(%dma_start3A_330 : memref<128x256xf32, #tpu.memory_space<hbm>>) target_semaphore(%arg18 : memref<!tpu.dma_semaphore, #tpu.memory_space<semaphore_mem>>)
      %lt3A_331 = arith.constant 55 : i32
      %lt3A_332 = arith.cmpi slt, %add3A_286, %lt3A_331 : i32
      %convert_element_type3A_333 = arith.extui %lt3A_332 : i1 to i32
      %cond3A_334 = arith.constant 0 : i32
      %cond3A_335 = arith.cmpi ne, %convert_element_type3A_333, %cond3A_334 : i32
      scf.if %cond3A_335 {
        %add3A_442 = arith.constant 96 : i32
        %add3A_443 = arith.addi %add3A_289, %add3A_442 : i32
        %shift_right_arithmetic3A_444 = arith.constant 6 : i32
        %shift_right_arithmetic3A_445 = arith.shrsi %add3A_443, %shift_right_arithmetic3A_444 : i32
        %and3A_446 = arith.constant 63 : i32
        %and3A_447 = arith.andi %add3A_443, %and3A_446 : i32
        %mul3A_448 = arith.constant 256 : i32
        %mul3A_449 = arith.muli %and3A_447, %mul3A_448 : i32
        %ge3A_450 = arith.constant 26 : i32
        %ge3A_451 = arith.cmpi sge, %shift_right_arithmetic3A_445, %ge3A_450 : i32
        %sub3A_452 = arith.constant 26 : i32
        %sub3A_453 = arith.subi %shift_right_arithmetic3A_445, %sub3A_452 : i32
        %mul3A_454 = arith.constant 2 : i32
        %mul3A_455 = arith.muli %mul3A_454, %sub3A_453 : i32
        %select_n3A_456 = arith.select %ge3A_451, %mul3A_455, %shift_right_arithmetic3A_445 : i32
        %mul3A_457 = arith.constant 2 : i32
        %mul3A_458 = arith.muli %mul3A_457, %sub3A_453 : i32
        %add3A_459 = arith.constant 1 : i32
        %add3A_460 = arith.addi %mul3A_458, %add3A_459 : i32
        %select_n3A_461 = arith.select %ge3A_451, %add3A_460, %shift_right_arithmetic3A_445 : i32
        %dma_start3A_462 = arith.constant 0 : i32
        %dma_start3A_463 = arith.constant 0 : i32
        %dma_start3A_464 = tpu.memref_slice %arg5[%dma_start3A_462, %dma_start3A_463] : memref<2x256xi32, #tpu.memory_space<vmem>> -> memref<1x256xi32, #tpu.memory_space<vmem>>
        %dma_start3A_465 = tpu.memref_slice %arg2[%select_n3A_456, %mul3A_449] : memref<26x16384xi32, #tpu.memory_space<hbm>> -> memref<1x256xi32, #tpu.memory_space<hbm>>
        %dma_start3A_466 = arith.constant 0 : i32
        %dma_start3A_467 = arith.constant 0 : i32
        %dma_start3A_468 = tpu.memref_slice %arg5[%dma_start3A_466, %dma_start3A_467] : memref<2x256xi32, #tpu.memory_space<vmem>> -> memref<1x256xi32, #tpu.memory_space<vmem>>
        %dma_start3A_469 = tpu.memref_slice %arg2[%select_n3A_456, %mul3A_449] : memref<26x16384xi32, #tpu.memory_space<hbm>> -> memref<1x256xi32, #tpu.memory_space<hbm>>
        tpu.enqueue_dma source(%dma_start3A_469 : memref<1x256xi32, #tpu.memory_space<hbm>>) target(%dma_start3A_468 : memref<1x256xi32, #tpu.memory_space<vmem>>) target_semaphore(%arg15 : memref<!tpu.dma_semaphore, #tpu.memory_space<semaphore_mem>>)
        %dma_start3A_470 = arith.constant 1 : i32
        %dma_start3A_471 = arith.constant 0 : i32
        %dma_start3A_472 = tpu.memref_slice %arg5[%dma_start3A_470, %dma_start3A_471] : memref<2x256xi32, #tpu.memory_space<vmem>> -> memref<1x256xi32, #tpu.memory_space<vmem>>
        %dma_start3A_473 = tpu.memref_slice %arg2[%select_n3A_461, %mul3A_449] : memref<26x16384xi32, #tpu.memory_space<hbm>> -> memref<1x256xi32, #tpu.memory_space<hbm>>
        %dma_start3A_474 = arith.constant 1 : i32
        %dma_start3A_475 = arith.constant 0 : i32
        %dma_start3A_476 = tpu.memref_slice %arg5[%dma_start3A_474, %dma_start3A_475] : memref<2x256xi32, #tpu.memory_space<vmem>> -> memref<1x256xi32, #tpu.memory_space<vmem>>
        %dma_start3A_477 = tpu.memref_slice %arg2[%select_n3A_461, %mul3A_449] : memref<26x16384xi32, #tpu.memory_space<hbm>> -> memref<1x256xi32, #tpu.memory_space<hbm>>
        tpu.enqueue_dma source(%dma_start3A_477 : memref<1x256xi32, #tpu.memory_space<hbm>>) target(%dma_start3A_476 : memref<1x256xi32, #tpu.memory_space<vmem>>) target_semaphore(%arg15 : memref<!tpu.dma_semaphore, #tpu.memory_space<semaphore_mem>>)
      } else {
      }
      %mul3A_336 = arith.constant 3 : i32
      %mul3A_337 = arith.muli %scan3A_282, %mul3A_336 : i32
      %add3A_338 = arith.constant 1 : i32
      %add3A_339 = arith.addi %mul3A_337, %add3A_338 : i32
      %mul3A_340 = arith.constant 32 : i32
      %mul3A_341 = arith.muli %mul3A_340, %add3A_339 : i32
      %add3A_342 = arith.addi %add3A, %mul3A_341 : i32
      %shift_right_arithmetic3A_343 = arith.constant 6 : i32
      %shift_right_arithmetic3A_344 = arith.shrsi %add3A_342, %shift_right_arithmetic3A_343 : i32
      %and3A_345 = arith.constant 63 : i32
      %and3A_346 = arith.andi %add3A_342, %and3A_345 : i32
      %mul3A_347 = arith.constant 256 : i32
      %mul3A_348 = arith.muli %and3A_346, %mul3A_347 : i32
      %ge3A_349 = arith.constant 26 : i32
      %ge3A_350 = arith.cmpi sge, %shift_right_arithmetic3A_344, %ge3A_349 : i32
      %sub3A_351 = arith.constant 26 : i32
      %sub3A_352 = arith.subi %shift_right_arithmetic3A_344, %sub3A_351 : i32
      %mul3A_353 = arith.constant 2 : i32
      %mul3A_354 = arith.muli %mul3A_353, %sub3A_352 : i32
      %select_n3A_355 = arith.select %ge3A_350, %mul3A_354, %shift_right_arithmetic3A_344 : i32
      %mul3A_356 = arith.constant 2 : i32
      %mul3A_357 = arith.muli %mul3A_356, %sub3A_352 : i32
      %add3A_358 = arith.constant 1 : i32
      %add3A_359 = arith.addi %mul3A_357, %add3A_358 : i32
      %select_n3A_360 = arith.select %ge3A_350, %add3A_359, %shift_right_arithmetic3A_344 : i32
      %dma_wait3A_361 = arith.constant 0 : i32
      %dma_wait3A_362 = arith.constant 0 : i32
      %dma_wait3A_363 = tpu.memref_slice %arg2[%dma_wait3A_361, %dma_wait3A_362] : memref<26x16384xi32, #tpu.memory_space<hbm>> -> memref<2x256xi32, #tpu.memory_space<hbm>>
      %dma_wait3A_364 = arith.constant 0 : i32
      %dma_wait3A_365 = arith.constant 0 : i32
      %dma_wait3A_366 = tpu.memref_slice %arg2[%dma_wait3A_364, %dma_wait3A_365] : memref<26x16384xi32, #tpu.memory_space<hbm>> -> memref<2x256xi32, #tpu.memory_space<hbm>>
      tpu.wait_dma2 semaphore(%arg16 : memref<!tpu.dma_semaphore, #tpu.memory_space<semaphore_mem>>) src(%dma_wait3A_366 : memref<2x256xi32, #tpu.memory_space<hbm>>) dst(%arg6 : memref<2x256xi32, #tpu.memory_space<vmem>>)
      %ge3A_367 = arith.constant 3 : i32
      %ge3A_368 = arith.cmpi sge, %add3A_339, %ge3A_367 : i32
      %convert_element_type3A_369 = arith.extui %ge3A_368 : i1 to i32
      %cond3A_370 = arith.constant 0 : i32
      %cond3A_371 = arith.cmpi ne, %convert_element_type3A_369, %cond3A_370 : i32
      scf.if %cond3A_371 {
        %dma_wait3A_442 = arith.constant 0 : i32
        %dma_wait3A_443 = arith.constant 0 : i32
        %dma_wait3A_444 = tpu.memref_slice %arg4[%dma_wait3A_442, %dma_wait3A_443] : memref<3725x16384xf32, #tpu.memory_space<hbm>> -> memref<128x256xf32, #tpu.memory_space<hbm>>
        %dma_wait3A_445 = arith.constant 0 : i32
        %dma_wait3A_446 = arith.constant 0 : i32
        %dma_wait3A_447 = tpu.memref_slice %arg4[%dma_wait3A_445, %dma_wait3A_446] : memref<3725x16384xf32, #tpu.memory_space<hbm>> -> memref<128x256xf32, #tpu.memory_space<hbm>>
        tpu.wait_dma2 semaphore(%arg19 : memref<!tpu.dma_semaphore, #tpu.memory_space<semaphore_mem>>) src(%arg9 : memref<128x256xf32, #tpu.memory_space<vmem>>) dst(%dma_wait3A_447 : memref<128x256xf32, #tpu.memory_space<hbm>>)
        %scan3A_448 = arith.constant 0 : i32
        %scan3A_449 = arith.constant 16 : i32
        %scan3A_450 = arith.addi %scan3A_448, %scan3A_449 : i32
        %scan3A_451 = arith.constant 1 : i32
        scf.for %scan3A_453 = %scan3A_448 to %scan3A_450 step %scan3A_451  : i32 {
          %mul3A_454 = arith.constant 16 : i32
          %mul3A_455 = arith.muli %scan3A_453, %mul3A_454 : i32
          %get3A = arith.index_cast %mul3A_455 : i32 to index
          %get3A_456 = tpu.vector_load %arg12[%get3A] {strides = array<i32>} : memref<256xi32, #tpu.memory_space<vmem>>, vector<16xi32>,
          %mul3A_457 = arith.constant 16 : i32
          %mul3A_458 = arith.muli %scan3A_453, %mul3A_457 : i32
          %add3A_459 = vector.broadcast %mul3A_458 : i32 to vector<16xi32>
          %add3A_460 = arith.addi %add3A_459, %iota3A : vector<16xi32>
          tpu.vector_store_idx %arg9[%get3A_456, %add3A_460], %broadcast_in_dim3A_3 : memref<128x256xf32, #tpu.memory_space<vmem>>[vector<16xi32>, vector<16xi32>], vector<16xf32>,
        }
        %scan3A_452 = arith.constant 16 : i32
      } else {
      }
      %convert_element_type3A_372 = arith.extui %ge3A_350 : i1 to i32
      %cond3A_373 = arith.constant 0 : i32
      %cond3A_374 = arith.cmpi ne, %convert_element_type3A_372, %cond3A_373 : i32
      scf.if %cond3A_374 {
        %scan3A_442 = arith.constant 0 : i32
        %scan3A_443 = arith.constant 16 : i32
        %scan3A_444 = arith.addi %scan3A_442, %scan3A_443 : i32
        %scan3A_445 = arith.constant 1 : i32
        scf.for %scan3A_447 = %scan3A_442 to %scan3A_444 step %scan3A_445  : i32 {
          %mul3A_448 = arith.constant 16 : i32
          %mul3A_449 = arith.muli %scan3A_447, %mul3A_448 : i32
          %get3A = arith.constant 0 : i32
          %get3A_450 = arith.index_cast %get3A : i32 to index
          %get3A_451 = arith.index_cast %mul3A_449 : i32 to index
          %get3A_452 = tpu.vector_load %arg6[%get3A_450, %get3A_451] {strides = array<i32>} : memref<2x256xi32, #tpu.memory_space<vmem>>, vector<16xi32>,
          %mul3A_453 = arith.constant 16 : i32
          %mul3A_454 = arith.muli %scan3A_447, %mul3A_453 : i32
          %get3A_455 = arith.constant 1 : i32
          %get3A_456 = arith.index_cast %get3A_455 : i32 to index
          %get3A_457 = arith.index_cast %mul3A_454 : i32 to index
          %get3A_458 = tpu.vector_load %arg6[%get3A_456, %get3A_457] {strides = array<i32>} : memref<2x256xi32, #tpu.memory_space<vmem>>, vector<16xi32>,
          %jit3A = arith.constant 32749 : i32
          %eq3A = arith.constant 0 : i32
          %eq3A_459 = arith.cmpi eq, %jit3A, %eq3A : i32
          %jit3A_460 = arith.constant 1 : i32
          %select_n3A_461 = arith.select %eq3A_459, %jit3A_460, %jit3A : i32
          %rem3A = vector.broadcast %select_n3A_461 : i32 to vector<16xi32>
          %rem3A_462 = arith.remsi %get3A_452, %rem3A : vector<16xi32>
          %ne3A = arith.constant 0 : i32
          %ne3A_463 = vector.broadcast %ne3A : i32 to vector<16xi32>
          %ne3A_464 = arith.cmpi ne, %rem3A_462, %ne3A_463 : vector<16xi32>
          %lt3A_465 = arith.constant 0 : i32
          %lt3A_466 = vector.broadcast %lt3A_465 : i32 to vector<16xi32>
          %lt3A_467 = arith.cmpi slt, %rem3A_462, %lt3A_466 : vector<16xi32>
          %lt3A_468 = arith.constant 0 : i32
          %lt3A_469 = arith.cmpi slt, %select_n3A_461, %lt3A_468 : i32
          %ne3A_470 = vector.broadcast %lt3A_469 : i1 to vector<16xi1>
          %ne3A_471 = vector.broadcast %ne3A_470 : vector<16xi1> to vector<16xi1>
          %ne3A_472 = arith.xori %lt3A_467, %ne3A_471 : vector<16xi1>
          %and3A_473 = arith.andi %ne3A_472, %ne3A_464 : vector<16xi1>
          %add3A_474 = vector.broadcast %select_n3A_461 : i32 to vector<16xi32>
          %add3A_475 = arith.addi %rem3A_462, %add3A_474 : vector<16xi32>
          %select_n3A_476 = arith.select %and3A_473, %add3A_475, %rem3A_462 : vector<16xi1>, vector<16xi32>
          %mul3A_477 = arith.constant 32749 : i32
          %mul3A_478 = vector.broadcast %mul3A_477 : i32 to vector<16xi32>
          %mul3A_479 = arith.muli %select_n3A_476, %mul3A_478 : vector<16xi32>
          %jit3A_480 = arith.constant 32749 : i32
          %eq3A_481 = arith.constant 0 : i32
          %eq3A_482 = arith.cmpi eq, %jit3A_480, %eq3A_481 : i32
          %jit3A_483 = arith.constant 1 : i32
          %select_n3A_484 = arith.select %eq3A_482, %jit3A_483, %jit3A_480 : i32
          %rem3A_485 = vector.broadcast %select_n3A_484 : i32 to vector<16xi32>
          %rem3A_486 = arith.remsi %get3A_458, %rem3A_485 : vector<16xi32>
          %ne3A_487 = arith.constant 0 : i32
          %ne3A_488 = vector.broadcast %ne3A_487 : i32 to vector<16xi32>
          %ne3A_489 = arith.cmpi ne, %rem3A_486, %ne3A_488 : vector<16xi32>
          %lt3A_490 = arith.constant 0 : i32
          %lt3A_491 = vector.broadcast %lt3A_490 : i32 to vector<16xi32>
          %lt3A_492 = arith.cmpi slt, %rem3A_486, %lt3A_491 : vector<16xi32>
          %lt3A_493 = arith.constant 0 : i32
          %lt3A_494 = arith.cmpi slt, %select_n3A_484, %lt3A_493 : i32
          %ne3A_495 = vector.broadcast %lt3A_494 : i1 to vector<16xi1>
          %ne3A_496 = vector.broadcast %ne3A_495 : vector<16xi1> to vector<16xi1>
          %ne3A_497 = arith.xori %lt3A_492, %ne3A_496 : vector<16xi1>
          %and3A_498 = arith.andi %ne3A_497, %ne3A_489 : vector<16xi1>
          %add3A_499 = vector.broadcast %select_n3A_484 : i32 to vector<16xi32>
          %add3A_500 = arith.addi %rem3A_486, %add3A_499 : vector<16xi32>
          %select_n3A_501 = arith.select %and3A_498, %add3A_500, %rem3A_486 : vector<16xi1>, vector<16xi32>
          %add3A_502 = arith.addi %mul3A_479, %select_n3A_501 : vector<16xi32>
          %mul3A_503 = arith.constant 31 : i32
          %mul3A_504 = vector.broadcast %mul3A_503 : i32 to vector<16xi32>
          %mul3A_505 = arith.muli %add3A_502, %mul3A_504 : vector<16xi32>
          %add3A_506 = arith.constant 17 : i32
          %add3A_507 = vector.broadcast %add3A_506 : i32 to vector<16xi32>
          %add3A_508 = arith.addi %mul3A_505, %add3A_507 : vector<16xi32>
          %and3A_509 = arith.constant 127 : i32
          %and3A_510 = vector.broadcast %and3A_509 : i32 to vector<16xi32>
          %and3A_511 = arith.andi %add3A_508, %and3A_510 : vector<16xi32>
          %mul3A_512 = arith.constant 16 : i32
          %mul3A_513 = arith.muli %scan3A_447, %mul3A_512 : i32
          %add3A_514 = vector.broadcast %mul3A_513 : i32 to vector<16xi32>
          %add3A_515 = arith.addi %add3A_514, %iota3A : vector<16xi32>
          tpu.vector_store_idx %arg9[%and3A_511, %add3A_515], %broadcast_in_dim3A_1 : memref<128x256xf32, #tpu.memory_space<vmem>>[vector<16xi32>, vector<16xi32>], vector<16xf32>,
          %mul3A_516 = arith.constant 16 : i32
          %mul3A_517 = arith.muli %scan3A_447, %mul3A_516 : i32
          %swap3A_518 = arith.index_cast %mul3A_517 : i32 to index
          %swap3A_519 = tpu.vector_load %arg12[%swap3A_518] {strides = array<i32>} : memref<256xi32, #tpu.memory_space<vmem>>, vector<16xi32>,
          tpu.vector_store %arg12[%swap3A_518], %and3A_511 {strides = array<i32>} : memref<256xi32, #tpu.memory_space<vmem>>, vector<16xi32>,
        }
        %scan3A_446 = arith.constant 16 : i32
      } else {
      }
      %not3A_375 = arith.constant true
      %not3A_376 = arith.xori %ge3A_350, %not3A_375 : i1
      %convert_element_type3A_377 = arith.extui %not3A_376 : i1 to i32
      %cond3A_378 = arith.constant 0 : i32
      %cond3A_379 = arith.cmpi ne, %convert_element_type3A_377, %cond3A_378 : i32
      scf.if %cond3A_379 {
        %scan3A_442 = arith.constant 0 : i32
        %scan3A_443 = arith.constant 16 : i32
        %scan3A_444 = arith.addi %scan3A_442, %scan3A_443 : i32
        %scan3A_445 = arith.constant 1 : i32
        scf.for %scan3A_447 = %scan3A_442 to %scan3A_444 step %scan3A_445  : i32 {
          %mul3A_448 = arith.constant 16 : i32
          %mul3A_449 = arith.muli %scan3A_447, %mul3A_448 : i32
          %get3A = arith.constant 0 : i32
          %get3A_450 = arith.index_cast %get3A : i32 to index
          %get3A_451 = arith.index_cast %mul3A_449 : i32 to index
          %get3A_452 = tpu.vector_load %arg6[%get3A_450, %get3A_451] {strides = array<i32>} : memref<2x256xi32, #tpu.memory_space<vmem>>, vector<16xi32>,
          %mul3A_453 = arith.constant 31 : i32
          %mul3A_454 = vector.broadcast %mul3A_453 : i32 to vector<16xi32>
          %mul3A_455 = arith.muli %get3A_452, %mul3A_454 : vector<16xi32>
          %add3A_456 = arith.constant 17 : i32
          %add3A_457 = vector.broadcast %add3A_456 : i32 to vector<16xi32>
          %add3A_458 = arith.addi %mul3A_455, %add3A_457 : vector<16xi32>
          %and3A_459 = arith.constant 127 : i32
          %and3A_460 = vector.broadcast %and3A_459 : i32 to vector<16xi32>
          %and3A_461 = arith.andi %add3A_458, %and3A_460 : vector<16xi32>
          %mul3A_462 = arith.constant 16 : i32
          %mul3A_463 = arith.muli %scan3A_447, %mul3A_462 : i32
          %add3A_464 = vector.broadcast %mul3A_463 : i32 to vector<16xi32>
          %add3A_465 = arith.addi %add3A_464, %iota3A : vector<16xi32>
          tpu.vector_store_idx %arg9[%and3A_461, %add3A_465], %broadcast_in_dim3A_1 : memref<128x256xf32, #tpu.memory_space<vmem>>[vector<16xi32>, vector<16xi32>], vector<16xf32>,
          %mul3A_466 = arith.constant 16 : i32
          %mul3A_467 = arith.muli %scan3A_447, %mul3A_466 : i32
          %swap3A_468 = arith.index_cast %mul3A_467 : i32 to index
          %swap3A_469 = tpu.vector_load %arg12[%swap3A_468] {strides = array<i32>} : memref<256xi32, #tpu.memory_space<vmem>>, vector<16xi32>,
          tpu.vector_store %arg12[%swap3A_468], %and3A_461 {strides = array<i32>} : memref<256xi32, #tpu.memory_space<vmem>>, vector<16xi32>,
        }
        %scan3A_446 = arith.constant 16 : i32
      } else {
      }
      %mul3A_380 = arith.constant 128 : i32
      %mul3A_381 = arith.muli %shift_right_arithmetic3A_344, %mul3A_380 : i32
      %dma_start3A_382 = tpu.memref_slice %arg4[%mul3A_381, %mul3A_348] : memref<3725x16384xf32, #tpu.memory_space<hbm>> -> memref<128x256xf32, #tpu.memory_space<hbm>>
      %dma_start3A_383 = tpu.memref_slice %arg4[%mul3A_381, %mul3A_348] : memref<3725x16384xf32, #tpu.memory_space<hbm>> -> memref<128x256xf32, #tpu.memory_space<hbm>>
      tpu.enqueue_dma source(%arg9 : memref<128x256xf32, #tpu.memory_space<vmem>>) target(%dma_start3A_383 : memref<128x256xf32, #tpu.memory_space<hbm>>) target_semaphore(%arg19 : memref<!tpu.dma_semaphore, #tpu.memory_space<semaphore_mem>>)
      %lt3A_384 = arith.constant 55 : i32
      %lt3A_385 = arith.cmpi slt, %add3A_339, %lt3A_384 : i32
      %convert_element_type3A_386 = arith.extui %lt3A_385 : i1 to i32
      %cond3A_387 = arith.constant 0 : i32
      %cond3A_388 = arith.cmpi ne, %convert_element_type3A_386, %cond3A_387 : i32
      scf.if %cond3A_388 {
        %add3A_442 = arith.constant 96 : i32
        %add3A_443 = arith.addi %add3A_342, %add3A_442 : i32
        %shift_right_arithmetic3A_444 = arith.constant 6 : i32
        %shift_right_arithmetic3A_445 = arith.shrsi %add3A_443, %shift_right_arithmetic3A_444 : i32
        %and3A_446 = arith.constant 63 : i32
        %and3A_447 = arith.andi %add3A_443, %and3A_446 : i32
        %mul3A_448 = arith.constant 256 : i32
        %mul3A_449 = arith.muli %and3A_447, %mul3A_448 : i32
        %ge3A_450 = arith.constant 26 : i32
        %ge3A_451 = arith.cmpi sge, %shift_right_arithmetic3A_445, %ge3A_450 : i32
        %sub3A_452 = arith.constant 26 : i32
        %sub3A_453 = arith.subi %shift_right_arithmetic3A_445, %sub3A_452 : i32
        %mul3A_454 = arith.constant 2 : i32
        %mul3A_455 = arith.muli %mul3A_454, %sub3A_453 : i32
        %select_n3A_456 = arith.select %ge3A_451, %mul3A_455, %shift_right_arithmetic3A_445 : i32
        %mul3A_457 = arith.constant 2 : i32
        %mul3A_458 = arith.muli %mul3A_457, %sub3A_453 : i32
        %add3A_459 = arith.constant 1 : i32
        %add3A_460 = arith.addi %mul3A_458, %add3A_459 : i32
        %select_n3A_461 = arith.select %ge3A_451, %add3A_460, %shift_right_arithmetic3A_445 : i32
        %dma_start3A_462 = arith.constant 0 : i32
        %dma_start3A_463 = arith.constant 0 : i32
        %dma_start3A_464 = tpu.memref_slice %arg6[%dma_start3A_462, %dma_start3A_463] : memref<2x256xi32, #tpu.memory_space<vmem>> -> memref<1x256xi32, #tpu.memory_space<vmem>>
        %dma_start3A_465 = tpu.memref_slice %arg2[%select_n3A_456, %mul3A_449] : memref<26x16384xi32, #tpu.memory_space<hbm>> -> memref<1x256xi32, #tpu.memory_space<hbm>>
        %dma_start3A_466 = arith.constant 0 : i32
        %dma_start3A_467 = arith.constant 0 : i32
        %dma_start3A_468 = tpu.memref_slice %arg6[%dma_start3A_466, %dma_start3A_467] : memref<2x256xi32, #tpu.memory_space<vmem>> -> memref<1x256xi32, #tpu.memory_space<vmem>>
        %dma_start3A_469 = tpu.memref_slice %arg2[%select_n3A_456, %mul3A_449] : memref<26x16384xi32, #tpu.memory_space<hbm>> -> memref<1x256xi32, #tpu.memory_space<hbm>>
        tpu.enqueue_dma source(%dma_start3A_469 : memref<1x256xi32, #tpu.memory_space<hbm>>) target(%dma_start3A_468 : memref<1x256xi32, #tpu.memory_space<vmem>>) target_semaphore(%arg16 : memref<!tpu.dma_semaphore, #tpu.memory_space<semaphore_mem>>)
        %dma_start3A_470 = arith.constant 1 : i32
        %dma_start3A_471 = arith.constant 0 : i32
        %dma_start3A_472 = tpu.memref_slice %arg6[%dma_start3A_470, %dma_start3A_471] : memref<2x256xi32, #tpu.memory_space<vmem>> -> memref<1x256xi32, #tpu.memory_space<vmem>>
        %dma_start3A_473 = tpu.memref_slice %arg2[%select_n3A_461, %mul3A_449] : memref<26x16384xi32, #tpu.memory_space<hbm>> -> memref<1x256xi32, #tpu.memory_space<hbm>>
        %dma_start3A_474 = arith.constant 1 : i32
        %dma_start3A_475 = arith.constant 0 : i32
        %dma_start3A_476 = tpu.memref_slice %arg6[%dma_start3A_474, %dma_start3A_475] : memref<2x256xi32, #tpu.memory_space<vmem>> -> memref<1x256xi32, #tpu.memory_space<vmem>>
        %dma_start3A_477 = tpu.memref_slice %arg2[%select_n3A_461, %mul3A_449] : memref<26x16384xi32, #tpu.memory_space<hbm>> -> memref<1x256xi32, #tpu.memory_space<hbm>>
        tpu.enqueue_dma source(%dma_start3A_477 : memref<1x256xi32, #tpu.memory_space<hbm>>) target(%dma_start3A_476 : memref<1x256xi32, #tpu.memory_space<vmem>>) target_semaphore(%arg16 : memref<!tpu.dma_semaphore, #tpu.memory_space<semaphore_mem>>)
      } else {
      }
      %mul3A_389 = arith.constant 3 : i32
      %mul3A_390 = arith.muli %scan3A_282, %mul3A_389 : i32
      %add3A_391 = arith.constant 2 : i32
      %add3A_392 = arith.addi %mul3A_390, %add3A_391 : i32
      %mul3A_393 = arith.constant 32 : i32
      %mul3A_394 = arith.muli %mul3A_393, %add3A_392 : i32
      %add3A_395 = arith.addi %add3A, %mul3A_394 : i32
      %shift_right_arithmetic3A_396 = arith.constant 6 : i32
      %shift_right_arithmetic3A_397 = arith.shrsi %add3A_395, %shift_right_arithmetic3A_396 : i32
      %and3A_398 = arith.constant 63 : i32
      %and3A_399 = arith.andi %add3A_395, %and3A_398 : i32
      %mul3A_400 = arith.constant 256 : i32
      %mul3A_401 = arith.muli %and3A_399, %mul3A_400 : i32
      %ge3A_402 = arith.constant 26 : i32
      %ge3A_403 = arith.cmpi sge, %shift_right_arithmetic3A_397, %ge3A_402 : i32
      %sub3A_404 = arith.constant 26 : i32
      %sub3A_405 = arith.subi %shift_right_arithmetic3A_397, %sub3A_404 : i32
      %mul3A_406 = arith.constant 2 : i32
      %mul3A_407 = arith.muli %mul3A_406, %sub3A_405 : i32
      %select_n3A_408 = arith.select %ge3A_403, %mul3A_407, %shift_right_arithmetic3A_397 : i32
      %mul3A_409 = arith.constant 2 : i32
      %mul3A_410 = arith.muli %mul3A_409, %sub3A_405 : i32
      %add3A_411 = arith.constant 1 : i32
      %add3A_412 = arith.addi %mul3A_410, %add3A_411 : i32
      %select_n3A_413 = arith.select %ge3A_403, %add3A_412, %shift_right_arithmetic3A_397 : i32
      %dma_wait3A_414 = arith.constant 0 : i32
      %dma_wait3A_415 = arith.constant 0 : i32
      %dma_wait3A_416 = tpu.memref_slice %arg2[%dma_wait3A_414, %dma_wait3A_415] : memref<26x16384xi32, #tpu.memory_space<hbm>> -> memref<2x256xi32, #tpu.memory_space<hbm>>
      %dma_wait3A_417 = arith.constant 0 : i32
      %dma_wait3A_418 = arith.constant 0 : i32
      %dma_wait3A_419 = tpu.memref_slice %arg2[%dma_wait3A_417, %dma_wait3A_418] : memref<26x16384xi32, #tpu.memory_space<hbm>> -> memref<2x256xi32, #tpu.memory_space<hbm>>
      tpu.wait_dma2 semaphore(%arg17 : memref<!tpu.dma_semaphore, #tpu.memory_space<semaphore_mem>>) src(%dma_wait3A_419 : memref<2x256xi32, #tpu.memory_space<hbm>>) dst(%arg7 : memref<2x256xi32, #tpu.memory_space<vmem>>)
      %ge3A_420 = arith.constant 3 : i32
      %ge3A_421 = arith.cmpi sge, %add3A_392, %ge3A_420 : i32
      %convert_element_type3A_422 = arith.extui %ge3A_421 : i1 to i32
      %cond3A_423 = arith.constant 0 : i32
      %cond3A_424 = arith.cmpi ne, %convert_element_type3A_422, %cond3A_423 : i32
      scf.if %cond3A_424 {
        %dma_wait3A_442 = arith.constant 0 : i32
        %dma_wait3A_443 = arith.constant 0 : i32
        %dma_wait3A_444 = tpu.memref_slice %arg4[%dma_wait3A_442, %dma_wait3A_443] : memref<3725x16384xf32, #tpu.memory_space<hbm>> -> memref<128x256xf32, #tpu.memory_space<hbm>>
        %dma_wait3A_445 = arith.constant 0 : i32
        %dma_wait3A_446 = arith.constant 0 : i32
        %dma_wait3A_447 = tpu.memref_slice %arg4[%dma_wait3A_445, %dma_wait3A_446] : memref<3725x16384xf32, #tpu.memory_space<hbm>> -> memref<128x256xf32, #tpu.memory_space<hbm>>
        tpu.wait_dma2 semaphore(%arg20 : memref<!tpu.dma_semaphore, #tpu.memory_space<semaphore_mem>>) src(%arg10 : memref<128x256xf32, #tpu.memory_space<vmem>>) dst(%dma_wait3A_447 : memref<128x256xf32, #tpu.memory_space<hbm>>)
        %scan3A_448 = arith.constant 0 : i32
        %scan3A_449 = arith.constant 16 : i32
        %scan3A_450 = arith.addi %scan3A_448, %scan3A_449 : i32
        %scan3A_451 = arith.constant 1 : i32
        scf.for %scan3A_453 = %scan3A_448 to %scan3A_450 step %scan3A_451  : i32 {
          %mul3A_454 = arith.constant 16 : i32
          %mul3A_455 = arith.muli %scan3A_453, %mul3A_454 : i32
          %get3A = arith.index_cast %mul3A_455 : i32 to index
          %get3A_456 = tpu.vector_load %arg13[%get3A] {strides = array<i32>} : memref<256xi32, #tpu.memory_space<vmem>>, vector<16xi32>,
          %mul3A_457 = arith.constant 16 : i32
          %mul3A_458 = arith.muli %scan3A_453, %mul3A_457 : i32
          %add3A_459 = vector.broadcast %mul3A_458 : i32 to vector<16xi32>
          %add3A_460 = arith.addi %add3A_459, %iota3A : vector<16xi32>
          tpu.vector_store_idx %arg10[%get3A_456, %add3A_460], %broadcast_in_dim3A_3 : memref<128x256xf32, #tpu.memory_space<vmem>>[vector<16xi32>, vector<16xi32>], vector<16xf32>,
        }
        %scan3A_452 = arith.constant 16 : i32
      } else {
      }
      %convert_element_type3A_425 = arith.extui %ge3A_403 : i1 to i32
      %cond3A_426 = arith.constant 0 : i32
      %cond3A_427 = arith.cmpi ne, %convert_element_type3A_425, %cond3A_426 : i32
      scf.if %cond3A_427 {
        %scan3A_442 = arith.constant 0 : i32
        %scan3A_443 = arith.constant 16 : i32
        %scan3A_444 = arith.addi %scan3A_442, %scan3A_443 : i32
        %scan3A_445 = arith.constant 1 : i32
        scf.for %scan3A_447 = %scan3A_442 to %scan3A_444 step %scan3A_445  : i32 {
          %mul3A_448 = arith.constant 16 : i32
          %mul3A_449 = arith.muli %scan3A_447, %mul3A_448 : i32
          %get3A = arith.constant 0 : i32
          %get3A_450 = arith.index_cast %get3A : i32 to index
          %get3A_451 = arith.index_cast %mul3A_449 : i32 to index
          %get3A_452 = tpu.vector_load %arg7[%get3A_450, %get3A_451] {strides = array<i32>} : memref<2x256xi32, #tpu.memory_space<vmem>>, vector<16xi32>,
          %mul3A_453 = arith.constant 16 : i32
          %mul3A_454 = arith.muli %scan3A_447, %mul3A_453 : i32
          %get3A_455 = arith.constant 1 : i32
          %get3A_456 = arith.index_cast %get3A_455 : i32 to index
          %get3A_457 = arith.index_cast %mul3A_454 : i32 to index
          %get3A_458 = tpu.vector_load %arg7[%get3A_456, %get3A_457] {strides = array<i32>} : memref<2x256xi32, #tpu.memory_space<vmem>>, vector<16xi32>,
          %jit3A = arith.constant 32749 : i32
          %eq3A = arith.constant 0 : i32
          %eq3A_459 = arith.cmpi eq, %jit3A, %eq3A : i32
          %jit3A_460 = arith.constant 1 : i32
          %select_n3A_461 = arith.select %eq3A_459, %jit3A_460, %jit3A : i32
          %rem3A = vector.broadcast %select_n3A_461 : i32 to vector<16xi32>
          %rem3A_462 = arith.remsi %get3A_452, %rem3A : vector<16xi32>
          %ne3A = arith.constant 0 : i32
          %ne3A_463 = vector.broadcast %ne3A : i32 to vector<16xi32>
          %ne3A_464 = arith.cmpi ne, %rem3A_462, %ne3A_463 : vector<16xi32>
          %lt3A_465 = arith.constant 0 : i32
          %lt3A_466 = vector.broadcast %lt3A_465 : i32 to vector<16xi32>
          %lt3A_467 = arith.cmpi slt, %rem3A_462, %lt3A_466 : vector<16xi32>
          %lt3A_468 = arith.constant 0 : i32
          %lt3A_469 = arith.cmpi slt, %select_n3A_461, %lt3A_468 : i32
          %ne3A_470 = vector.broadcast %lt3A_469 : i1 to vector<16xi1>
          %ne3A_471 = vector.broadcast %ne3A_470 : vector<16xi1> to vector<16xi1>
          %ne3A_472 = arith.xori %lt3A_467, %ne3A_471 : vector<16xi1>
          %and3A_473 = arith.andi %ne3A_472, %ne3A_464 : vector<16xi1>
          %add3A_474 = vector.broadcast %select_n3A_461 : i32 to vector<16xi32>
          %add3A_475 = arith.addi %rem3A_462, %add3A_474 : vector<16xi32>
          %select_n3A_476 = arith.select %and3A_473, %add3A_475, %rem3A_462 : vector<16xi1>, vector<16xi32>
          %mul3A_477 = arith.constant 32749 : i32
          %mul3A_478 = vector.broadcast %mul3A_477 : i32 to vector<16xi32>
          %mul3A_479 = arith.muli %select_n3A_476, %mul3A_478 : vector<16xi32>
          %jit3A_480 = arith.constant 32749 : i32
          %eq3A_481 = arith.constant 0 : i32
          %eq3A_482 = arith.cmpi eq, %jit3A_480, %eq3A_481 : i32
          %jit3A_483 = arith.constant 1 : i32
          %select_n3A_484 = arith.select %eq3A_482, %jit3A_483, %jit3A_480 : i32
          %rem3A_485 = vector.broadcast %select_n3A_484 : i32 to vector<16xi32>
          %rem3A_486 = arith.remsi %get3A_458, %rem3A_485 : vector<16xi32>
          %ne3A_487 = arith.constant 0 : i32
          %ne3A_488 = vector.broadcast %ne3A_487 : i32 to vector<16xi32>
          %ne3A_489 = arith.cmpi ne, %rem3A_486, %ne3A_488 : vector<16xi32>
          %lt3A_490 = arith.constant 0 : i32
          %lt3A_491 = vector.broadcast %lt3A_490 : i32 to vector<16xi32>
          %lt3A_492 = arith.cmpi slt, %rem3A_486, %lt3A_491 : vector<16xi32>
          %lt3A_493 = arith.constant 0 : i32
          %lt3A_494 = arith.cmpi slt, %select_n3A_484, %lt3A_493 : i32
          %ne3A_495 = vector.broadcast %lt3A_494 : i1 to vector<16xi1>
          %ne3A_496 = vector.broadcast %ne3A_495 : vector<16xi1> to vector<16xi1>
          %ne3A_497 = arith.xori %lt3A_492, %ne3A_496 : vector<16xi1>
          %and3A_498 = arith.andi %ne3A_497, %ne3A_489 : vector<16xi1>
          %add3A_499 = vector.broadcast %select_n3A_484 : i32 to vector<16xi32>
          %add3A_500 = arith.addi %rem3A_486, %add3A_499 : vector<16xi32>
          %select_n3A_501 = arith.select %and3A_498, %add3A_500, %rem3A_486 : vector<16xi1>, vector<16xi32>
          %add3A_502 = arith.addi %mul3A_479, %select_n3A_501 : vector<16xi32>
          %mul3A_503 = arith.constant 31 : i32
          %mul3A_504 = vector.broadcast %mul3A_503 : i32 to vector<16xi32>
          %mul3A_505 = arith.muli %add3A_502, %mul3A_504 : vector<16xi32>
          %add3A_506 = arith.constant 17 : i32
          %add3A_507 = vector.broadcast %add3A_506 : i32 to vector<16xi32>
          %add3A_508 = arith.addi %mul3A_505, %add3A_507 : vector<16xi32>
          %and3A_509 = arith.constant 127 : i32
          %and3A_510 = vector.broadcast %and3A_509 : i32 to vector<16xi32>
          %and3A_511 = arith.andi %add3A_508, %and3A_510 : vector<16xi32>
          %mul3A_512 = arith.constant 16 : i32
          %mul3A_513 = arith.muli %scan3A_447, %mul3A_512 : i32
          %add3A_514 = vector.broadcast %mul3A_513 : i32 to vector<16xi32>
          %add3A_515 = arith.addi %add3A_514, %iota3A : vector<16xi32>
          tpu.vector_store_idx %arg10[%and3A_511, %add3A_515], %broadcast_in_dim3A_1 : memref<128x256xf32, #tpu.memory_space<vmem>>[vector<16xi32>, vector<16xi32>], vector<16xf32>,
          %mul3A_516 = arith.constant 16 : i32
          %mul3A_517 = arith.muli %scan3A_447, %mul3A_516 : i32
          %swap3A_518 = arith.index_cast %mul3A_517 : i32 to index
          %swap3A_519 = tpu.vector_load %arg13[%swap3A_518] {strides = array<i32>} : memref<256xi32, #tpu.memory_space<vmem>>, vector<16xi32>,
          tpu.vector_store %arg13[%swap3A_518], %and3A_511 {strides = array<i32>} : memref<256xi32, #tpu.memory_space<vmem>>, vector<16xi32>,
        }
        %scan3A_446 = arith.constant 16 : i32
      } else {
      }
      %not3A_428 = arith.constant true
      %not3A_429 = arith.xori %ge3A_403, %not3A_428 : i1
      %convert_element_type3A_430 = arith.extui %not3A_429 : i1 to i32
      %cond3A_431 = arith.constant 0 : i32
      %cond3A_432 = arith.cmpi ne, %convert_element_type3A_430, %cond3A_431 : i32
      scf.if %cond3A_432 {
        %scan3A_442 = arith.constant 0 : i32
        %scan3A_443 = arith.constant 16 : i32
        %scan3A_444 = arith.addi %scan3A_442, %scan3A_443 : i32
        %scan3A_445 = arith.constant 1 : i32
        scf.for %scan3A_447 = %scan3A_442 to %scan3A_444 step %scan3A_445  : i32 {
          %mul3A_448 = arith.constant 16 : i32
          %mul3A_449 = arith.muli %scan3A_447, %mul3A_448 : i32
          %get3A = arith.constant 0 : i32
          %get3A_450 = arith.index_cast %get3A : i32 to index
          %get3A_451 = arith.index_cast %mul3A_449 : i32 to index
          %get3A_452 = tpu.vector_load %arg7[%get3A_450, %get3A_451] {strides = array<i32>} : memref<2x256xi32, #tpu.memory_space<vmem>>, vector<16xi32>,
          %mul3A_453 = arith.constant 31 : i32
          %mul3A_454 = vector.broadcast %mul3A_453 : i32 to vector<16xi32>
          %mul3A_455 = arith.muli %get3A_452, %mul3A_454 : vector<16xi32>
          %add3A_456 = arith.constant 17 : i32
          %add3A_457 = vector.broadcast %add3A_456 : i32 to vector<16xi32>
          %add3A_458 = arith.addi %mul3A_455, %add3A_457 : vector<16xi32>
          %and3A_459 = arith.constant 127 : i32
          %and3A_460 = vector.broadcast %and3A_459 : i32 to vector<16xi32>
          %and3A_461 = arith.andi %add3A_458, %and3A_460 : vector<16xi32>
          %mul3A_462 = arith.constant 16 : i32
          %mul3A_463 = arith.muli %scan3A_447, %mul3A_462 : i32
          %add3A_464 = vector.broadcast %mul3A_463 : i32 to vector<16xi32>
          %add3A_465 = arith.addi %add3A_464, %iota3A : vector<16xi32>
          tpu.vector_store_idx %arg10[%and3A_461, %add3A_465], %broadcast_in_dim3A_1 : memref<128x256xf32, #tpu.memory_space<vmem>>[vector<16xi32>, vector<16xi32>], vector<16xf32>,
          %mul3A_466 = arith.constant 16 : i32
          %mul3A_467 = arith.muli %scan3A_447, %mul3A_466 : i32
          %swap3A_468 = arith.index_cast %mul3A_467 : i32 to index
          %swap3A_469 = tpu.vector_load %arg13[%swap3A_468] {strides = array<i32>} : memref<256xi32, #tpu.memory_space<vmem>>, vector<16xi32>,
          tpu.vector_store %arg13[%swap3A_468], %and3A_461 {strides = array<i32>} : memref<256xi32, #tpu.memory_space<vmem>>, vector<16xi32>,
        }
        %scan3A_446 = arith.constant 16 : i32
      } else {
      }
      %mul3A_433 = arith.constant 128 : i32
      %mul3A_434 = arith.muli %shift_right_arithmetic3A_397, %mul3A_433 : i32
      %dma_start3A_435 = tpu.memref_slice %arg4[%mul3A_434, %mul3A_401] : memref<3725x16384xf32, #tpu.memory_space<hbm>> -> memref<128x256xf32, #tpu.memory_space<hbm>>
      %dma_start3A_436 = tpu.memref_slice %arg4[%mul3A_434, %mul3A_401] : memref<3725x16384xf32, #tpu.memory_space<hbm>> -> memref<128x256xf32, #tpu.memory_space<hbm>>
      tpu.enqueue_dma source(%arg10 : memref<128x256xf32, #tpu.memory_space<vmem>>) target(%dma_start3A_436 : memref<128x256xf32, #tpu.memory_space<hbm>>) target_semaphore(%arg20 : memref<!tpu.dma_semaphore, #tpu.memory_space<semaphore_mem>>)
      %lt3A_437 = arith.constant 55 : i32
      %lt3A_438 = arith.cmpi slt, %add3A_392, %lt3A_437 : i32
      %convert_element_type3A_439 = arith.extui %lt3A_438 : i1 to i32
      %cond3A_440 = arith.constant 0 : i32
      %cond3A_441 = arith.cmpi ne, %convert_element_type3A_439, %cond3A_440 : i32
      scf.if %cond3A_441 {
        %add3A_442 = arith.constant 96 : i32
        %add3A_443 = arith.addi %add3A_395, %add3A_442 : i32
        %shift_right_arithmetic3A_444 = arith.constant 6 : i32
        %shift_right_arithmetic3A_445 = arith.shrsi %add3A_443, %shift_right_arithmetic3A_444 : i32
        %and3A_446 = arith.constant 63 : i32
        %and3A_447 = arith.andi %add3A_443, %and3A_446 : i32
        %mul3A_448 = arith.constant 256 : i32
        %mul3A_449 = arith.muli %and3A_447, %mul3A_448 : i32
        %ge3A_450 = arith.constant 26 : i32
        %ge3A_451 = arith.cmpi sge, %shift_right_arithmetic3A_445, %ge3A_450 : i32
        %sub3A_452 = arith.constant 26 : i32
        %sub3A_453 = arith.subi %shift_right_arithmetic3A_445, %sub3A_452 : i32
        %mul3A_454 = arith.constant 2 : i32
        %mul3A_455 = arith.muli %mul3A_454, %sub3A_453 : i32
        %select_n3A_456 = arith.select %ge3A_451, %mul3A_455, %shift_right_arithmetic3A_445 : i32
        %mul3A_457 = arith.constant 2 : i32
        %mul3A_458 = arith.muli %mul3A_457, %sub3A_453 : i32
        %add3A_459 = arith.constant 1 : i32
        %add3A_460 = arith.addi %mul3A_458, %add3A_459 : i32
        %select_n3A_461 = arith.select %ge3A_451, %add3A_460, %shift_right_arithmetic3A_445 : i32
        %dma_start3A_462 = arith.constant 0 : i32
        %dma_start3A_463 = arith.constant 0 : i32
        %dma_start3A_464 = tpu.memref_slice %arg7[%dma_start3A_462, %dma_start3A_463] : memref<2x256xi32, #tpu.memory_space<vmem>> -> memref<1x256xi32, #tpu.memory_space<vmem>>
        %dma_start3A_465 = tpu.memref_slice %arg2[%select_n3A_456, %mul3A_449] : memref<26x16384xi32, #tpu.memory_space<hbm>> -> memref<1x256xi32, #tpu.memory_space<hbm>>
        %dma_start3A_466 = arith.constant 0 : i32
        %dma_start3A_467 = arith.constant 0 : i32
        %dma_start3A_468 = tpu.memref_slice %arg7[%dma_start3A_466, %dma_start3A_467] : memref<2x256xi32, #tpu.memory_space<vmem>> -> memref<1x256xi32, #tpu.memory_space<vmem>>
        %dma_start3A_469 = tpu.memref_slice %arg2[%select_n3A_456, %mul3A_449] : memref<26x16384xi32, #tpu.memory_space<hbm>> -> memref<1x256xi32, #tpu.memory_space<hbm>>
        tpu.enqueue_dma source(%dma_start3A_469 : memref<1x256xi32, #tpu.memory_space<hbm>>) target(%dma_start3A_468 : memref<1x256xi32, #tpu.memory_space<vmem>>) target_semaphore(%arg17 : memref<!tpu.dma_semaphore, #tpu.memory_space<semaphore_mem>>)
        %dma_start3A_470 = arith.constant 1 : i32
        %dma_start3A_471 = arith.constant 0 : i32
        %dma_start3A_472 = tpu.memref_slice %arg7[%dma_start3A_470, %dma_start3A_471] : memref<2x256xi32, #tpu.memory_space<vmem>> -> memref<1x256xi32, #tpu.memory_space<vmem>>
        %dma_start3A_473 = tpu.memref_slice %arg2[%select_n3A_461, %mul3A_449] : memref<26x16384xi32, #tpu.memory_space<hbm>> -> memref<1x256xi32, #tpu.memory_space<hbm>>
        %dma_start3A_474 = arith.constant 1 : i32
        %dma_start3A_475 = arith.constant 0 : i32
        %dma_start3A_476 = tpu.memref_slice %arg7[%dma_start3A_474, %dma_start3A_475] : memref<2x256xi32, #tpu.memory_space<vmem>> -> memref<1x256xi32, #tpu.memory_space<vmem>>
        %dma_start3A_477 = tpu.memref_slice %arg2[%select_n3A_461, %mul3A_449] : memref<26x16384xi32, #tpu.memory_space<hbm>> -> memref<1x256xi32, #tpu.memory_space<hbm>>
        tpu.enqueue_dma source(%dma_start3A_477 : memref<1x256xi32, #tpu.memory_space<hbm>>) target(%dma_start3A_476 : memref<1x256xi32, #tpu.memory_space<vmem>>) target_semaphore(%arg17 : memref<!tpu.dma_semaphore, #tpu.memory_space<semaphore_mem>>)
      } else {
      }
    }
    %scan3A_211 = arith.constant 19 : i32
    %mul3A_212 = arith.constant 32 : i32
    %mul3A_213 = arith.constant 57 : i32
    %mul3A_214 = arith.muli %mul3A_212, %mul3A_213 : i32
    %add3A_215 = arith.addi %add3A, %mul3A_214 : i32
    %shift_right_arithmetic3A_216 = arith.constant 6 : i32
    %shift_right_arithmetic3A_217 = arith.shrsi %add3A_215, %shift_right_arithmetic3A_216 : i32
    %and3A_218 = arith.constant 63 : i32
    %and3A_219 = arith.andi %add3A_215, %and3A_218 : i32
    %mul3A_220 = arith.constant 256 : i32
    %mul3A_221 = arith.muli %and3A_219, %mul3A_220 : i32
    %ge3A_222 = arith.constant 26 : i32
    %ge3A_223 = arith.cmpi sge, %shift_right_arithmetic3A_217, %ge3A_222 : i32
    %sub3A_224 = arith.constant 26 : i32
    %sub3A_225 = arith.subi %shift_right_arithmetic3A_217, %sub3A_224 : i32
    %mul3A_226 = arith.constant 2 : i32
    %mul3A_227 = arith.muli %mul3A_226, %sub3A_225 : i32
    %select_n3A_228 = arith.select %ge3A_223, %mul3A_227, %shift_right_arithmetic3A_217 : i32
    %mul3A_229 = arith.constant 2 : i32
    %mul3A_230 = arith.muli %mul3A_229, %sub3A_225 : i32
    %add3A_231 = arith.constant 1 : i32
    %add3A_232 = arith.addi %mul3A_230, %add3A_231 : i32
    %select_n3A_233 = arith.select %ge3A_223, %add3A_232, %shift_right_arithmetic3A_217 : i32
    %dma_wait3A = arith.constant 0 : i32
    %dma_wait3A_234 = arith.constant 0 : i32
    %dma_wait3A_235 = tpu.memref_slice %arg2[%dma_wait3A, %dma_wait3A_234] : memref<26x16384xi32, #tpu.memory_space<hbm>> -> memref<2x256xi32, #tpu.memory_space<hbm>>
    %dma_wait3A_236 = arith.constant 0 : i32
    %dma_wait3A_237 = arith.constant 0 : i32
    %dma_wait3A_238 = tpu.memref_slice %arg2[%dma_wait3A_236, %dma_wait3A_237] : memref<26x16384xi32, #tpu.memory_space<hbm>> -> memref<2x256xi32, #tpu.memory_space<hbm>>
    tpu.wait_dma2 semaphore(%arg15 : memref<!tpu.dma_semaphore, #tpu.memory_space<semaphore_mem>>) src(%dma_wait3A_238 : memref<2x256xi32, #tpu.memory_space<hbm>>) dst(%arg5 : memref<2x256xi32, #tpu.memory_space<vmem>>)
    %ge3A_239 = arith.constant 57 : i32
    %ge3A_240 = arith.constant 3 : i32
    %ge3A_241 = arith.cmpi sge, %ge3A_239, %ge3A_240 : i32
    %convert_element_type3A = arith.extui %ge3A_241 : i1 to i32
    %cond3A = arith.constant 0 : i32
    %cond3A_242 = arith.cmpi ne, %convert_element_type3A, %cond3A : i32
    scf.if %cond3A_242 {
      %dma_wait3A_282 = arith.constant 0 : i32
      %dma_wait3A_283 = arith.constant 0 : i32
      %dma_wait3A_284 = tpu.memref_slice %arg4[%dma_wait3A_282, %dma_wait3A_283] : memref<3725x16384xf32, #tpu.memory_space<hbm>> -> memref<128x256xf32, #tpu.memory_space<hbm>>
      %dma_wait3A_285 = arith.constant 0 : i32
      %dma_wait3A_286 = arith.constant 0 : i32
      %dma_wait3A_287 = tpu.memref_slice %arg4[%dma_wait3A_285, %dma_wait3A_286] : memref<3725x16384xf32, #tpu.memory_space<hbm>> -> memref<128x256xf32, #tpu.memory_space<hbm>>
      tpu.wait_dma2 semaphore(%arg18 : memref<!tpu.dma_semaphore, #tpu.memory_space<semaphore_mem>>) src(%arg8 : memref<128x256xf32, #tpu.memory_space<vmem>>) dst(%dma_wait3A_287 : memref<128x256xf32, #tpu.memory_space<hbm>>)
      %scan3A_288 = arith.constant 0 : i32
      %scan3A_289 = arith.constant 16 : i32
      %scan3A_290 = arith.addi %scan3A_288, %scan3A_289 : i32
      %scan3A_291 = arith.constant 1 : i32
      scf.for %scan3A_293 = %scan3A_288 to %scan3A_290 step %scan3A_291  : i32 {
        %mul3A_294 = arith.constant 16 : i32
        %mul3A_295 = arith.muli %scan3A_293, %mul3A_294 : i32
        %get3A = arith.index_cast %mul3A_295 : i32 to index
        %get3A_296 = tpu.vector_load %arg11[%get3A] {strides = array<i32>} : memref<256xi32, #tpu.memory_space<vmem>>, vector<16xi32>,
        %mul3A_297 = arith.constant 16 : i32
        %mul3A_298 = arith.muli %scan3A_293, %mul3A_297 : i32
        %add3A_299 = vector.broadcast %mul3A_298 : i32 to vector<16xi32>
        %add3A_300 = arith.addi %add3A_299, %iota3A : vector<16xi32>
        tpu.vector_store_idx %arg8[%get3A_296, %add3A_300], %broadcast_in_dim3A_3 : memref<128x256xf32, #tpu.memory_space<vmem>>[vector<16xi32>, vector<16xi32>], vector<16xf32>,
      }
      %scan3A_292 = arith.constant 16 : i32
    } else {
    }
    %convert_element_type3A_243 = arith.extui %ge3A_223 : i1 to i32
    %cond3A_244 = arith.constant 0 : i32
    %cond3A_245 = arith.cmpi ne, %convert_element_type3A_243, %cond3A_244 : i32
    scf.if %cond3A_245 {
      %scan3A_282 = arith.constant 0 : i32
      %scan3A_283 = arith.constant 16 : i32
      %scan3A_284 = arith.addi %scan3A_282, %scan3A_283 : i32
      %scan3A_285 = arith.constant 1 : i32
      scf.for %scan3A_287 = %scan3A_282 to %scan3A_284 step %scan3A_285  : i32 {
        %mul3A_288 = arith.constant 16 : i32
        %mul3A_289 = arith.muli %scan3A_287, %mul3A_288 : i32
        %get3A = arith.constant 0 : i32
        %get3A_290 = arith.index_cast %get3A : i32 to index
        %get3A_291 = arith.index_cast %mul3A_289 : i32 to index
        %get3A_292 = tpu.vector_load %arg5[%get3A_290, %get3A_291] {strides = array<i32>} : memref<2x256xi32, #tpu.memory_space<vmem>>, vector<16xi32>,
        %mul3A_293 = arith.constant 16 : i32
        %mul3A_294 = arith.muli %scan3A_287, %mul3A_293 : i32
        %get3A_295 = arith.constant 1 : i32
        %get3A_296 = arith.index_cast %get3A_295 : i32 to index
        %get3A_297 = arith.index_cast %mul3A_294 : i32 to index
        %get3A_298 = tpu.vector_load %arg5[%get3A_296, %get3A_297] {strides = array<i32>} : memref<2x256xi32, #tpu.memory_space<vmem>>, vector<16xi32>,
        %jit3A = arith.constant 32749 : i32
        %eq3A = arith.constant 0 : i32
        %eq3A_299 = arith.cmpi eq, %jit3A, %eq3A : i32
        %jit3A_300 = arith.constant 1 : i32
        %select_n3A_301 = arith.select %eq3A_299, %jit3A_300, %jit3A : i32
        %rem3A = vector.broadcast %select_n3A_301 : i32 to vector<16xi32>
        %rem3A_302 = arith.remsi %get3A_292, %rem3A : vector<16xi32>
        %ne3A = arith.constant 0 : i32
        %ne3A_303 = vector.broadcast %ne3A : i32 to vector<16xi32>
        %ne3A_304 = arith.cmpi ne, %rem3A_302, %ne3A_303 : vector<16xi32>
        %lt3A_305 = arith.constant 0 : i32
        %lt3A_306 = vector.broadcast %lt3A_305 : i32 to vector<16xi32>
        %lt3A_307 = arith.cmpi slt, %rem3A_302, %lt3A_306 : vector<16xi32>
        %lt3A_308 = arith.constant 0 : i32
        %lt3A_309 = arith.cmpi slt, %select_n3A_301, %lt3A_308 : i32
        %ne3A_310 = vector.broadcast %lt3A_309 : i1 to vector<16xi1>
        %ne3A_311 = vector.broadcast %ne3A_310 : vector<16xi1> to vector<16xi1>
        %ne3A_312 = arith.xori %lt3A_307, %ne3A_311 : vector<16xi1>
        %and3A_313 = arith.andi %ne3A_312, %ne3A_304 : vector<16xi1>
        %add3A_314 = vector.broadcast %select_n3A_301 : i32 to vector<16xi32>
        %add3A_315 = arith.addi %rem3A_302, %add3A_314 : vector<16xi32>
        %select_n3A_316 = arith.select %and3A_313, %add3A_315, %rem3A_302 : vector<16xi1>, vector<16xi32>
        %mul3A_317 = arith.constant 32749 : i32
        %mul3A_318 = vector.broadcast %mul3A_317 : i32 to vector<16xi32>
        %mul3A_319 = arith.muli %select_n3A_316, %mul3A_318 : vector<16xi32>
        %jit3A_320 = arith.constant 32749 : i32
        %eq3A_321 = arith.constant 0 : i32
        %eq3A_322 = arith.cmpi eq, %jit3A_320, %eq3A_321 : i32
        %jit3A_323 = arith.constant 1 : i32
        %select_n3A_324 = arith.select %eq3A_322, %jit3A_323, %jit3A_320 : i32
        %rem3A_325 = vector.broadcast %select_n3A_324 : i32 to vector<16xi32>
        %rem3A_326 = arith.remsi %get3A_298, %rem3A_325 : vector<16xi32>
        %ne3A_327 = arith.constant 0 : i32
        %ne3A_328 = vector.broadcast %ne3A_327 : i32 to vector<16xi32>
        %ne3A_329 = arith.cmpi ne, %rem3A_326, %ne3A_328 : vector<16xi32>
        %lt3A_330 = arith.constant 0 : i32
        %lt3A_331 = vector.broadcast %lt3A_330 : i32 to vector<16xi32>
        %lt3A_332 = arith.cmpi slt, %rem3A_326, %lt3A_331 : vector<16xi32>
        %lt3A_333 = arith.constant 0 : i32
        %lt3A_334 = arith.cmpi slt, %select_n3A_324, %lt3A_333 : i32
        %ne3A_335 = vector.broadcast %lt3A_334 : i1 to vector<16xi1>
        %ne3A_336 = vector.broadcast %ne3A_335 : vector<16xi1> to vector<16xi1>
        %ne3A_337 = arith.xori %lt3A_332, %ne3A_336 : vector<16xi1>
        %and3A_338 = arith.andi %ne3A_337, %ne3A_329 : vector<16xi1>
        %add3A_339 = vector.broadcast %select_n3A_324 : i32 to vector<16xi32>
        %add3A_340 = arith.addi %rem3A_326, %add3A_339 : vector<16xi32>
        %select_n3A_341 = arith.select %and3A_338, %add3A_340, %rem3A_326 : vector<16xi1>, vector<16xi32>
        %add3A_342 = arith.addi %mul3A_319, %select_n3A_341 : vector<16xi32>
        %mul3A_343 = arith.constant 31 : i32
        %mul3A_344 = vector.broadcast %mul3A_343 : i32 to vector<16xi32>
        %mul3A_345 = arith.muli %add3A_342, %mul3A_344 : vector<16xi32>
        %add3A_346 = arith.constant 17 : i32
        %add3A_347 = vector.broadcast %add3A_346 : i32 to vector<16xi32>
        %add3A_348 = arith.addi %mul3A_345, %add3A_347 : vector<16xi32>
        %and3A_349 = arith.constant 127 : i32
        %and3A_350 = vector.broadcast %and3A_349 : i32 to vector<16xi32>
        %and3A_351 = arith.andi %add3A_348, %and3A_350 : vector<16xi32>
        %mul3A_352 = arith.constant 16 : i32
        %mul3A_353 = arith.muli %scan3A_287, %mul3A_352 : i32
        %add3A_354 = vector.broadcast %mul3A_353 : i32 to vector<16xi32>
        %add3A_355 = arith.addi %add3A_354, %iota3A : vector<16xi32>
        tpu.vector_store_idx %arg8[%and3A_351, %add3A_355], %broadcast_in_dim3A_1 : memref<128x256xf32, #tpu.memory_space<vmem>>[vector<16xi32>, vector<16xi32>], vector<16xf32>,
        %mul3A_356 = arith.constant 16 : i32
        %mul3A_357 = arith.muli %scan3A_287, %mul3A_356 : i32
        %swap3A_358 = arith.index_cast %mul3A_357 : i32 to index
        %swap3A_359 = tpu.vector_load %arg11[%swap3A_358] {strides = array<i32>} : memref<256xi32, #tpu.memory_space<vmem>>, vector<16xi32>,
        tpu.vector_store %arg11[%swap3A_358], %and3A_351 {strides = array<i32>} : memref<256xi32, #tpu.memory_space<vmem>>, vector<16xi32>,
      }
      %scan3A_286 = arith.constant 16 : i32
    } else {
    }
    %not3A = arith.constant true
    %not3A_246 = arith.xori %ge3A_223, %not3A : i1
    %convert_element_type3A_247 = arith.extui %not3A_246 : i1 to i32
    %cond3A_248 = arith.constant 0 : i32
    %cond3A_249 = arith.cmpi ne, %convert_element_type3A_247, %cond3A_248 : i32
    scf.if %cond3A_249 {
      %scan3A_282 = arith.constant 0 : i32
      %scan3A_283 = arith.constant 16 : i32
      %scan3A_284 = arith.addi %scan3A_282, %scan3A_283 : i32
      %scan3A_285 = arith.constant 1 : i32
      scf.for %scan3A_287 = %scan3A_282 to %scan3A_284 step %scan3A_285  : i32 {
        %mul3A_288 = arith.constant 16 : i32
        %mul3A_289 = arith.muli %scan3A_287, %mul3A_288 : i32
        %get3A = arith.constant 0 : i32
        %get3A_290 = arith.index_cast %get3A : i32 to index
        %get3A_291 = arith.index_cast %mul3A_289 : i32 to index
        %get3A_292 = tpu.vector_load %arg5[%get3A_290, %get3A_291] {strides = array<i32>} : memref<2x256xi32, #tpu.memory_space<vmem>>, vector<16xi32>,
        %mul3A_293 = arith.constant 31 : i32
        %mul3A_294 = vector.broadcast %mul3A_293 : i32 to vector<16xi32>
        %mul3A_295 = arith.muli %get3A_292, %mul3A_294 : vector<16xi32>
        %add3A_296 = arith.constant 17 : i32
        %add3A_297 = vector.broadcast %add3A_296 : i32 to vector<16xi32>
        %add3A_298 = arith.addi %mul3A_295, %add3A_297 : vector<16xi32>
        %and3A_299 = arith.constant 127 : i32
        %and3A_300 = vector.broadcast %and3A_299 : i32 to vector<16xi32>
        %and3A_301 = arith.andi %add3A_298, %and3A_300 : vector<16xi32>
        %mul3A_302 = arith.constant 16 : i32
        %mul3A_303 = arith.muli %scan3A_287, %mul3A_302 : i32
        %add3A_304 = vector.broadcast %mul3A_303 : i32 to vector<16xi32>
        %add3A_305 = arith.addi %add3A_304, %iota3A : vector<16xi32>
        tpu.vector_store_idx %arg8[%and3A_301, %add3A_305], %broadcast_in_dim3A_1 : memref<128x256xf32, #tpu.memory_space<vmem>>[vector<16xi32>, vector<16xi32>], vector<16xf32>,
        %mul3A_306 = arith.constant 16 : i32
        %mul3A_307 = arith.muli %scan3A_287, %mul3A_306 : i32
        %swap3A_308 = arith.index_cast %mul3A_307 : i32 to index
        %swap3A_309 = tpu.vector_load %arg11[%swap3A_308] {strides = array<i32>} : memref<256xi32, #tpu.memory_space<vmem>>, vector<16xi32>,
        tpu.vector_store %arg11[%swap3A_308], %and3A_301 {strides = array<i32>} : memref<256xi32, #tpu.memory_space<vmem>>, vector<16xi32>,
      }
      %scan3A_286 = arith.constant 16 : i32
    } else {
    }
    %mul3A_250 = arith.constant 128 : i32
    %mul3A_251 = arith.muli %shift_right_arithmetic3A_217, %mul3A_250 : i32
    %dma_start3A_252 = tpu.memref_slice %arg4[%mul3A_251, %mul3A_221] : memref<3725x16384xf32, #tpu.memory_space<hbm>> -> memref<128x256xf32, #tpu.memory_space<hbm>>
    %dma_start3A_253 = tpu.memref_slice %arg4[%mul3A_251, %mul3A_221] : memref<3725x16384xf32, #tpu.memory_space<hbm>> -> memref<128x256xf32, #tpu.memory_space<hbm>>
    tpu.enqueue_dma source(%arg8 : memref<128x256xf32, #tpu.memory_space<vmem>>) target(%dma_start3A_253 : memref<128x256xf32, #tpu.memory_space<hbm>>) target_semaphore(%arg18 : memref<!tpu.dma_semaphore, #tpu.memory_space<semaphore_mem>>)
    %lt3A = arith.constant 57 : i32
    %lt3A_254 = arith.constant 55 : i32
    %lt3A_255 = arith.cmpi slt, %lt3A, %lt3A_254 : i32
    %convert_element_type3A_256 = arith.extui %lt3A_255 : i1 to i32
    %cond3A_257 = arith.constant 0 : i32
    %cond3A_258 = arith.cmpi ne, %convert_element_type3A_256, %cond3A_257 : i32
    scf.if %cond3A_258 {
      %add3A_282 = arith.constant 96 : i32
      %add3A_283 = arith.addi %add3A_215, %add3A_282 : i32
      %shift_right_arithmetic3A_284 = arith.constant 6 : i32
      %shift_right_arithmetic3A_285 = arith.shrsi %add3A_283, %shift_right_arithmetic3A_284 : i32
      %and3A_286 = arith.constant 63 : i32
      %and3A_287 = arith.andi %add3A_283, %and3A_286 : i32
      %mul3A_288 = arith.constant 256 : i32
      %mul3A_289 = arith.muli %and3A_287, %mul3A_288 : i32
      %ge3A_290 = arith.constant 26 : i32
      %ge3A_291 = arith.cmpi sge, %shift_right_arithmetic3A_285, %ge3A_290 : i32
      %sub3A_292 = arith.constant 26 : i32
      %sub3A_293 = arith.subi %shift_right_arithmetic3A_285, %sub3A_292 : i32
      %mul3A_294 = arith.constant 2 : i32
      %mul3A_295 = arith.muli %mul3A_294, %sub3A_293 : i32
      %select_n3A_296 = arith.select %ge3A_291, %mul3A_295, %shift_right_arithmetic3A_285 : i32
      %mul3A_297 = arith.constant 2 : i32
      %mul3A_298 = arith.muli %mul3A_297, %sub3A_293 : i32
      %add3A_299 = arith.constant 1 : i32
      %add3A_300 = arith.addi %mul3A_298, %add3A_299 : i32
      %select_n3A_301 = arith.select %ge3A_291, %add3A_300, %shift_right_arithmetic3A_285 : i32
      %dma_start3A_302 = arith.constant 0 : i32
      %dma_start3A_303 = arith.constant 0 : i32
      %dma_start3A_304 = tpu.memref_slice %arg5[%dma_start3A_302, %dma_start3A_303] : memref<2x256xi32, #tpu.memory_space<vmem>> -> memref<1x256xi32, #tpu.memory_space<vmem>>
      %dma_start3A_305 = tpu.memref_slice %arg2[%select_n3A_296, %mul3A_289] : memref<26x16384xi32, #tpu.memory_space<hbm>> -> memref<1x256xi32, #tpu.memory_space<hbm>>
      %dma_start3A_306 = arith.constant 0 : i32
      %dma_start3A_307 = arith.constant 0 : i32
      %dma_start3A_308 = tpu.memref_slice %arg5[%dma_start3A_306, %dma_start3A_307] : memref<2x256xi32, #tpu.memory_space<vmem>> -> memref<1x256xi32, #tpu.memory_space<vmem>>
      %dma_start3A_309 = tpu.memref_slice %arg2[%select_n3A_296, %mul3A_289] : memref<26x16384xi32, #tpu.memory_space<hbm>> -> memref<1x256xi32, #tpu.memory_space<hbm>>
      tpu.enqueue_dma source(%dma_start3A_309 : memref<1x256xi32, #tpu.memory_space<hbm>>) target(%dma_start3A_308 : memref<1x256xi32, #tpu.memory_space<vmem>>) target_semaphore(%arg15 : memref<!tpu.dma_semaphore, #tpu.memory_space<semaphore_mem>>)
      %dma_start3A_310 = arith.constant 1 : i32
      %dma_start3A_311 = arith.constant 0 : i32
      %dma_start3A_312 = tpu.memref_slice %arg5[%dma_start3A_310, %dma_start3A_311] : memref<2x256xi32, #tpu.memory_space<vmem>> -> memref<1x256xi32, #tpu.memory_space<vmem>>
      %dma_start3A_313 = tpu.memref_slice %arg2[%select_n3A_301, %mul3A_289] : memref<26x16384xi32, #tpu.memory_space<hbm>> -> memref<1x256xi32, #tpu.memory_space<hbm>>
      %dma_start3A_314 = arith.constant 1 : i32
      %dma_start3A_315 = arith.constant 0 : i32
      %dma_start3A_316 = tpu.memref_slice %arg5[%dma_start3A_314, %dma_start3A_315] : memref<2x256xi32, #tpu.memory_space<vmem>> -> memref<1x256xi32, #tpu.memory_space<vmem>>
      %dma_start3A_317 = tpu.memref_slice %arg2[%select_n3A_301, %mul3A_289] : memref<26x16384xi32, #tpu.memory_space<hbm>> -> memref<1x256xi32, #tpu.memory_space<hbm>>
      tpu.enqueue_dma source(%dma_start3A_317 : memref<1x256xi32, #tpu.memory_space<hbm>>) target(%dma_start3A_316 : memref<1x256xi32, #tpu.memory_space<vmem>>) target_semaphore(%arg15 : memref<!tpu.dma_semaphore, #tpu.memory_space<semaphore_mem>>)
    } else {
    }
    %lt3A_259 = arith.constant 13 : i32
    %lt3A_260 = arith.cmpi slt, %add3A, %lt3A_259 : i32
    %convert_element_type3A_261 = arith.extui %lt3A_260 : i1 to i32
    %cond3A_262 = arith.constant 0 : i32
    %cond3A_263 = arith.cmpi ne, %convert_element_type3A_261, %cond3A_262 : i32
    scf.if %cond3A_263 {
      "tpu.region"() ({
        %run_scoped3A = tpu.sem_alloc : memref<!tpu.dma_semaphore, #tpu.memory_space<semaphore_mem>>
        %dma_start3A_284 = arith.constant 0 : i32
        %dma_start3A_285 = tpu.memref_slice %arg3[%add3A, %dma_start3A_284] : memref<13x16384xf32, #tpu.memory_space<hbm>> -> memref<1x16384xf32, #tpu.memory_space<hbm>>
        %dma_start3A_286 = arith.constant 0 : i32
        %dma_start3A_287 = tpu.memref_slice %arg3[%add3A, %dma_start3A_286] : memref<13x16384xf32, #tpu.memory_space<hbm>> -> memref<1x16384xf32, #tpu.memory_space<hbm>>
        tpu.enqueue_dma source(%dma_start3A_287 : memref<1x16384xf32, #tpu.memory_space<hbm>>) target(%arg14 : memref<1x16384xf32, #tpu.memory_space<vmem>>) target_semaphore(%run_scoped3A : memref<!tpu.dma_semaphore, #tpu.memory_space<semaphore_mem>>)
        %dma_wait3A_288 = arith.constant 0 : i32
        %dma_wait3A_289 = tpu.memref_slice %arg3[%add3A, %dma_wait3A_288] : memref<13x16384xf32, #tpu.memory_space<hbm>> -> memref<1x16384xf32, #tpu.memory_space<hbm>>
        %dma_wait3A_290 = arith.constant 0 : i32
        %dma_wait3A_291 = tpu.memref_slice %arg3[%add3A, %dma_wait3A_290] : memref<13x16384xf32, #tpu.memory_space<hbm>> -> memref<1x16384xf32, #tpu.memory_space<hbm>>
        tpu.wait_dma2 semaphore(%run_scoped3A : memref<!tpu.dma_semaphore, #tpu.memory_space<semaphore_mem>>) src(%dma_wait3A_291 : memref<1x16384xf32, #tpu.memory_space<hbm>>) dst(%arg14 : memref<1x16384xf32, #tpu.memory_space<vmem>>)
        tpu.yield
      }) : () -> ()
      %add3A_282 = arith.constant 3712 : i32
      %add3A_283 = arith.addi %add3A_282, %add3A : i32
      "tpu.region"() ({
        %run_scoped3A = tpu.sem_alloc : memref<!tpu.dma_semaphore, #tpu.memory_space<semaphore_mem>>
        %dma_start3A_284 = arith.constant 0 : i32
        %dma_start3A_285 = tpu.memref_slice %arg4[%add3A_283, %dma_start3A_284] : memref<3725x16384xf32, #tpu.memory_space<hbm>> -> memref<1x16384xf32, #tpu.memory_space<hbm>>
        %dma_start3A_286 = arith.constant 0 : i32
        %dma_start3A_287 = tpu.memref_slice %arg4[%add3A_283, %dma_start3A_286] : memref<3725x16384xf32, #tpu.memory_space<hbm>> -> memref<1x16384xf32, #tpu.memory_space<hbm>>
        tpu.enqueue_dma source(%arg14 : memref<1x16384xf32, #tpu.memory_space<vmem>>) target(%dma_start3A_287 : memref<1x16384xf32, #tpu.memory_space<hbm>>) target_semaphore(%run_scoped3A : memref<!tpu.dma_semaphore, #tpu.memory_space<semaphore_mem>>)
        %dma_wait3A_288 = arith.constant 0 : i32
        %dma_wait3A_289 = tpu.memref_slice %arg4[%add3A_283, %dma_wait3A_288] : memref<3725x16384xf32, #tpu.memory_space<hbm>> -> memref<1x16384xf32, #tpu.memory_space<hbm>>
        %dma_wait3A_290 = arith.constant 0 : i32
        %dma_wait3A_291 = tpu.memref_slice %arg4[%add3A_283, %dma_wait3A_290] : memref<3725x16384xf32, #tpu.memory_space<hbm>> -> memref<1x16384xf32, #tpu.memory_space<hbm>>
        tpu.wait_dma2 semaphore(%run_scoped3A : memref<!tpu.dma_semaphore, #tpu.memory_space<semaphore_mem>>) src(%arg14 : memref<1x16384xf32, #tpu.memory_space<vmem>>) dst(%dma_wait3A_291 : memref<1x16384xf32, #tpu.memory_space<hbm>>)
        tpu.yield
      }) : () -> ()
    } else {
    }
    %dma_wait3A_264 = arith.constant 0 : i32
    %dma_wait3A_265 = arith.constant 0 : i32
    %dma_wait3A_266 = tpu.memref_slice %arg4[%dma_wait3A_264, %dma_wait3A_265] : memref<3725x16384xf32, #tpu.memory_space<hbm>> -> memref<128x256xf32, #tpu.memory_space<hbm>>
    %dma_wait3A_267 = arith.constant 0 : i32
    %dma_wait3A_268 = arith.constant 0 : i32
    %dma_wait3A_269 = tpu.memref_slice %arg4[%dma_wait3A_267, %dma_wait3A_268] : memref<3725x16384xf32, #tpu.memory_space<hbm>> -> memref<128x256xf32, #tpu.memory_space<hbm>>
    tpu.wait_dma2 semaphore(%arg18 : memref<!tpu.dma_semaphore, #tpu.memory_space<semaphore_mem>>) src(%arg8 : memref<128x256xf32, #tpu.memory_space<vmem>>) dst(%dma_wait3A_269 : memref<128x256xf32, #tpu.memory_space<hbm>>)
    %dma_wait3A_270 = arith.constant 0 : i32
    %dma_wait3A_271 = arith.constant 0 : i32
    %dma_wait3A_272 = tpu.memref_slice %arg4[%dma_wait3A_270, %dma_wait3A_271] : memref<3725x16384xf32, #tpu.memory_space<hbm>> -> memref<128x256xf32, #tpu.memory_space<hbm>>
    %dma_wait3A_273 = arith.constant 0 : i32
    %dma_wait3A_274 = arith.constant 0 : i32
    %dma_wait3A_275 = tpu.memref_slice %arg4[%dma_wait3A_273, %dma_wait3A_274] : memref<3725x16384xf32, #tpu.memory_space<hbm>> -> memref<128x256xf32, #tpu.memory_space<hbm>>
    tpu.wait_dma2 semaphore(%arg19 : memref<!tpu.dma_semaphore, #tpu.memory_space<semaphore_mem>>) src(%arg9 : memref<128x256xf32, #tpu.memory_space<vmem>>) dst(%dma_wait3A_275 : memref<128x256xf32, #tpu.memory_space<hbm>>)
    %dma_wait3A_276 = arith.constant 0 : i32
    %dma_wait3A_277 = arith.constant 0 : i32
    %dma_wait3A_278 = tpu.memref_slice %arg4[%dma_wait3A_276, %dma_wait3A_277] : memref<3725x16384xf32, #tpu.memory_space<hbm>> -> memref<128x256xf32, #tpu.memory_space<hbm>>
    %dma_wait3A_279 = arith.constant 0 : i32
    %dma_wait3A_280 = arith.constant 0 : i32
    %dma_wait3A_281 = tpu.memref_slice %arg4[%dma_wait3A_279, %dma_wait3A_280] : memref<3725x16384xf32, #tpu.memory_space<hbm>> -> memref<128x256xf32, #tpu.memory_space<hbm>>
    tpu.wait_dma2 semaphore(%arg20 : memref<!tpu.dma_semaphore, #tpu.memory_space<semaphore_mem>>) src(%arg10 : memref<128x256xf32, #tpu.memory_space<vmem>>) dst(%dma_wait3A_281 : memref<128x256xf32, #tpu.memory_space<hbm>>)
    return
  }
}

</mosaic_0001>

<sc_bundles>
// kernel: kernel.3.cloned.1.call-start
scs
__scs_entry_jumppad:
0x0: {  	(pc) =	sbr.rel $0x88, $3  }
0x1: {  	(tag) =	ssettag $0x0;
	lr =	simm.s32 $0x1  }
0x2: {  	[smem:$0x3F9F] =	sst lr;
	_ =	strace $0xD0000000  }
0x3: {  	_ = 	snop  }
0x4: {  	_ = 	snop  }
0x5: {  	_ = 	snop  }
0x6: {  	_ = 	snop  }
0x7: {  	_ = 	snop  }
__scs_overlays_trampoline_lowered:
0x8: {  	[smem:$0x3FAE] =	sst s0  }
0x9: {  	[smem:$0x3FAF] =	sst s1  }
0xa: {  	[smem:$0x3FB0] =	sst s2  }
0xb: {  	[smem:$0x3FB1] =	sst s3  }
0xc: {  	[smem:$0x3FB2] =	sst s4  }
0xd: {  	[smem:$0x3FB3] =	sst s5  }
0xe: {  	[smem:$0x3FB4] =	sst s6  }
0xf: {  	[smem:$0x3FB5] =	sst s7  }
0x10: {  	[smem:$0x3FB6] =	sst s8  }
0x11: {  	[smem:$0x3FB7] =	sst s9;
	s0 =	simm.s32 @!p0 $0x0  }
0x12: {  	s1 =	sld [smem:$0x3F9D];
	s0 =	simm.s32 @p0 $0x1  }
0x13: {  	[smem:$0x3FB8] =	sst s0;
	s0 =	simm.s32 @!p1 $0x0  }
0x14: {  	s2 =	sld [smem:$0x3F9C];
	s0 =	simm.s32 @p1 $0x1  }
0x15: {  	[smem:$0x3FB9] =	sst s0;
	s0 =	simm.s32 @!p2 $0x0  }
0x16: {  	s3 =	sld [smem:$0x3FDB];
	s0 =	simm.s32 @p2 $0x1  }
0x17: {  	s4 =	simm.s32 $0x1BF5;
	[smem:$0x3FBB] =	sst s0  }
0x18: {  	s0 =	sld [smem:$0x3F9E];
	_ =	swait.ge [sflag:s4], $0x0  }
0x19: {  	s7 =	sld [smem:$0x3F9F]  }
0x1a: {  	s8 =	sadd.s32 $0xFFFFE003, lr  }
0x1b: {  	s9 =	sadd.s32 $0xFFFFFEF7, lr;
	s5 =	simm.s32 $0xFFFFFFFF;
	p2 =	slt.u32 s8, $0xFFFFF086  }
0x1c: {  	p1 =	slt.u32 s9, $0xF7A;
	s5 =	simm.s32 @!p2 $0x0  }
0x1d: {  	s5 =	simm.s32 @p1 $0x1;
	p0 =	seq.s32 s7, s2  }
0x1e: {  	s7 =	smul.u32 @!p0 $0xF7A, s2;
	p2 =	seq.s32 @!p0 s5, $0x0  }
0x1f: {  	s9 =	smul.u32 $0xF7A, s1;
	s8 =	simm.s32 @!p0 $0x1BF5;
	p2 =	por !p2, p0  }
0x20: {  	[sflag:s8] =	ssyncset.s32 @!p0 $0xFFFFF086;
	s6 =	sadd.s32 @!p0 s3, s7;
	s7 =	simm.s32 @!p0 $0x108  }
0x21: {  	s3 =	sadd.s32 s3, s9;
	s6 =	sadd.s32 @!p0 $0x88, s6;
	s7 =	simm.s32 @p2 $0x1082  }
0x22: {  	[simem:s7], [sflag:s8] =	dma.local @!p0 [hbm:s6], $0xF7A  }
0x23: {  	s9 =	sor.u32 $0xD0000000, s2;
	s6 =	simm.s32 $0x108;
	_ =	swait.ge @!p0 [sflag:s8], $0x0  }
0x24: {  	s3 =	sadd.s32 $0x88, s3;
	s6 =	simm.s32 @!p1 $0x1082;
	[sflag:s4] =	ssyncset.s32 $0xFFFFF086  }
0x25: {  	[simem:s6], [sflag:s4] =	dma.local [hbm:s3], $0xF7A  }
0x26: {  	[smem:$0x3F9F] =	sst s1;
	(tag) =	ssettag s2;
	_ =	strace s9  }
0x27: {  	s1 =	sld [smem:$0x3FAF]  }
0x28: {  	s2 =	sld [smem:$0x3FB0]  }
0x29: {  	s4 =	sld [smem:$0x3FB2]  }
0x2a: {  	p0 =	seq.s32 s5, $0x0;
	s5 =	sld [smem:$0x3FB3]  }
0x2b: {  	s6 =	sld [smem:$0x3FB4]  }
0x2c: {  	s7 =	sld [smem:$0x3FB5]  }
0x2d: {  	s3 =	simm.s32 $0x108;
	s8 =	sld [smem:$0x3FB6]  }
0x2e: {  	s3 =	simm.s32 @!p0 $0x1082;
	s9 =	sld [smem:$0x3FB7]  }
0x2f: {  	lr =	sadd.s32 s0, s3;
	s0 =	sld [smem:$0x3FAE]  }
0x30: {  	s3 =	sld [smem:$0x3FB1]  }
0x31: {  	[smem:$0x3FBA] =	sst s10  }
0x32: {  	s10 =	sld [smem:$0x3FB8];
	_ =	sdelay $0x3  }
0x33: {  	p0 =	seq.s32 s10, $0x1;
	s10 =	sld [smem:$0x3FBA];
	_ =	sdelay $0x3  }
0x34: {  	[smem:$0x3FBA] =	sst s10  }
0x35: {  	s10 =	sld [smem:$0x3FB9];
	_ =	sdelay $0x3  }
0x36: {  	p1 =	seq.s32 s10, $0x1;
	s10 =	sld [smem:$0x3FBA];
	_ =	sdelay $0x3  }
0x37: {  	[smem:$0x3FBA] =	sst s10  }
0x38: {  	s10 =	sld [smem:$0x3FBB]  }
0x39: {  	_ = 	snop;
	(pc) =	sbr.ind lr, $3  }
0x3a: {  	_ = 	snop  }
0x3b: {  	_ = 	snop  }
0x3c: {  	p2 =	seq.s32 s10, $0x1;
	s10 =	sld [smem:$0x3FBA]  }
0x3d: {  	_ =	shalt  }
0x3e: {  	_ =	shalt  }
0x3f: {  	_ =	shalt  }
0x40: {  	_ =	shalt  }
0x41: {  	_ =	shalt  }
0x42: {  	_ =	shalt  }
0x43: {  	_ =	shalt  }
0x44: {  	_ =	shalt  }
0x45: {  	_ =	shalt  }
0x46: {  	_ =	shalt  }
0x47: {  	_ =	shalt  }
0x48: {  	_ =	shalt  }
0x49: {  	_ =	shalt  }
0x4a: {  	_ =	shalt  }
0x4b: {  	_ =	shalt  }
0x4c: {  	_ =	shalt  }
0x4d: {  	_ =	shalt  }
0x4e: {  	_ =	shalt  }
0x4f: {  	_ =	shalt  }
0x50: {  	_ =	shalt  }
0x51: {  	_ =	shalt  }
0x52: {  	_ =	shalt  }
0x53: {  	_ =	shalt  }
0x54: {  	_ =	shalt  }
0x55: {  	_ =	shalt  }
0x56: {  	_ =	shalt  }
0x57: {  	_ =	shalt  }
0x58: {  	_ =	shalt  }
0x59: {  	_ =	shalt  }
0x5a: {  	_ =	shalt  }
0x5b: {  	_ =	shalt  }
0x5c: {  	_ =	shalt  }
0x5d: {  	_ =	shalt  }
0x5e: {  	_ =	shalt  }
0x5f: {  	_ =	shalt  }
0x60: {  	_ =	shalt  }
0x61: {  	_ =	shalt  }
0x62: {  	_ =	shalt  }
0x63: {  	_ =	shalt  }
0x64: {  	_ =	shalt  }
0x65: {  	_ =	shalt  }
0x66: {  	_ =	shalt  }
0x67: {  	_ =	shalt  }
0x68: {  	_ =	shalt  }
0x69: {  	_ =	shalt  }
0x6a: {  	_ =	shalt  }
0x6b: {  	_ =	shalt  }
0x6c: {  	_ =	shalt  }
0x6d: {  	_ =	shalt  }
0x6e: {  	_ =	shalt  }
0x6f: {  	_ =	shalt  }
0x70: {  	_ =	shalt  }
0x71: {  	_ =	shalt  }
0x72: {  	_ =	shalt  }
0x73: {  	_ =	shalt  }
0x74: {  	_ =	shalt  }
0x75: {  	_ =	shalt  }
0x76: {  	_ =	shalt  }
0x77: {  	_ =	shalt  }
0x78: {  	_ =	shalt  }
0x79: {  	_ =	shalt  }
0x7a: {  	_ =	shalt  }
0x7b: {  	_ =	shalt  }
0x7c: {  	_ =	shalt  }
0x7d: {  	_ =	shalt  }
0x7e: {  	_ =	shalt  }
0x7f: {  	_ =	shalt  }
0x80: {  	_ =	shalt  }
0x81: {  	_ =	shalt  }
0x82: {  	_ =	shalt  }
0x83: {  	_ =	shalt  }
0x84: {  	_ =	shalt  }
0x85: {  	_ =	shalt  }
0x86: {  	_ =	shalt  }
0x87: {  	_ =	shalt  }
.Lfunc_end0:
.L_simem_size_0:
called_computation_lowered:
.L_overlay_start_0:
0x88: {  	s2 =	sld [smem:$0x3FD9]  }
0x89: {  	s3 =	sld [smem:$0x3FFE];
	_ =	sdelay $0x1  }
0x8a: {  	s1 =	srdreg.scid  }
0x8b: {  	s0 =	sand.u32 $0x1, s1  }
0x8c: {  	s18 =	sshll.u32 s0, $0xA;
	s2 =	sadd.s32 s3, s2  }
0x8d: {  	s2 =	sadd.s32 s2, s18  }
0x8e: {  	[smem:$0x3FC6] =	sst s2  }
0x8f: {  	_ = 	snop  }
0x90: {  	s2 =	sld [smem:$0x3FC9]  }
0x91: {  	s19 =	sld [smem:$0x3FC8]  }
0x92: {  	s4 =	sld [smem:$0x3FD0];
	(tm) =	ssettm $0x1  }
0x93: {  	s5 =	sld [smem:$0x3FFB];
	_ =	sdelay $0x3  }
0x94: {  	_ =	strace s5  }
0x95: {  	s5 =	sld [smem:$0x3FFC];
	_ =	sdelay $0x3  }
0x96: {  	_ =	strace s5  }
0x97: {  	s5 =	sld [smem:$0x3FFD];
	_ =	sdelay $0x3  }
0x98: {  	_ =	strace s5  }
0x99: {  	_ =	strace $0x8FFFFFFF  }
0x9a: {  	s20 =	sld [smem:$0x3FDB];
	_ =	sdelay $0x1  }
0x9b: {  	s6 =	simm.s32 $_scs_section_size  }
0x9c: {  	s7 =	simm.s32 $_size__tile_overlayer_lowered;
	s8 =	simm.s32 $_tile_overlayer_lowered  }
0x9d: {  	s23 =	simm.s32 $0x1BFF;
	s22 =	sshll.u32 s8, $0x1;
	s5 =	sadd.s32 s6, s20  }
0x9e: {  	s9 =	simm.s32 $0x0;
	s21 =	sshll.u32 s7, $0x1;
	s7 =	sadd.s32 s22, s5  }
0x9f: {  	[timem:s9], [sflag:s23] =	dma.local [hbm:s7], s21  }
0xa0: {  	_ =	swait.ge [sflag:s23], s21  }
0xa1: {  	s6 =	ssub.s32 $0x0, s21;
	[sflag:s23] =	ssyncset.done $0x0  }
0xa2: {  	[sflag:s23] =	ssyncadd.s32 s6;
	_ =	sdelay $0x1  }
0xa3: {  	s24 =	simm.s32 $0x1B8B  }
0xa4: {  	_ =	swait.ge [sflag:s24], $0x1  }
0xa5: {  	[sflag:s24] =	ssyncset.done $0x0  }
0xa6: {  	s25 =	simm.s32 $0x1B8E;
	[sflag:s24] =	ssyncadd.s32 $0xFFFFFFFF  }
0xa7: {  	s26 =	simm.s32 $execute0_lowered;
	[smem:$0x3FD2] =	sst s25  }
0xa8: {  	s6 =	sshll.u32 s26, $0x1;
	_ =	strace $0x80000046;
	[dreg:$0x1] =	wrdreg $0xFFFFFFFF  }
0xa9: {  	s28 =	simm.s32 $_size_execute0_lowered;
	s5 =	sadd.s32 s5, s6;
	[dreg:$0x0] =	wrdreg $0x0  }
0xaa: {  	s6 =	sshll.u32 s28, $0x1;
	[dreg:$0x2] =	wrdreg s5  }
0xab: {  	[dreg:$0x3] =	wrdreg s6  }
0xac: {  	[dreg:$0x4] =	wrdreg $0xC0  }
0xad: {  	_ =	task [dreg:s9], $0x5FFFF  }
0xae: {  	[dreg:$0x1] =	wrdreg $0xFFFFFFFF  }
0xaf: {  	[dreg:$0x0] =	wrdreg $0x60  }
0xb0: {  	[dreg:$0x2] =	wrdreg s2  }
0xb1: {  	[dreg:$0x3] =	wrdreg s19  }
0xb2: {  	[dreg:$0x4] =	wrdreg s4  }
0xb3: {  	[dreg:$0x5] =	wrdreg $0x9  }
0xb4: {  	_ =	task.clear_ibuf [dreg:s9], $0x6FFFF;
	_ =	strace $0x90000046  }
0xb5: {  	s29 =	simm.s32 $0x9;
	_ =	strace $0x80000048  }
0xb6: {  	_ =	swait.ge [sflag:s29], $0x1  }
0xb7: {  	[sflag:s29] =	ssyncadd.s32 $0xFFFFFFFF  }
0xb8: {  	_ =	strace $0x90000048  }
0xb9: {  	_ =	sfence  }
0xba: {  	s30 =	sld [smem:$0x0];
	_ =	sdelay $0x2  }
0xbb: {  	s31 =	sshll.u32 s1, $0xD;
	s1 =	sshrl.u32 s1, $0x2  }
0xbc: {  	s3 =	sand.u32 $0x4000, s31;
	s1 =	sadd.s32 s1, s30  }
0xbd: {  	s0 =	sor.u32 s3, s0;
	s1 =	sshll.u32 s1, $0x11  }
0xbe: {  	s0 =	sor.u32 s1, s0  }
0xbf: {  	s0 =	sadd.s32 $0x8F2B, s0  }
0xc0: {  	[sflag:s0] =	ssyncadd.remote.s32 $0x1  }
0xc1: {  	_ =	sfence.sel $0xFFFF  }
0xc2: {  	[dreg:$0x0] =	wrdreg $0xFFFFFFFF;
	(pc) =	sbr.abs _section_cstart, $3  }
0xc3: {  	[dreg:$0x1] =	wrdreg $0xFFFFFFFF  }
0xc4: {  	_ =	task.clear_ibuf [dreg:s9], $0x2FFFF;
	_ =	strace $0x9FFFFFFF  }
0xc5: {  	(tm) =	ssettm $0x7FFFFFFF  }
tec
execute0_lowered:
.L_overlay_start_1:
0x0: {  	(tag) =	ssettag $0x1  }
0x1: {  	s6 =	rddreg [dreg:$0x0]  }
0x2: {  	s1 =	srdreg.scid;
	s5 =	stileid.u32  }
0x3: {  	s0 =	rddreg [dreg:$0x1];
	s1 =	sand.u32 $0x1, s1;
	s3 =	sshll.u32 s5, $0x1  }
0x4: {  	s7 =	rddreg [dreg:$0x2];
	s2 =	simm.s32 $0x0;
	s8 =	sor.u32 s1, s3  }
0x5: {  	[smem:$0x7FF] =	sst s2;
	s18 =	ssub.s32 $0x2, s1;
	s1 =	sshll.u32 s8, $0x8  }
0x6: {  	_ =	strace $0x80000047;
	[dreg:$0x4] =	wrdreg s8;
	s21 =	sadd.s32 s6, s1  }
0x7: {  	s4 =	sshrl.u32 s18, $0x1;
	s22 =	sadd.s32 $0x2000, s21;
	[dreg:$0x5] =	wrdreg s21  }
0x8: {  	s1 =	sadd.s32 s1, s7;
	s23 =	sadd.s32 $0x10, s21;
	[dreg:$0x6] =	wrdreg s22  }
0x9: {  	s2 =	ssub.s32 s18, s4;
	s1 =	sadd.s32 $0x702000, s1;
	[dreg:$0x7] =	wrdreg s23  }
0xa: {  	s19 =	sshll.u32 s5, $0xC;
	s26 =	smax.u32 s2, $0x1;
	[dreg:$0x8] =	wrdreg s1  }
0xb: {  	v0 =	vimm.f32 $0.0e+00;
	v3 =	vimm.s32 $0xECA86420;
	s20 =	sshll.u32 s8, $0x4;
	s28 =	sadd.s32 $0x80, s21;
	[dreg:$0xb] =	wrdreg s26  }
0xc: {  	v1 =	vimm.s32 $0x0;
	v2 =	vlaneseq.u32;
	vm0 =	vcmask $0xB08;
	s3 =	sor.u32 s19, s20;
	s30 =	sadd.s32 $0x2080, s21;
	[dreg:$0xc] =	wrdreg s28  }
0xd: {  	vm1 =	vcmask $0x1310;
	vm2 =	vcmask $0x1B18;
	vm3 =	vcmask $0x300;
	s3 =	sand.u32 $0xC070, s3;
	s31 =	sadd.s32 $0x90, s21;
	[dreg:$0xd] =	wrdreg s30  }
0xe: {  	vm4 =	vcmask $0x2320;
	vm5 =	vcmask $0x2B28;
	v4 =	vunpack.c.l.s4.s8 v3;
	s24 =	sadd.s32 s3, s7;
	s0 =	sadd.s32 s0, s3;
	[dreg:$0xe] =	wrdreg s31  }
0xf: {  	s29 =	simm.s32 $0x600;
	vm6 =	vcmask $0x3330;
	vm7 =	vcmask $0x3B38;
	vm8 =	vmmov $0xff;
	[dreg:$0x9] =	wrdreg s0;
	s25 =	sadd.s32 $0x740000, s24  }
0x10: {  	v3 =	vimm.f32 $1.000000000e+00;
	v5 =	vmul.u32 $0x2, v2;
	p0 =	sgt.u32 s8, $0xC;
	v4 =	vunpack.c.0.s8.s32 v4;
	s2 =	simm.s32 $0x0;
	[dreg:$0xa] =	wrdreg s25  }
.LBB2_1:
0x11: {  	s13 =	simm.s32 $0x0;
	s0 =	rddreg [dreg:$0x5]  }
0x12: {  	[tilespmem:s13], [sflag:$0x1] =	stream.linear.gather [hbm4b:s0+s13], $0x80, $0x38;
	[tilespmem:$0x1C900] =	vst v63  }
0x13: {  	s1 =	rddreg [dreg:$0xc];
	s3 =	simm.s32 $0x100  }
0x14: {  	[tilespmem:s3], [sflag:$0x1] =	stream.linear.gather [hbm4b:s1+s13], $0x80, $0x38;
	[tilespmem:$0x1C900] =	vst v63  }
0x15: {  	s14 =	simm.s32 $0x80  }
0x16: {  	[tilespmem:s14], [sflag:$0x1] =	stream.linear.gather [hbm4b:s0+s13], $0x80, $0x38;
	[tilespmem:$0x1C900] =	vst v63  }
0x17: {  	s15 =	simm.s32 $0x180  }
0x18: {  	[tilespmem:s15], [sflag:$0x1] =	stream.linear.gather [hbm4b:s1+s13], $0x80, $0x38;
	[tilespmem:$0x1C900] =	vst v63  }
0x19: {  	s16 =	rddreg [dreg:$0x6];
	s17 =	simm.s32 $0x200  }
0x1a: {  	[tilespmem:s17], [sflag:$0x2] =	stream.linear.gather [hbm4b:s16+s13], $0x80, $0x38;
	[tilespmem:$0x1C900] =	vst v63  }
0x1b: {  	s18 =	rddreg [dreg:$0xd];
	s19 =	simm.s32 $0x300  }
0x1c: {  	[tilespmem:s19], [sflag:$0x2] =	stream.linear.gather [hbm4b:s18+s13], $0x80, $0x38;
	[tilespmem:$0x1C900] =	vst v63  }
0x1d: {  	[dreg:$0xf] =	wrdreg s2;
	s20 =	simm.s32 $0x280  }
0x1e: {  	[tilespmem:s20], [sflag:$0x2] =	stream.linear.gather [hbm4b:s16+s13], $0x80, $0x38;
	[tilespmem:$0x1C900] =	vst v63  }
0x1f: {  	s21 =	simm.s32 $0x380;
	s22 =	rddreg [dreg:$0x7];
	s23 =	simm.s32 $0x400  }
0x20: {  	[tilespmem:s21], [sflag:$0x2] =	stream.linear.gather [hbm4b:s18+s13], $0x80, $0x38;
	[tilespmem:$0x1C900] =	vst v63  }
0x21: {  	s24 =	rddreg [dreg:$0xe];
	s25 =	simm.s32 $0x500;
	s30 =	simm.s32 $0x0  }
0x22: {  	[tilespmem:s23], [sflag:$0x3] =	stream.linear.gather [hbm4b:s22+s13], $0x80, $0x38;
	[tilespmem:$0x1C900] =	vst v63  }
0x23: {  	s31 =	simm.s32 $0x0;
	s2 =	sand.u32 $0x400, s13;
	s0 =	sand.u32 $0x7800, s30  }
0x24: {  	[tilespmem:s25], [sflag:$0x3] =	stream.linear.gather [hbm4b:s24+s13], $0x80, $0x38;
	[tilespmem:$0x1C900] =	vst v63  }
0x25: {  	s26 =	simm.s32 $0x480;
	s0 =	sor.u32 s2, s0;
	s1 =	sand.u32 $0x380, s31  }
0x26: {  	[tilespmem:s26], [sflag:$0x3] =	stream.linear.gather [hbm4b:s22+s13], $0x80, $0x38;
	[tilespmem:$0x1C900] =	vst v63  }
0x27: {  	s28 =	simm.s32 $0x580;
	s6 =	sor.u32 s1, s0  }
0x28: {  	[tilespmem:s28], [sflag:$0x3] =	stream.linear.gather [hbm4b:s24+s13], $0x80, $0x38;
	[tilespmem:$0x1C900] =	vst v63  }
0x29: {  	[tilespmem:s6+$0x10670] =	vst v0  }
0x2a: {  	[tilespmem:s6+$0x600] =	vst v0  }
0x2b: {  	[tilespmem:s6+$0x8600] =	vst v0  }
0x2c: {  	[tilespmem:s6+$0x10600] =	vst v0  }
0x2d: {  	[tilespmem:s6+$0x610] =	vst v0  }
0x2e: {  	[tilespmem:s6+$0x8610] =	vst v0  }
0x2f: {  	[tilespmem:s6+$0x10610] =	vst v0  }
0x30: {  	[tilespmem:s6+$0x620] =	vst v0  }
0x31: {  	[tilespmem:s6+$0x8620] =	vst v0  }
0x32: {  	[tilespmem:s6+$0x10620] =	vst v0  }
0x33: {  	[tilespmem:s6+$0x630] =	vst v0  }
0x34: {  	[tilespmem:s6+$0x8630] =	vst v0  }
0x35: {  	[tilespmem:s6+$0x10630] =	vst v0  }
0x36: {  	[tilespmem:s6+$0x640] =	vst v0  }
0x37: {  	[tilespmem:s6+$0x8640] =	vst v0  }
0x38: {  	[tilespmem:s6+$0x10640] =	vst v0  }
0x39: {  	[tilespmem:s6+$0x650] =	vst v0  }
0x3a: {  	[tilespmem:s6+$0x8650] =	vst v0  }
0x3b: {  	[tilespmem:s6+$0x10650] =	vst v0  }
0x3c: {  	s3 =	simm.s32 $0x80;
	[tilespmem:s6+$0x660] =	vst v0  }
0x3d: {  	s2 =	simm.s32 $0x40;
	s0 =	simm.s32 $0x400;
	s1 =	simm.s32 $0x2;
	[tilespmem:s6+$0x8660] =	vst v0  }
.LBB2_2:
0x3e: {  	p1 =	sne.s32 s1, $0xFF;
	s3 =	sand.u32 $0x7800, s3;
	s4 =	sand.u32 $0x400, s0;
	[tilespmem:s6+$0x10660] =	vst v0  }
0x3f: {  	s2 =	sand.u32 $0x380, s2;
	s3 =	sor.u32 s4, s3;
	[tilespmem:s6+$0x670] =	vst v0  }
0x40: {  	[tilespmem:s6+$0x8670] =	vst v0;
	s6 =	sor.u32 s2, s3  }
0x41: {  	[tilespmem:s6+$0x10670] =	vst v0  }
0x42: {  	[tilespmem:s6+$0x600] =	vst v0  }
0x43: {  	[tilespmem:s6+$0x8600] =	vst v0  }
0x44: {  	[tilespmem:s6+$0x10600] =	vst v0  }
0x45: {  	[tilespmem:s6+$0x610] =	vst v0  }
0x46: {  	[tilespmem:s6+$0x8610] =	vst v0  }
0x47: {  	[tilespmem:s6+$0x10610] =	vst v0  }
0x48: {  	[tilespmem:s6+$0x620] =	vst v0  }
0x49: {  	[tilespmem:s6+$0x8620] =	vst v0  }
0x4a: {  	[tilespmem:s6+$0x10620] =	vst v0  }
0x4b: {  	[tilespmem:s6+$0x630] =	vst v0  }
0x4c: {  	[tilespmem:s6+$0x8630] =	vst v0  }
0x4d: {  	[tilespmem:s6+$0x10630] =	vst v0  }
0x4e: {  	[tilespmem:s6+$0x640] =	vst v0  }
0x4f: {  	[tilespmem:s6+$0x8640] =	vst v0  }
0x50: {  	[tilespmem:s6+$0x10640] =	vst v0  }
.Ltmp0:
0x51: {  	[tilespmem:s6+$0x650] =	vst v0;
	(pc) =	sbr.rel @p1 .LBB2_2-.Ltmp0, $4  }
0x52: {  	[tilespmem:s6+$0x8650] =	vst v0  }
0x53: {  	[tilespmem:s6+$0x10650] =	vst v0  }
0x54: {  	s0 =	sadd.s32 $0x400, s0;
	[tilespmem:s6+$0x660] =	vst v0  }
0x55: {  	s3 =	sshll.u32 s1, $0x7;
	s2 =	sshll.u32 s1, $0x6;
	s1 =	sadd.s32 $0x1, s1;
	[tilespmem:s6+$0x8660] =	vst v0  }
0x56: {  	s1 =	sand.u32 $0x7800, s3;
	s0 =	sand.u32 $0x400, s0;
	[tilespmem:s6+$0x10660] =	vst v0  }
0x57: {  	s31 =	sand.u32 $0x380, s2;
	[tilespmem:s6+$0x670] =	vst v0;
	s0 =	sor.u32 s0, s1  }
0x58: {  	[tilespmem:s6+$0x8670] =	vst v0;
	s0 =	sor.u32 s31, s0  }
0x59: {  	[tilespmem:s0+$0x10670] =	vst v0  }
0x5a: {  	[tilespmem:s0+$0x600] =	vst v0  }
0x5b: {  	[tilespmem:s0+$0x8600] =	vst v0  }
0x5c: {  	[tilespmem:s0+$0x10600] =	vst v0  }
0x5d: {  	[tilespmem:s0+$0x610] =	vst v0  }
0x5e: {  	[tilespmem:s0+$0x8610] =	vst v0  }
0x5f: {  	[tilespmem:s0+$0x10610] =	vst v0  }
0x60: {  	[tilespmem:s0+$0x620] =	vst v0  }
0x61: {  	[tilespmem:s0+$0x8620] =	vst v0  }
0x62: {  	[tilespmem:s0+$0x10620] =	vst v0  }
0x63: {  	[tilespmem:s0+$0x630] =	vst v0  }
0x64: {  	[tilespmem:s0+$0x8630] =	vst v0  }
0x65: {  	[tilespmem:s0+$0x10630] =	vst v0  }
0x66: {  	[tilespmem:s0+$0x640] =	vst v0  }
0x67: {  	[tilespmem:s0+$0x8640] =	vst v0  }
0x68: {  	[tilespmem:s0+$0x10640] =	vst v0  }
0x69: {  	[tilespmem:s0+$0x650] =	vst v0  }
0x6a: {  	[tilespmem:s0+$0x8650] =	vst v0  }
0x6b: {  	[tilespmem:s0+$0x10650] =	vst v0  }
0x6c: {  	[tilespmem:s0+$0x660] =	vst v0  }
0x6d: {  	[tilespmem:s0+$0x8660] =	vst v0  }
0x6e: {  	[tilespmem:s0+$0x10660] =	vst v0  }
0x6f: {  	[tilespmem:s0+$0x670] =	vst v0  }
0x70: {  	[tilespmem:s0+$0x8670] =	vst v0  }
0x71: {  	[tilespmem:$0x18600] =	vst v1  }
0x72: {  	[tilespmem:$0x18700] =	vst v1  }
0x73: {  	[tilespmem:$0x18800] =	vst v1  }
0x74: {  	[tilespmem:$0x18610] =	vst v1  }
0x75: {  	[tilespmem:$0x18710] =	vst v1  }
0x76: {  	[tilespmem:$0x18810] =	vst v1  }
0x77: {  	[tilespmem:$0x18620] =	vst v1  }
0x78: {  	[tilespmem:$0x18720] =	vst v1  }
0x79: {  	[tilespmem:$0x18820] =	vst v1  }
0x7a: {  	[tilespmem:$0x18630] =	vst v1  }
0x7b: {  	[tilespmem:$0x18730] =	vst v1  }
0x7c: {  	[tilespmem:$0x18830] =	vst v1  }
0x7d: {  	[tilespmem:$0x18640] =	vst v1  }
0x7e: {  	[tilespmem:$0x18740] =	vst v1  }
0x7f: {  	[tilespmem:$0x18840] =	vst v1  }
0x80: {  	[tilespmem:$0x18650] =	vst v1  }
0x81: {  	[tilespmem:$0x18750] =	vst v1  }
0x82: {  	[tilespmem:$0x18850] =	vst v1  }
0x83: {  	[tilespmem:$0x18660] =	vst v1  }
0x84: {  	[tilespmem:$0x18760] =	vst v1  }
0x85: {  	[tilespmem:$0x18860] =	vst v1  }
0x86: {  	[tilespmem:$0x18670] =	vst v1  }
0x87: {  	[tilespmem:$0x18770] =	vst v1  }
0x88: {  	[tilespmem:$0x18870] =	vst v1  }
0x89: {  	[tilespmem:$0x18680] =	vst v1  }
0x8a: {  	[tilespmem:$0x18780] =	vst v1  }
0x8b: {  	[tilespmem:$0x18880] =	vst v1  }
0x8c: {  	[tilespmem:$0x18690] =	vst v1  }
0x8d: {  	[tilespmem:$0x18790] =	vst v1  }
0x8e: {  	[tilespmem:$0x18890] =	vst v1  }
0x8f: {  	[tilespmem:$0x186A0] =	vst v1  }
0x90: {  	[tilespmem:$0x187A0] =	vst v1  }
0x91: {  	[tilespmem:$0x188A0] =	vst v1  }
0x92: {  	[tilespmem:$0x186B0] =	vst v1  }
0x93: {  	[tilespmem:$0x187B0] =	vst v1  }
0x94: {  	[tilespmem:$0x188B0] =	vst v1  }
0x95: {  	[tilespmem:$0x186C0] =	vst v1  }
0x96: {  	[tilespmem:$0x187C0] =	vst v1  }
0x97: {  	[tilespmem:$0x188C0] =	vst v1  }
0x98: {  	[tilespmem:$0x186D0] =	vst v1  }
0x99: {  	[tilespmem:$0x187D0] =	vst v1  }
0x9a: {  	[tilespmem:$0x188D0] =	vst v1  }
0x9b: {  	[tilespmem:$0x186E0] =	vst v1  }
0x9c: {  	[tilespmem:$0x187E0] =	vst v1  }
0x9d: {  	[tilespmem:$0x188E0] =	vst v1  }
0x9e: {  	[tilespmem:$0x186F0] =	vst v1  }
0x9f: {  	[tilespmem:$0x187F0] =	vst v1  }
0xa0: {  	s7 =	simm.s32 $0x0;
	[tilespmem:$0x188F0] =	vst v1  }
.LBB2_4:
0xa1: {  	p1 =	sne.s32 s7, $0x0  }
.Ltmp1:
0xa2: {  	_ = 	snop;
	(pc) =	sbr.rel @!p1 .LBB2_5-.Ltmp1, $4  }
0xa3: {  	s0 =	simm.s32 $0x1  }
0xa4: {  	_ =	swait.ge [sflag:s0], $0x200  }
0xa5: {  	[sflag:s0] =	ssyncset.done $0x0  }
0xa6: {  	[dreg:$0x10] =	wrdreg s7;
	[sflag:s0] =	ssyncadd.s32 $0xFFFFFE00  }
0xa7: {  	s0 =	simm.s32 $0x4  }
0xa8: {  	_ =	swait.ge [sflag:s0], $0x8000  }
0xa9: {  	[sflag:s0] =	ssyncset.done $0x0  }
0xaa: {  	[sflag:s0] =	ssyncadd.s32 $0xFFFF8000;
	s0 =	simm.s32 $0x18600  }
0xab: {  	s1 =	simm.s32 $0x0;
	s2 =	simm.s32 $0x10;
	v6 =	vld [tilespmem:s0+$0x0]  }
.LBB2_9:
0xac: {  	p1 =	sne.s32 s2, $0xF0;
	_ =	sdelay $0x1  }
0xad: {  	v7 =	vmov s1  }
0xae: {  	v8 =	vor.u32 s1, v2;
	s1 =	smov.u32 s2;
	v7 =	vshll.u32 v7, $0x3  }
0xaf: {  	v8 =	vand.u32 $0x7F, v8;
	v7 =	vand.u32 $0x400, v7;
	v9 =	vshll.u32 v6, $0x8  }
0xb0: {  	v7 =	vor.u32 v7, v8;
	v6 =	vshll.u32 v6, $0x7;
	v9 =	vand.u32 $0xFFFFF800, v9  }
0xb1: {  	v6 =	vand.u32 $0x380, v6;
	v7 =	vor.u32 v9, v7  }
0xb2: {  	v6 =	vor.u32 v6, v7;
	_ =	sdelay $0x1  }
.Ltmp2:
0xb3: {  	(pc) =	sbr.rel @p1 .LBB2_9-.Ltmp2, $3  }
0xb4: {  	_ =	sdelay $0x1  }
0xb5: {  	s0 =	sadd.s32 $0x10, s0;
	[tilespmem:v6+s29+$0x0] =	vst.idx.msk $0xffff, v0  }
0xb6: {  	s2 =	sadd.s32 $0x10, s2;
	v6 =	vld [tilespmem:s0+$0x0]  }
0xb7: {  	_ =	sdelay $0x1  }
0xb8: {  	v7 =	vmov s1  }
0xb9: {  	v8 =	vor.u32 s1, v2;
	v7 =	vshll.u32 v7, $0x3  }
0xba: {  	v8 =	vand.u32 $0x7F, v8;
	v7 =	vand.u32 $0x400, v7;
	v9 =	vshll.u32 v6, $0x8  }
0xbb: {  	v7 =	vor.u32 v7, v8;
	v6 =	vshll.u32 v6, $0x7;
	v9 =	vand.u32 $0xFFFFF800, v9  }
0xbc: {  	v6 =	vand.u32 $0x380, v6;
	v7 =	vor.u32 v9, v7  }
0xbd: {  	p1 =	sne.s32 s7, $0x12;
	v6 =	vor.u32 v6, v7  }
.Ltmp3:
0xbe: {  	_ = 	snop;
	(pc) =	sbr.rel @p1 .LBB2_5-.Ltmp3, $2  }
0xbf: {  	_ =	sdelay $0x2  }
0xc0: {  	[tilespmem:v6+s29+$0x0] =	vst.idx.msk $0xffff, v0  }
0xc1: {  	s1 =	simm.s32 $0x0;
	s0 =	simm.s32 $0x18600;
	s6 =	simm.s32 $0x0  }
.LBB2_12:
0xc2: {  	[dreg:$0x14] =	wrdreg s1  }
0xc3: {  	s1 =	rddreg [dreg:$0x14]  }
0xc4: {  	s9 =	sand.u32 $0x70, s6;
	s1 =	sand.u32 $0x100, s1  }
0xc5: {  	[dreg:$0x17] =	wrdreg s0;
	s0 =	sor.u32 s9, s1  }
0xc6: {  	v6 =	vld [tilespmem:s0+$0x0];
	_ =	sdelay $0x4  }
0xc7: {  	(v2sf) =	vpush v6, $0xD  }
0xc8: {  	(v2sf) =	vpush v6, $0xC  }
0xc9: {  	(v2sf) =	vpush v6, $0xE  }
0xca: {  	(v2sf) =	vpush v6, $0xF  }
0xcb: {  	(v2sf) =	vpush v6, $0x9  }
0xcc: {  	(v2sf) =	vpush v6, $0x8  }
0xcd: {  	(v2sf) =	vpush v6, $0xA  }
0xce: {  	(v2sf) =	vpush v6, $0xB  }
0xcf: {  	(v2sf) =	vpush v6, $0x1;
	_ =	sdelay $0x1  }
0xd0: {  	(v2sf) =	vpush v6, $0x0;
	_ =	sdelay $0x2  }
0xd1: {  	(v2sf) =	vpush v6, $0x2;
	_ =	sdelay $0x1  }
0xd2: {  	(v2sf) =	vpush v6, $0x3;
	s4 =	spop (v2sf)  }
0xd3: {  	(v2sf) =	vpush v6, $0x4;
	s31 =	spop (v2sf)  }
0xd4: {  	s30 =	spop (v2sf)  }
0xd5: {  	(v2sf) =	vpush v6, $0x5;
	s13 =	spop (v2sf)  }
0xd6: {  	s25 =	spop (v2sf)  }
0xd7: {  	v7 =	vld [tilespmem:s0+$0x80];
	(v2sf) =	vpush v6, $0x6;
	s12 =	sshra.s32 s30, $0x1F;
	s26 =	spop (v2sf)  }
0xd8: {  	s18 =	smul.u32 $0x801302D3, s12;
	s16 =	sshra.s32 s26, $0x1F;
	s12 =	spop (v2sf)  }
0xd9: {  	(v2sf) =	vpush v6, $0x7;
	s15 =	sshra.s32 s25, $0x1F;
	s23 =	spop (v2sf);
	s0 =	smul.u32 $0x801302D3, s16  }
0xda: {  	s22 =	smul.u32 $0x801302D3, s15;
	s17 =	sshra.s32 s12, $0x1F;
	s15 =	spop (v2sf)  }
0xdb: {  	s11 =	sshra.s32 s31, $0x1F;
	[smem:$0x7EA] =	sst s0;
	s0 =	smul.u32 $0x801302D3, s17  }
0xdc: {  	(v2sf) =	vpush v7, $0xD;
	s2 =	smul.u32 $0x801302D3, s11;
	s11 =	spop (v2sf);
	s20 =	sshra.s32 s15, $0x1F  }
0xdd: {  	(v2sf) =	vpush v7, $0xC;
	s3 =	sshra.s32 s11, $0x1F;
	[smem:$0x7EB] =	sst s0;
	s0 =	smul.u32 $0x801302D3, s20  }
0xde: {  	(v2sf) =	vpush v7, $0xE;
	s3 =	smul.u32 $0x801302D3, s3  }
0xdf: {  	[smem:$0x7EC] =	sst s0;
	s0 =	spop (v2sf)  }
0xe0: {  	[smem:$0x7ED] =	sst s3;
	s21 =	sshra.s32 s0, $0x1F  }
0xe1: {  	(v2sf) =	vpush v7, $0xF;
	s1 =	spop (v2sf);
	s3 =	smul.u32 $0x801302D3, s21  }
0xe2: {  	s24 =	spop (v2sf);
	s5 =	sshra.s32 s1, $0x1F  }
0xe3: {  	s10 =	sshra.s32 s4, $0x1F;
	[smem:$0x7EE] =	sst s3;
	s3 =	smul.u32 $0x801302D3, s5  }
0xe4: {  	s7 =	smul.u32 $0x801302D3, s10;
	s8 =	sshra.s32 s24, $0x1F;
	s5 =	spop (v2sf)  }
0xe5: {  	s19 =	sshra.s32 s23, $0x1F;
	[smem:$0x7EF] =	sst s3;
	s3 =	smul.u32 $0x801302D3, s8  }
0xe6: {  	s28 =	smul.u32 $0x801302D3, s19;
	s19 =	spop (v2sf);
	s9 =	sshra.s32 s5, $0x1F  }
0xe7: {  	s14 =	sshra.s32 s13, $0x1F;
	(v2sf) =	vpush v7, $0x9;
	[smem:$0x7F0] =	sst s3;
	s3 =	smul.u32 $0x801302D3, s9  }
0xe8: {  	s14 =	smul.u32 $0x801302D3, s14;
	s21 =	spop (v2sf);
	s10 =	sshra.s32 s19, $0x1F  }
0xe9: {  	s9 =	sshra.s32 s21, $0x1F;
	[smem:$0x7F1] =	sst s3;
	s3 =	smul.u32 $0x801302D3, s10  }
0xea: {  	s8 =	smul.u32 $0x801302D3, s9  }
0xeb: {  	[smem:$0x7F2] =	sst s3;
	s3 =	spop (v2sf)  }
0xec: {  	(v2sf) =	vpush v7, $0x8;
	[smem:$0x7F3] =	sst s8;
	s16 =	sshra.s32 s3, $0x1F;
	s17 =	spop (v2sf)  }
0xed: {  	s20 =	smul.u32 $0x801302D3, s16;
	s8 =	sshra.s32 s17, $0x1F;
	s16 =	spop (v2sf)  }
0xee: {  	s9 =	smul.u32 $0x801302D3, s8;
	s10 =	sshra.s32 s16, $0x1F  }
0xef: {  	[smem:$0x7F4] =	sst s20;
	s20 =	smul.u32 $0x801302D3, s10  }
0xf0: {  	[smem:$0x7F5] =	sst s9;
	s9 =	spop (v2sf)  }
0xf1: {  	[smem:$0x7F6] =	sst s20;
	s20 =	smulhi.u32 $0x801302D3, s4;
	s8 =	sshra.s32 s9, $0x1F  }
0xf2: {  	s8 =	smul.u32 $0x801302D3, s8  }
0xf3: {  	(v2sf) =	vpush v7, $0xA;
	s10 =	smulhi.u32 $0x801302D3, s31  }
0xf4: {  	s4 =	ssub.s32 s20, s4;
	s20 =	smulhi.u32 $0x801302D3, s13;
	[smem:$0x7F7] =	sst s8  }
0xf5: {  	(v2sf) =	vpush v7, $0xB;
	s4 =	sadd.s32 s7, s4;
	s8 =	ssub.s32 s10, s31;
	s10 =	smulhi.u32 $0x801302D3, s30  }
0xf6: {  	[dreg:$0x1a] =	wrdreg s4;
	s2 =	sadd.s32 s2, s8;
	s4 =	spop (v2sf)  }
0xf7: {  	[smem:$0x7F9] =	sst s2;
	s7 =	ssub.s32 s10, s30;
	s30 =	smulhi.u32 $0x801302D3, s25  }
0xf8: {  	s31 =	sshra.s32 s4, $0x1F;
	s2 =	ssub.s32 s20, s13;
	s20 =	smulhi.u32 $0x801302D3, s12  }
0xf9: {  	s7 =	sadd.s32 s18, s7;
	s13 =	smul.u32 $0x801302D3, s31;
	s31 =	sld [smem:$0x7EA]  }
0xfa: {  	s2 =	sadd.s32 s14, s2;
	s18 =	smulhi.u32 $0x801302D3, s26;
	[smem:$0x7FA] =	sst s7  }
0xfb: {  	[dreg:$0x1e] =	wrdreg s2;
	s14 =	ssub.s32 s30, s25;
	s25 =	spop (v2sf)  }
0xfc: {  	[smem:$0x7F8] =	sst s13;
	s2 =	sadd.s32 s22, s14;
	s22 =	smulhi.u32 $0x801302D3, s23  }
0xfd: {  	s7 =	ssub.s32 s18, s26;
	s30 =	sshra.s32 s25, $0x1F;
	s13 =	smulhi.u32 $0x801302D3, s1  }
0xfe: {  	s14 =	sld [smem:$0x7EB];
	s26 =	sadd.s32 s31, s7;
	s7 =	smul.u32 $0x801302D3, s30  }
0xff: {  	(v2sf) =	vpush v7, $0x1;
	[smem:$0x7FB] =	sst s2;
	s2 =	ssub.s32 s20, s12;
	s20 =	smulhi.u32 $0x801302D3, s15  }
0x100: {  	s30 =	sld [smem:$0x7EC];
	s12 =	smulhi.u32 $0x801302D3, s16  }
0x101: {  	s31 =	sld [smem:$0x7ED];
	s18 =	ssub.s32 s22, s23;
	s22 =	smulhi.u32 $0x801302D3, s11  }
0x102: {  	s10 =	spop (v2sf);
	s23 =	smulhi.u32 $0x801302D3, s0;
	s1 =	ssub.s32 s13, s1  }
0x103: {  	(v2sf) =	vpush v7, $0x0;
	s13 =	sld [smem:$0x7F0];
	s2 =	sadd.s32 s14, s2;
	s8 =	ssub.s32 s20, s15  }
0x104: {  	s20 =	spop (v2sf);
	[smem:$0x7FC] =	sst s2;
	s2 =	sadd.s32 s28, s18  }
0x105: {  	s28 =	sshra.s32 s10, $0x1F;
	s0 =	ssub.s32 s23, s0;
	[smem:$0x7FD] =	sst s2  }
0x106: {  	s23 =	smulhi.u32 $0x801302D3, s24;
	s2 =	ssub.s32 s22, s11;
	s22 =	sld [smem:$0x7EE]  }
0x107: {  	s8 =	sadd.s32 s30, s8;
	s30 =	sshra.s32 s20, $0x1F;
	s15 =	smul.u32 $0x801302D3, s28  }
0x108: {  	s28 =	smulhi.u32 $0x801302D3, s5;
	s18 =	sadd.s32 s31, s2;
	s31 =	sld [smem:$0x7EF]  }
0x109: {  	s14 =	sadd.s32 s22, s0;
	s0 =	ssub.s32 s23, s24;
	s22 =	smul.u32 $0x801302D3, s30  }
0x10a: {  	s23 =	ssub.s32 s28, s5;
	s24 =	smulhi.u32 $0x801302D3, s19;
	s28 =	sld [smem:$0x7F1]  }
0x10b: {  	(v2sf) =	vpush v7, $0x2;
	s30 =	smulhi.u32 $0x801302D3, s21;
	s11 =	sadd.s32 s31, s1;
	s1 =	sadd.s32 s13, s0  }
0x10c: {  	s31 =	smulhi.u32 $0x801302D3, s3;
	s2 =	ssub.s32 s24, s19;
	s24 =	sld [smem:$0x7F2]  }
0x10d: {  	(v2sf) =	vpush v7, $0x3;
	s0 =	ssub.s32 s12, s16;
	s5 =	ssub.s32 s30, s21;
	s30 =	sld [smem:$0x7F3]  }
0x10e: {  	s21 =	sld [smem:$0x7F4];
	s13 =	sadd.s32 s28, s23;
	s28 =	spop (v2sf)  }
0x10f: {  	s3 =	ssub.s32 s31, s3;
	s31 =	smulhi.u32 $0x801302D3, s17;
	s23 =	sshra.s32 s28, $0x1F  }
0x110: {  	s12 =	sld [smem:$0x7F6];
	s2 =	sadd.s32 s24, s2;
	s19 =	smul.u32 $0x801302D3, s23  }
0x111: {  	(v2sf) =	vpush v7, $0x4;
	s24 =	sadd.s32 s30, s5;
	s5 =	ssub.s32 s31, s17;
	s17 =	smulhi.u32 $0x801302D3, s9  }
0x112: {  	s3 =	sadd.s32 s21, s3;
	s21 =	spop (v2sf);
	s30 =	smulhi.u32 $0x801302D3, s25  }
0x113: {  	v8 =	vmov s18;
	s23 =	sshra.s32 s21, $0x1F;
	s18 =	smulhi.u32 $0x801302D3, s21  }
0x114: {  	(v2sf) =	vpush v7, $0x5;
	s31 =	sld [smem:$0x7F5];
	s16 =	smul.u32 $0x801302D3, s23  }
0x115: {  	s12 =	sadd.s32 s12, s0;
	s17 =	ssub.s32 s17, s9;
	s9 =	smulhi.u32 $0x801302D3, s4  }
0x116: {  	(v2sf) =	vpush v7, $0x6;
	s23 =	sld [smem:$0x7F7];
	s25 =	ssub.s32 s30, s25;
	s30 =	smulhi.u32 $0x801302D3, s28  }
0x117: {  	v8 =	vnsel vm3, $0x0, v8;
	s31 =	sadd.s32 s31, s5;
	s7 =	sadd.s32 s7, s25;
	s25 =	smulhi.u32 $0x801302D3, s20  }
0x118: {  	v8 =	vsel vm0, s8, v8;
	(v2sf) =	vpush v7, $0x7;
	s18 =	ssub.s32 s18, s21;
	s21 =	sld [smem:$0x7FD];
	s4 =	ssub.s32 s9, s4  }
0x119: {  	v8 =	vsel vm1, s14, v8;
	s9 =	smulhi.u32 $0x801302D3, s10;
	s30 =	ssub.s32 s30, s28;
	s14 =	sadd.s32 s16, s18  }
0x11a: {  	s5 =	sadd.s32 s23, s17;
	s17 =	spop (v2sf);
	s23 =	sld [smem:$0x7F8]  }
0x11b: {  	s8 =	sadd.s32 s19, s30;
	s30 =	rddreg [dreg:$0x1a];
	s9 =	ssub.s32 s9, s10  }
0x11c: {  	s0 =	sshra.s32 s17, $0x1F;
	s9 =	sadd.s32 s15, s9;
	s15 =	spop (v2sf)  }
0x11d: {  	s28 =	smulhi.u32 $0x801302D3, s17;
	s4 =	sadd.s32 s23, s4;
	s23 =	sshra.s32 s15, $0x1F  }
0x11e: {  	s10 =	ssub.s32 s25, s20;
	s20 =	smul.u32 $0x801302D3, s23;
	s23 =	sld [smem:$0x7F9]  }
0x11f: {  	v8 =	vsel vm2, s11, v8;
	s0 =	smul.u32 $0x801302D3, s0;
	s10 =	sadd.s32 s22, s10;
	s22 =	sld [smem:$0x7FA]  }
0x120: {  	v8 =	vsel vm4, s1, v8;
	s16 =	spop (v2sf);
	s18 =	smulhi.u32 $0x801302D3, s15;
	s25 =	ssub.s32 s28, s17  }
0x121: {  	v10 =	vmov s26;
	v8 =	vsel vm5, s13, v8;
	s17 =	smulhi.u32 $0x801302D3, s16;
	s26 =	sshra.s32 s16, $0x1F;
	v9 =	vmov s23;
	s23 =	sld [smem:$0x7FB]  }
0x122: {  	v8 =	vsel vm6, s2, v8;
	s28 =	rddreg [dreg:$0x1e];
	s11 =	smul.u32 $0x801302D3, s26  }
0x123: {  	v8 =	vsel vm7, s24, v8;
	v12 =	vmov s31;
	s0 =	sadd.s32 s0, s25;
	v9 =	vsel vm0, s30, v9;
	s30 =	sld [smem:$0x7FC];
	s1 =	spop (v2sf)  }
0x124: {  	v11 =	vmov s14;
	v9 =	vsel vm1, s22, v9;
	s22 =	ssub.s32 s18, s15;
	s25 =	sshra.s32 s1, $0x1F;
	v10 =	vsel vm0, s23, v10;
	s23 =	smulhi.u32 $0x801302D3, s1  }
0x125: {  	v12 =	vsel vm0, s3, v12;
	v11 =	vnsel vm3, $0x0, v11;
	v9 =	vsel vm2, s28, v9;
	s26 =	sadd.s32 s20, s22;
	s28 =	spop (v2sf);
	s15 =	smul.u32 $0x801302D3, s25  }
0x126: {  	v12 =	vsel vm1, s12, v12;
	v11 =	vsel vm0, s8, v11;
	v10 =	vsel vm1, s30, v10;
	s30 =	ssub.s32 s17, s16;
	s31 =	smulhi.u32 $0x801302D3, s28;
	s16 =	sshra.s32 s28, $0x1F  }
0x127: {  	v13 =	vmov s7;
	v12 =	vsel vm2, s5, v12;
	v11 =	vsel vm1, s0, v11;
	s19 =	spop (v2sf);
	s17 =	sadd.s32 s11, s30;
	s18 =	smul.u32 $0x801302D3, s16  }
0x128: {  	v13 =	vsel vm0, s4, v13;
	v11 =	vsel vm2, s26, v11;
	v10 =	vsel vm2, s21, v10;
	s1 =	ssub.s32 s23, s1;
	s20 =	smulhi.u32 $0x801302D3, s19;
	s21 =	sshra.s32 s19, $0x1F  }
0x129: {  	v13 =	vsel vm1, s9, v13;
	v11 =	vsel vm4, s17, v11;
	s22 =	sadd.s32 s15, s1;
	s23 =	ssub.s32 s31, s28;
	v9 =	vcombine.low v10, v9;
	s5 =	smul.u32 $0x801302D3, s21  }
0x12a: {  	v8 =	vperm.xlane v8, v5;
	v13 =	vsel vm2, s10, v13;
	v53 =	vsel vm5, s22, v11;
	s25 =	sadd.s32 s18, s23;
	s26 =	ssub.s32 s20, s19  }
0x12b: {  	v54 =	vcombine.low v13, v12;
	v9 =	vperm.xlane v9, v4;
	v10 =	vsel vm6, s25, v53;
	s28 =	sadd.s32 s5, s26  }
0x12c: {  	v10 =	vsel vm7, s28, v10  }
0x12d: {  	v55 =	vperm.xlane v54, v4;
	v8 =	vsel vm8, v8, v9;
	v10 =	vperm.xlane v10, v5  }
0x12e: {  	v8 =	vadd.s32 v6, v8  }
0x12f: {  	v9 =	vsel vm8, v10, v55;
	v56 =	vshrl.u32 v8, $0x1F;
	v8 =	vshra.s32 v8, $0xE  }
0x130: {  	v8 =	vadd.s32 v56, v8;
	v9 =	vadd.s32 v7, v9  }
0x131: {  	v8 =	vmul.u32 $0x7FED, v8;
	v57 =	vshrl.u32 v9, $0x1F;
	v9 =	vshra.s32 v9, $0xE  }
0x132: {  	v9 =	vadd.s32 v57, v9  }
0x133: {  	v6 =	vsub.s32 v6, v8;
	v58 =	vmul.u32 $0x7FED, v9  }
0x134: {  	vm9 =	vlt.s32 v6, $0x0;
	v59 =	vadd.s32 $0x7FED, v6  }
0x135: {  	v6 =	vsel vm9, v59, v6;
	v7 =	vsub.s32 v7, v58  }
0x136: {  	v6 =	vmul.u32 $0x6D, v6;
	vm9 =	vlt.s32 v7, $0x0;
	v8 =	vadd.s32 $0x6D, v7  }
0x137: {  	v7 =	vsel vm9, v8, v7  }
0x138: {  	v6 =	vadd.s32 v7, v6  }
0x139: {  	v6 =	vmul.u32 $0x1F, v6  }
0x13a: {  	v7 =	vmov s6  }
0x13b: {  	v60 =	vor.u32 s6, v2;
	v7 =	vshll.u32 v7, $0x3;
	v6 =	vadd.s32 $0x11, v6  }
0x13c: {  	v8 =	vand.u32 $0x7F, v60;
	v7 =	vand.u32 $0x400, v7;
	v61 =	vshll.u32 v6, $0x7  }
0x13d: {  	v7 =	vor.u32 v7, v8;
	v62 =	vshll.u32 v6, $0x8;
	v9 =	vand.u32 $0x380, v61  }
0x13e: {  	v63 =	vand.u32 $0x7800, v62;
	v7 =	vor.u32 v9, v7  }
0x13f: {  	v7 =	vor.u32 v63, v7  }
0x140: {  	p1 =	seq.s32 s6, $0xF0  }
.Ltmp4:
0x141: {  	_ = 	snop;
	(pc) =	sbr.rel @!p1 .LBB2_12-.Ltmp4, $4  }
0x142: {  	_ = 	snop  }
0x143: {  	s30 =	rddreg [dreg:$0x14]  }
0x144: {  	s31 =	rddreg [dreg:$0x17];
	v6 =	vand.u32 $0x7F, v6;
	[tilespmem:v7+s29+$0x0] =	vst.idx.msk $0xffff, v3  }
0x145: {  	s1 =	sadd.s32 $0x20, s30;
	s0 =	sadd.s32 $0x10, s31;
	s6 =	sadd.s32 $0x10, s6;
	[tilespmem:s31+$0x0] =	vst v6  }
.Ltmp5:
0x146: {  	_ = 	snop;
	(pc) =	sbr.rel .LBB2_13-.Ltmp5, $1  }
0x147: {  	_ =	sdelay $0x3  }
.LBB2_5:
0x148: {  	s0 =	simm.s32 $0x0  }
0x149: {  	s1 =	sand.u32 $0x400, s0  }
0x14a: {  	s2 =	sand.u32 $0x70, s0;
	s1 =	sshrl.u32 s1, $0x2  }
0x14b: {  	s1 =	sor.u32 s2, s1  }
0x14c: {  	v6 =	vld [tilespmem:s1+$0x0];
	_ =	sdelay $0x4  }
0x14d: {  	v6 =	vmul.u32 $0x1F, v6  }
0x14e: {  	v7 =	vmov s0  }
0x14f: {  	v8 =	vor.u32 s0, v2;
	v7 =	vshll.u32 v7, $0x3;
	v6 =	vadd.s32 $0x11, v6  }
0x150: {  	v8 =	vand.u32 $0x7F, v8;
	v7 =	vand.u32 $0x400, v7;
	v9 =	vshll.u32 v6, $0x7  }
0x151: {  	v7 =	vor.u32 v7, v8;
	v10 =	vshll.u32 v6, $0x8;
	v9 =	vand.u32 $0x380, v9  }
0x152: {  	v8 =	vand.u32 $0x7800, v10;
	v7 =	vor.u32 v9, v7  }
0x153: {  	v7 =	vor.u32 v8, v7;
	_ =	sdelay $0x2  }
0x154: {  	s1 =	simm.s32 $0x80  }
0x155: {  	s6 =	simm.s32 $0x18600;
	s0 =	simm.s32 $0x10;
	s31 =	sand.u32 $0x400, s1  }
0x156: {  	s3 =	sand.u32 $0x70, s0;
	s2 =	simm.s32 $0x20;
	s4 =	sshrl.u32 s31, $0x2;
	v6 =	vand.u32 $0x7F, v6;
	[tilespmem:v7+s29+$0x0] =	vst.idx.msk $0xffff, v3  }
.LBB2_6:
0x157: {  	p1 =	sne.s32 s2, $0xF0;
	s3 =	sor.u32 s3, s4;
	[tilespmem:s6+$0x0] =	vst v6  }
0x158: {  	v6 =	vld [tilespmem:s3+$0x0];
	_ =	sdelay $0x4  }
0x159: {  	v6 =	vmul.u32 $0x1F, v6  }
0x15a: {  	v7 =	vmov s0;
	v8 =	vor.u32 s0, v2;
	s0 =	smov.u32 s2  }
0x15b: {  	v8 =	vand.u32 $0x7F, v8;
	v7 =	vshll.u32 v7, $0x3;
	v9 =	vadd.s32 $0x11, v6  }
0x15c: {  	v7 =	vand.u32 $0x400, v7;
	v6 =	vand.u32 $0x7F, v9;
	v10 =	vshll.u32 v9, $0x7  }
0x15d: {  	v7 =	vor.u32 v7, v8;
	v9 =	vshll.u32 v9, $0x8;
	v10 =	vand.u32 $0x380, v10  }
0x15e: {  	v8 =	vand.u32 $0x7800, v9;
	v7 =	vor.u32 v10, v7  }
0x15f: {  	v7 =	vor.u32 v8, v7  }
.Ltmp6:
0x160: {  	(pc) =	sbr.rel @p1 .LBB2_6-.Ltmp6, $4  }
0x161: {  	_ = 	snop  }
0x162: {  	s1 =	sadd.s32 $0x80, s1  }
0x163: {  	s6 =	sadd.s32 $0x10, s6;
	s4 =	sand.u32 $0x400, s1  }
0x164: {  	s2 =	sadd.s32 $0x10, s2;
	s3 =	sand.u32 $0x70, s0;
	s4 =	sshrl.u32 s4, $0x2;
	[tilespmem:v7+s29+$0x0] =	vst.idx.msk $0xffff, v3  }
0x165: {  	s1 =	sor.u32 s3, s4;
	[tilespmem:s6+$0x0] =	vst v6  }
0x166: {  	v6 =	vld [tilespmem:s1+$0x0];
	_ =	sdelay $0x4  }
0x167: {  	v6 =	vmul.u32 $0x1F, v6  }
0x168: {  	v7 =	vmov s0  }
0x169: {  	v8 =	vor.u32 s0, v2;
	v7 =	vshll.u32 v7, $0x3;
	v6 =	vadd.s32 $0x11, v6  }
0x16a: {  	v8 =	vand.u32 $0x7F, v8;
	v7 =	vand.u32 $0x400, v7;
	v9 =	vshll.u32 v6, $0x7  }
0x16b: {  	v7 =	vor.u32 v7, v8;
	v10 =	vshll.u32 v6, $0x8;
	v9 =	vand.u32 $0x380, v9  }
0x16c: {  	v63 =	vand.u32 $0x7800, v10;
	v7 =	vor.u32 v9, v7  }
0x16d: {  	v7 =	vor.u32 v63, v7;
	_ =	sdelay $0x4  }
0x16e: {  	s31 =	sadd.s32 $0x10, s6;
	v6 =	vand.u32 $0x7F, v6;
	[tilespmem:v7+s29+$0x0] =	vst.idx.msk $0xffff, v3  }
0x16f: {  	[tilespmem:s31+$0x0] =	vst v6  }
.LBB2_13:
0x170: {  	s7 =	rddreg [dreg:$0x10]  }
0x171: {  	s0 =	smul.u32 $0x60, s7  }
0x172: {  	s1 =	rddreg [dreg:$0x4]  }
0x173: {  	s22 =	smul.u32 $0x300000, s7;
	s0 =	sor.u32 s1, s0  }
0x174: {  	s2 =	sshll.u32 s0, $0xB  }
0x175: {  	s1 =	sand.u32 $0x7E00000, s22;
	s2 =	sand.u32 $0x1F800, s2  }
0x176: {  	s1 =	sor.u32 s1, s2  }
0x177: {  	s23 =	rddreg [dreg:$0x2];
	s24 =	simm.s32 $0x800;
	s1 =	sshrl.u32 s1, $0x3  }
0x178: {  	s3 =	simm.s32 $0x20000;
	s0 =	sadd.s32 $0x60, s0;
	s1 =	sadd.s32 s23, s1  }
0x179: {  	[hbm4b:s1+s24] =	stream.strided.scatter [tilespmem:s29], [sflag:$0x4], $0x8000, s3, s24, $0x38;
	[tilespmem:$0x1C900] =	vst v63  }
0x17a: {  	s1 =	sshrl.u32 s0, $0x6  }
0x17b: {  	p1 =	sgt.u32 s7, $0x10;
	s25 =	sshll.u32 s1, $0x1  }
0x17c: {  	s0 =	sshll.u32 s0, $0xB;
	s4 =	smov.u32 s1;
	s3 =	sadd.s32 $0xFFFFFFCC, s25  }
0x17d: {  	s26 =	rddreg [dreg:$0x0];
	s0 =	sand.u32 $0x1F800, s0;
	s4 =	smov.u32 @p1 s3  }
0x17e: {  	s2 =	sadd.s32 $0xFFFFFFCD, s25;
	s3 =	sshll.u32 s4, $0xE;
	s4 =	sshll.u32 s4, $0x7  }
0x17f: {  	s1 =	smov.u32 @p1 s2;
	s3 =	sand.u32 $0xFFFE0000, s3;
	s4 =	sand.u32 $0x380, s4  }
0x180: {  	s2 =	sshll.u32 s1, $0xE;
	s1 =	sshll.u32 s1, $0x7;
	s3 =	sor.u32 s3, s4  }
0x181: {  	s2 =	sand.u32 $0xFFFE0000, s2;
	s1 =	sand.u32 $0x380, s1;
	s3 =	sor.u32 s0, s3  }
0x182: {  	s5 =	simm.s32 $0x0;
	s1 =	sor.u32 s2, s1;
	s3 =	sshrl.u32 s3, $0x3  }
0x183: {  	s6 =	simm.s32 $0x100;
	s0 =	sor.u32 s0, s1;
	s3 =	sadd.s32 s26, s3  }
0x184: {  	[tilespmem:s5], [sflag:$0x1] =	stream.linear.gather [hbm4b:s3+s5], $0x80, $0x38;
	[tilespmem:$0x1C900] =	vst v63  }
0x185: {  	s28 =	simm.s32 $0x80;
	s0 =	sshrl.u32 s0, $0x3;
	s3 =	sadd.s32 $0x80, s3  }
0x186: {  	[tilespmem:s6], [sflag:$0x1] =	stream.linear.gather [hbm4b:s3+s5], $0x80, $0x38;
	[tilespmem:$0x1C900] =	vst v63  }
0x187: {  	s30 =	simm.s32 $0x180;
	p2 =	seq.s32 s7, $0x0;
	s0 =	sadd.s32 s26, s0  }
0x188: {  	[tilespmem:s28], [sflag:$0x1] =	stream.linear.gather [hbm4b:s0+s5], $0x80, $0x38;
	[tilespmem:$0x1C900] =	vst v63  }
.Ltmp7:
0x189: {  	s31 =	simm.s32 $0x2;
	s0 =	sadd.s32 $0x80, s0;
	(pc) =	sbr.rel @p2 .LBB2_20-.Ltmp7, $4  }
0x18a: {  	[tilespmem:s30], [sflag:$0x1] =	stream.linear.gather [hbm4b:s0+s5], $0x80, $0x38;
	[tilespmem:$0x1C900] =	vst v63  }
0x18b: {  	_ =	swait.ge [sflag:s31], $0x200  }
0x18c: {  	[sflag:s31] =	ssyncset.done $0x0  }
0x18d: {  	s5 =	simm.s32 $0x8600;
	[sflag:s31] =	ssyncadd.s32 $0xFFFFFE00  }
0x18e: {  	s0 =	simm.s32 $0x5  }
0x18f: {  	_ =	swait.ge [sflag:s0], $0x8000  }
0x190: {  	[sflag:s0] =	ssyncset.done $0x0  }
0x191: {  	[sflag:s0] =	ssyncadd.s32 $0xFFFF8000;
	s0 =	simm.s32 $0x18700  }
0x192: {  	s1 =	simm.s32 $0x0;
	s2 =	simm.s32 $0x10;
	v6 =	vld [tilespmem:s0+$0x0]  }
.LBB2_15:
0x193: {  	p3 =	sne.s32 s2, $0xF0;
	_ =	sdelay $0x1  }
0x194: {  	v7 =	vmov s1  }
0x195: {  	v8 =	vor.u32 s1, v2;
	s1 =	smov.u32 s2;
	v7 =	vshll.u32 v7, $0x3  }
0x196: {  	v8 =	vand.u32 $0x7F, v8;
	v7 =	vand.u32 $0x400, v7;
	v9 =	vshll.u32 v6, $0x8  }
0x197: {  	v7 =	vor.u32 v7, v8;
	v6 =	vshll.u32 v6, $0x7;
	v9 =	vand.u32 $0xFFFFF800, v9  }
0x198: {  	v6 =	vand.u32 $0x380, v6;
	v7 =	vor.u32 v9, v7  }
0x199: {  	v6 =	vor.u32 v6, v7;
	_ =	sdelay $0x1  }
.Ltmp8:
0x19a: {  	(pc) =	sbr.rel @p3 .LBB2_15-.Ltmp8, $3  }
0x19b: {  	_ =	sdelay $0x1  }
0x19c: {  	s0 =	sadd.s32 $0x10, s0;
	[tilespmem:v6+s5+$0x0] =	vst.idx.msk $0xffff, v0  }
0x19d: {  	s2 =	sadd.s32 $0x10, s2;
	v6 =	vld [tilespmem:s0+$0x0]  }
0x19e: {  	_ =	sdelay $0x1  }
0x19f: {  	v7 =	vmov s1  }
0x1a0: {  	v8 =	vor.u32 s1, v2;
	v7 =	vshll.u32 v7, $0x3  }
0x1a1: {  	v8 =	vand.u32 $0x7F, v8;
	v7 =	vand.u32 $0x400, v7;
	v9 =	vshll.u32 v6, $0x8  }
0x1a2: {  	v7 =	vor.u32 v7, v8;
	v6 =	vshll.u32 v6, $0x7;
	v9 =	vand.u32 $0xFFFFF800, v9  }
0x1a3: {  	v6 =	vand.u32 $0x380, v6;
	v7 =	vor.u32 v9, v7  }
0x1a4: {  	v6 =	vor.u32 v6, v7  }
.Ltmp9:
0x1a5: {  	_ = 	snop;
	(pc) =	sbr.rel @!p1 .LBB2_20-.Ltmp9, $2  }
0x1a6: {  	_ =	sdelay $0x2  }
0x1a7: {  	[tilespmem:v6+s5+$0x0] =	vst.idx.msk $0xffff, v0  }
0x1a8: {  	s1 =	simm.s32 $0x0;
	s0 =	simm.s32 $0x18700;
	s6 =	simm.s32 $0x0  }
.LBB2_18:
0x1a9: {  	[dreg:$0x15] =	wrdreg s1  }
0x1aa: {  	s1 =	rddreg [dreg:$0x15]  }
0x1ab: {  	s7 =	sand.u32 $0x70, s6;
	s1 =	sand.u32 $0x100, s1  }
0x1ac: {  	[dreg:$0x18] =	wrdreg s0;
	s0 =	sor.u32 s7, s1  }
0x1ad: {  	v6 =	vld [tilespmem:s0+$0x200];
	_ =	sdelay $0x4  }
0x1ae: {  	(v2sf) =	vpush v6, $0xD  }
0x1af: {  	(v2sf) =	vpush v6, $0xC  }
0x1b0: {  	(v2sf) =	vpush v6, $0xE  }
0x1b1: {  	(v2sf) =	vpush v6, $0xF  }
0x1b2: {  	(v2sf) =	vpush v6, $0x9  }
0x1b3: {  	(v2sf) =	vpush v6, $0x8  }
0x1b4: {  	(v2sf) =	vpush v6, $0xA;
	_ =	sdelay $0x1  }
0x1b5: {  	(v2sf) =	vpush v6, $0xB  }
0x1b6: {  	(v2sf) =	vpush v6, $0x1;
	_ =	sdelay $0x1  }
0x1b7: {  	(v2sf) =	vpush v6, $0x0;
	_ =	sdelay $0x1  }
0x1b8: {  	(v2sf) =	vpush v6, $0x2;
	_ =	sdelay $0x1  }
0x1b9: {  	(v2sf) =	vpush v6, $0x3;
	s5 =	spop (v2sf)  }
0x1ba: {  	s28 =	spop (v2sf)  }
0x1bb: {  	(v2sf) =	vpush v6, $0x4;
	s9 =	sshra.s32 s28, $0x1F;
	s30 =	spop (v2sf)  }
0x1bc: {  	s2 =	smul.u32 $0x801302D3, s9;
	s9 =	spop (v2sf)  }
0x1bd: {  	(v2sf) =	vpush v6, $0x5;
	s25 =	spop (v2sf)  }
0x1be: {  	s26 =	spop (v2sf)  }
0x1bf: {  	v7 =	vld [tilespmem:s0+$0x280];
	(v2sf) =	vpush v6, $0x6;
	s14 =	spop (v2sf)  }
0x1c0: {  	s16 =	sshra.s32 s14, $0x1F  }
0x1c1: {  	s12 =	sshra.s32 s25, $0x1F;
	s23 =	spop (v2sf);
	s0 =	smul.u32 $0x801302D3, s16  }
0x1c2: {  	s31 =	smul.u32 $0x801302D3, s12;
	s12 =	spop (v2sf);
	s17 =	sshra.s32 s23, $0x1F  }
0x1c3: {  	(v2sf) =	vpush v6, $0x7;
	s11 =	sshra.s32 s9, $0x1F;
	[smem:$0x7D6] =	sst s0;
	s0 =	smul.u32 $0x801302D3, s17  }
0x1c4: {  	(v2sf) =	vpush v7, $0xD;
	s15 =	smul.u32 $0x801302D3, s11;
	s11 =	spop (v2sf);
	s19 =	sshra.s32 s12, $0x1F  }
0x1c5: {  	s13 =	sshra.s32 s26, $0x1F;
	[smem:$0x7D7] =	sst s0;
	s0 =	smul.u32 $0x801302D3, s19  }
0x1c6: {  	(v2sf) =	vpush v7, $0xC;
	s20 =	smul.u32 $0x801302D3, s13;
	s21 =	sshra.s32 s11, $0x1F;
	s13 =	spop (v2sf)  }
0x1c7: {  	(v2sf) =	vpush v7, $0xE;
	[smem:$0x7D8] =	sst s0;
	s0 =	smul.u32 $0x801302D3, s21  }
0x1c8: {  	s1 =	spop (v2sf);
	s22 =	sshra.s32 s13, $0x1F  }
0x1c9: {  	[smem:$0x7D9] =	sst s0;
	s0 =	smul.u32 $0x801302D3, s22  }
0x1ca: {  	s19 =	spop (v2sf);
	s24 =	sshra.s32 s1, $0x1F  }
0x1cb: {  	[smem:$0x7DA] =	sst s0;
	s0 =	smul.u32 $0x801302D3, s24  }
0x1cc: {  	s3 =	sshra.s32 s19, $0x1F;
	s4 =	spop (v2sf)  }
0x1cd: {  	s8 =	sshra.s32 s5, $0x1F;
	[smem:$0x7DB] =	sst s0;
	s0 =	smul.u32 $0x801302D3, s3  }
0x1ce: {  	s7 =	smul.u32 $0x801302D3, s8;
	(v2sf) =	vpush v7, $0xF;
	s8 =	sshra.s32 s4, $0x1F;
	s24 =	spop (v2sf)  }
0x1cf: {  	s10 =	sshra.s32 s30, $0x1F;
	(v2sf) =	vpush v7, $0x9;
	[smem:$0x7DC] =	sst s0;
	s0 =	smul.u32 $0x801302D3, s8  }
0x1d0: {  	s18 =	smul.u32 $0x801302D3, s10;
	s10 =	sshra.s32 s24, $0x1F  }
0x1d1: {  	[smem:$0x7DD] =	sst s0;
	s0 =	smul.u32 $0x801302D3, s10  }
0x1d2: {  	s21 =	spop (v2sf)  }
0x1d3: {  	s10 =	sshra.s32 s21, $0x1F;
	[smem:$0x7DE] =	sst s0;
	s0 =	spop (v2sf)  }
0x1d4: {  	s3 =	smul.u32 $0x801302D3, s10;
	s16 =	sshra.s32 s0, $0x1F  }
0x1d5: {  	s17 =	spop (v2sf);
	s22 =	smul.u32 $0x801302D3, s16  }
0x1d6: {  	(v2sf) =	vpush v7, $0x8;
	s10 =	smulhi.u32 $0x801302D3, s5;
	s8 =	sshra.s32 s17, $0x1F;
	s16 =	spop (v2sf)  }
0x1d7: {  	[smem:$0x7E0] =	sst s22;
	s22 =	smul.u32 $0x801302D3, s8  }
0x1d8: {  	s8 =	sshra.s32 s16, $0x1F  }
0x1d9: {  	s5 =	ssub.s32 s10, s5;
	[smem:$0x7E1] =	sst s22;
	s22 =	smul.u32 $0x801302D3, s8  }
0x1da: {  	[smem:$0x7DF] =	sst s3;
	s7 =	sadd.s32 s7, s5;
	s8 =	smulhi.u32 $0x801302D3, s28  }
0x1db: {  	[dreg:$0x1b] =	wrdreg s7  }
0x1dc: {  	[smem:$0x7E2] =	sst s22;
	s10 =	ssub.s32 s8, s28;
	s28 =	smulhi.u32 $0x801302D3, s30  }
0x1dd: {  	(v2sf) =	vpush v7, $0xA;
	s22 =	spop (v2sf);
	s8 =	smulhi.u32 $0x801302D3, s9  }
0x1de: {  	(v2sf) =	vpush v7, $0xB;
	s3 =	sshra.s32 s22, $0x1F;
	s2 =	sadd.s32 s2, s10;
	s5 =	spop (v2sf)  }
0x1df: {  	s3 =	smul.u32 $0x801302D3, s3;
	[smem:$0x7E5] =	sst s2;
	s28 =	ssub.s32 s28, s30  }
0x1e0: {  	s30 =	smulhi.u32 $0x801302D3, s25;
	s10 =	sshra.s32 s5, $0x1F;
	s2 =	ssub.s32 s8, s9  }
0x1e1: {  	s8 =	sld [smem:$0x7DE];
	s2 =	sadd.s32 s15, s2;
	s15 =	smulhi.u32 $0x801302D3, s12  }
0x1e2: {  	[smem:$0x7E3] =	sst s3;
	s3 =	sadd.s32 s18, s28;
	s18 =	smul.u32 $0x801302D3, s10  }
0x1e3: {  	[dreg:$0x1f] =	wrdreg s2;
	s28 =	smulhi.u32 $0x801302D3, s26  }
0x1e4: {  	s25 =	ssub.s32 s30, s25;
	s30 =	smulhi.u32 $0x801302D3, s14;
	s10 =	sld [smem:$0x7D6]  }
0x1e5: {  	[smem:$0x7E6] =	sst s3;
	s2 =	sadd.s32 s31, s25;
	s25 =	spop (v2sf)  }
0x1e6: {  	s31 =	smulhi.u32 $0x801302D3, s23;
	[smem:$0x7E4] =	sst s18  }
0x1e7: {  	[smem:$0x7E7] =	sst s2;
	s3 =	ssub.s32 s28, s26;
	s9 =	sshra.s32 s25, $0x1F  }
0x1e8: {  	(v2sf) =	vpush v7, $0x1;
	s2 =	ssub.s32 s30, s14;
	s18 =	sld [smem:$0x7D7];
	s7 =	smul.u32 $0x801302D3, s9  }
0x1e9: {  	s30 =	sld [smem:$0x7D8];
	s26 =	sadd.s32 s20, s3;
	s20 =	smulhi.u32 $0x801302D3, s11  }
0x1ea: {  	s2 =	sadd.s32 s10, s2;
	s14 =	ssub.s32 s31, s23;
	s23 =	smulhi.u32 $0x801302D3, s13  }
0x1eb: {  	s3 =	ssub.s32 s15, s12;
	s31 =	sld [smem:$0x7D9];
	s12 =	smulhi.u32 $0x801302D3, s1  }
0x1ec: {  	[smem:$0x7E8] =	sst s2;
	s10 =	spop (v2sf)  }
0x1ed: {  	(v2sf) =	vpush v7, $0x0;
	s2 =	sadd.s32 s18, s14;
	s28 =	sshra.s32 s10, $0x1F;
	s18 =	spop (v2sf)  }
0x1ee: {  	[smem:$0x7E9] =	sst s2;
	s14 =	smul.u32 $0x801302D3, s28  }
0x1ef: {  	s2 =	ssub.s32 s20, s11;
	s11 =	ssub.s32 s23, s13;
	s23 =	smulhi.u32 $0x801302D3, s19  }
0x1f0: {  	s3 =	sadd.s32 s30, s3;
	s28 =	smulhi.u32 $0x801302D3, s4;
	s30 =	sshra.s32 s18, $0x1F  }
0x1f1: {  	s20 =	sld [smem:$0x7DA];
	s9 =	ssub.s32 s23, s19;
	s19 =	smul.u32 $0x801302D3, s30  }
0x1f2: {  	s1 =	ssub.s32 s12, s1;
	s12 =	sld [smem:$0x7DC];
	s23 =	smulhi.u32 $0x801302D3, s24  }
0x1f3: {  	s15 =	sadd.s32 s31, s2;
	s31 =	sld [smem:$0x7DB];
	s30 =	smulhi.u32 $0x801302D3, s21  }
0x1f4: {  	s13 =	sadd.s32 s20, s11;
	s20 =	ssub.s32 s28, s4;
	s28 =	sld [smem:$0x7DD]  }
0x1f5: {  	s4 =	ssub.s32 s23, s24;
	s23 =	ssub.s32 s30, s21;
	s30 =	sld [smem:$0x7DF]  }
0x1f6: {  	(v2sf) =	vpush v7, $0x2;
	s2 =	sadd.s32 s12, s9;
	s12 =	sld [smem:$0x7E0];
	s11 =	sadd.s32 s31, s1  }
0x1f7: {  	(v2sf) =	vpush v7, $0x3;
	s9 =	sadd.s32 s28, s20;
	s20 =	spop (v2sf);
	s28 =	smulhi.u32 $0x801302D3, s0  }
0x1f8: {  	s31 =	sshra.s32 s20, $0x1F;
	s24 =	sadd.s32 s30, s23;
	s30 =	smulhi.u32 $0x801302D3, s25  }
0x1f9: {  	s21 =	smul.u32 $0x801302D3, s31  }
0x1fa: {  	v10 =	vmov s26;
	s26 =	rddreg [dreg:$0x1f];
	s0 =	ssub.s32 s28, s0;
	s31 =	smulhi.u32 $0x801302D3, s17  }
0x1fb: {  	(v2sf) =	vpush v7, $0x4;
	s8 =	sadd.s32 s8, s4;
	s1 =	sadd.s32 s12, s0;
	s12 =	smulhi.u32 $0x801302D3, s16  }
0x1fc: {  	(v2sf) =	vpush v7, $0x5;
	s28 =	spop (v2sf);
	s25 =	ssub.s32 s30, s25;
	s30 =	smulhi.u32 $0x801302D3, s20  }
0x1fd: {  	s23 =	sshra.s32 s28, $0x1F;
	s4 =	ssub.s32 s31, s17;
	s17 =	smulhi.u32 $0x801302D3, s22  }
0x1fe: {  	s31 =	sld [smem:$0x7E1];
	s7 =	sadd.s32 s7, s25;
	s25 =	smulhi.u32 $0x801302D3, s18  }
0x1ff: {  	v8 =	vmov s15;
	s0 =	ssub.s32 s12, s16;
	s16 =	smul.u32 $0x801302D3, s23;
	s12 =	sld [smem:$0x7E2]  }
0x200: {  	v8 =	vnsel vm3, $0x0, v8;
	(v2sf) =	vpush v7, $0x6;
	s23 =	sld [smem:$0x7E3];
	s30 =	ssub.s32 s30, s20;
	s22 =	ssub.s32 s17, s22  }
0x201: {  	v8 =	vsel vm0, s3, v8;
	s17 =	smulhi.u32 $0x801302D3, s5;
	s3 =	sadd.s32 s21, s30;
	s30 =	sld [smem:$0x7E6]  }
0x202: {  	(v2sf) =	vpush v7, $0x7;
	s18 =	ssub.s32 s25, s18;
	s21 =	sld [smem:$0x7E7]  }
0x203: {  	s31 =	sadd.s32 s31, s4;
	s5 =	ssub.s32 s17, s5;
	s17 =	smulhi.u32 $0x801302D3, s10  }
0x204: {  	s15 =	sadd.s32 s19, s18;
	s4 =	sadd.s32 s23, s22;
	s23 =	sld [smem:$0x7E4]  }
0x205: {  	s12 =	sadd.s32 s12, s0;
	s22 =	spop (v2sf);
	s10 =	ssub.s32 s17, s10  }
0x206: {  	s25 =	smulhi.u32 $0x801302D3, s22;
	s10 =	sadd.s32 s14, s10;
	s14 =	spop (v2sf)  }
0x207: {  	s17 =	smulhi.u32 $0x801302D3, s28;
	s5 =	sadd.s32 s23, s5;
	s23 =	sshra.s32 s14, $0x1F  }
0x208: {  	s0 =	sshra.s32 s22, $0x1F;
	s18 =	smul.u32 $0x801302D3, s23;
	s23 =	sld [smem:$0x7E5]  }
0x209: {  	v8 =	vsel vm1, s13, v8;
	s0 =	smul.u32 $0x801302D3, s0;
	s17 =	ssub.s32 s17, s28;
	s28 =	rddreg [dreg:$0x1b]  }
0x20a: {  	v8 =	vsel vm2, s11, v8;
	s13 =	sadd.s32 s16, s17;
	s16 =	spop (v2sf);
	s17 =	smulhi.u32 $0x801302D3, s14  }
0x20b: {  	v8 =	vsel vm4, s2, v8;
	s19 =	smulhi.u32 $0x801302D3, s16;
	s2 =	spop (v2sf);
	v9 =	vmov s23  }
0x20c: {  	v8 =	vsel vm5, s9, v8;
	v10 =	vsel vm0, s21, v10;
	s21 =	ssub.s32 s17, s14;
	s23 =	ssub.s32 s25, s22;
	v9 =	vsel vm0, s28, v9;
	s28 =	sld [smem:$0x7E8]  }
0x20d: {  	v8 =	vsel vm6, s8, v8;
	s25 =	sshra.s32 s16, $0x1F;
	s22 =	smulhi.u32 $0x801302D3, s2;
	v9 =	vsel vm1, s30, v9;
	s30 =	sld [smem:$0x7E9]  }
0x20e: {  	v8 =	vsel vm7, s24, v8;
	v13 =	vmov s7;
	v11 =	vmov s13;
	s0 =	sadd.s32 s0, s23;
	s11 =	smul.u32 $0x801302D3, s25;
	s23 =	sshra.s32 s2, $0x1F  }
0x20f: {  	v11 =	vnsel vm3, $0x0, v11;
	s25 =	sadd.s32 s18, s21;
	s14 =	smul.u32 $0x801302D3, s23;
	v9 =	vsel vm2, s26, v9;
	s26 =	spop (v2sf);
	v10 =	vsel vm1, s28, v10  }
0x210: {  	v12 =	vmov s31;
	v11 =	vsel vm0, s3, v11;
	s2 =	ssub.s32 s22, s2;
	s31 =	sshra.s32 s26, $0x1F;
	v10 =	vsel vm2, s30, v10;
	s30 =	smulhi.u32 $0x801302D3, s26  }
0x211: {  	v8 =	vperm.xlane v8, v5;
	v12 =	vsel vm0, s1, v12;
	v11 =	vsel vm1, s0, v11;
	s28 =	ssub.s32 s19, s16;
	s18 =	spop (v2sf);
	s17 =	smul.u32 $0x801302D3, s31  }
0x212: {  	v12 =	vsel vm1, s12, v12;
	v13 =	vsel vm0, s5, v13;
	v11 =	vsel vm2, s25, v11;
	s16 =	sadd.s32 s11, s28;
	s19 =	smulhi.u32 $0x801302D3, s18;
	s20 =	sshra.s32 s18, $0x1F  }
0x213: {  	v13 =	vsel vm1, s10, v13;
	s21 =	sadd.s32 s14, s2;
	v11 =	vsel vm4, s16, v11;
	v9 =	vcombine.low v10, v9;
	s23 =	smul.u32 $0x801302D3, s20;
	s22 =	ssub.s32 s30, s26  }
0x214: {  	v12 =	vsel vm2, s4, v12;
	v13 =	vsel vm2, s15, v13;
	v53 =	vsel vm5, s21, v11;
	s25 =	ssub.s32 s19, s18;
	s24 =	sadd.s32 s17, s22  }
0x215: {  	v54 =	vcombine.low v13, v12;
	v9 =	vperm.xlane v9, v4;
	s26 =	sadd.s32 s23, s25;
	v10 =	vsel vm6, s24, v53  }
0x216: {  	v10 =	vsel vm7, s26, v10  }
0x217: {  	v55 =	vperm.xlane v54, v4;
	v8 =	vsel vm8, v8, v9;
	v10 =	vperm.xlane v10, v5  }
0x218: {  	v8 =	vadd.s32 v6, v8  }
0x219: {  	v56 =	vshrl.u32 v8, $0x1F;
	v8 =	vshra.s32 v8, $0xE;
	v9 =	vsel vm8, v10, v55  }
0x21a: {  	v8 =	vadd.s32 v56, v8;
	v9 =	vadd.s32 v7, v9  }
0x21b: {  	v8 =	vmul.u32 $0x7FED, v8;
	v57 =	vshrl.u32 v9, $0x1F;
	v9 =	vshra.s32 v9, $0xE  }
0x21c: {  	v9 =	vadd.s32 v57, v9  }
0x21d: {  	v6 =	vsub.s32 v6, v8;
	v58 =	vmul.u32 $0x7FED, v9  }
0x21e: {  	vm9 =	vlt.s32 v6, $0x0;
	v59 =	vadd.s32 $0x7FED, v6  }
0x21f: {  	v6 =	vsel vm9, v59, v6;
	v7 =	vsub.s32 v7, v58  }
0x220: {  	v6 =	vmul.u32 $0x6D, v6;
	vm9 =	vlt.s32 v7, $0x0;
	v8 =	vadd.s32 $0x6D, v7  }
0x221: {  	v7 =	vsel vm9, v8, v7  }
0x222: {  	v6 =	vadd.s32 v7, v6  }
0x223: {  	v6 =	vmul.u32 $0x1F, v6  }
0x224: {  	v7 =	vmov s6  }
0x225: {  	v60 =	vor.u32 s6, v2;
	v7 =	vshll.u32 v7, $0x3;
	v6 =	vadd.s32 $0x11, v6  }
0x226: {  	v8 =	vand.u32 $0x7F, v60;
	v7 =	vand.u32 $0x400, v7;
	v61 =	vshll.u32 v6, $0x7  }
0x227: {  	v7 =	vor.u32 v7, v8;
	v62 =	vshll.u32 v6, $0x8;
	v9 =	vand.u32 $0x380, v61  }
0x228: {  	v63 =	vand.u32 $0x7800, v62;
	v7 =	vor.u32 v9, v7  }
0x229: {  	v7 =	vor.u32 v63, v7  }
0x22a: {  	p1 =	seq.s32 s6, $0xF0  }
.Ltmp10:
0x22b: {  	_ = 	snop;
	(pc) =	sbr.rel @!p1 .LBB2_18-.Ltmp10, $4  }
0x22c: {  	_ = 	snop  }
0x22d: {  	s28 =	rddreg [dreg:$0x15];
	s31 =	simm.s32 $0x8600  }
0x22e: {  	s30 =	rddreg [dreg:$0x18];
	v6 =	vand.u32 $0x7F, v6;
	[tilespmem:v7+s31+$0x0] =	vst.idx.msk $0xffff, v3  }
0x22f: {  	s1 =	sadd.s32 $0x20, s28;
	s0 =	sadd.s32 $0x10, s30;
	s6 =	sadd.s32 $0x10, s6;
	[tilespmem:s30+$0x0] =	vst v6  }
.Ltmp11:
0x230: {  	(pc) =	sbr.rel .LBB2_23-.Ltmp11, $2  }
0x231: {  	_ =	sdelay $0x2  }
0x232: {  	p3 =	por $0x0, $0x0;
	s5 =	simm.s32 $0x8600;
	s7 =	rddreg [dreg:$0x10]  }
.LBB2_20:
0x233: {  	s0 =	simm.s32 $0x0;
	s1 =	simm.s32 $0x18700;
	s2 =	simm.s32 $0x0  }
.LBB2_21:
0x234: {  	s3 =	sand.u32 $0x400, s0  }
0x235: {  	s4 =	sand.u32 $0x70, s2;
	s3 =	sshrl.u32 s3, $0x2  }
0x236: {  	s3 =	sor.u32 s4, s3  }
0x237: {  	v6 =	vld [tilespmem:s3+$0x200];
	_ =	sdelay $0x4  }
0x238: {  	v6 =	vmul.u32 $0x1F, v6  }
0x239: {  	v7 =	vmov s2  }
0x23a: {  	v8 =	vor.u32 s2, v2;
	v7 =	vshll.u32 v7, $0x3;
	v6 =	vadd.s32 $0x11, v6  }
0x23b: {  	v8 =	vand.u32 $0x7F, v8;
	v7 =	vand.u32 $0x400, v7;
	v9 =	vshll.u32 v6, $0x7  }
0x23c: {  	v7 =	vor.u32 v7, v8;
	v10 =	vshll.u32 v6, $0x8;
	v9 =	vand.u32 $0x380, v9  }
0x23d: {  	v63 =	vand.u32 $0x7800, v10;
	v7 =	vor.u32 v9, v7  }
0x23e: {  	v7 =	vor.u32 v63, v7  }
0x23f: {  	p1 =	sne.s32 s2, $0xF0  }
.Ltmp12:
0x240: {  	_ = 	snop;
	(pc) =	sbr.rel @p1 .LBB2_21-.Ltmp12, $3  }
0x241: {  	_ =	sdelay $0x1  }
0x242: {  	v6 =	vand.u32 $0x7F, v6;
	[tilespmem:v7+s5+$0x0] =	vst.idx.msk $0xffff, v3  }
0x243: {  	s0 =	sadd.s32 $0x80, s0;
	s2 =	sadd.s32 $0x10, s2;
	[tilespmem:s1+$0x0] =	vst v6;
	s1 =	sadd.s32 $0x10, s1  }
0x244: {  	p3 =	por $0x1, $0x1  }
.LBB2_23:
0x245: {  	s0 =	smul.u32 $0x3, s7;
	_ =	sdelay $0x1  }
0x246: {  	[dreg:$0x11] =	wrdreg s0;
	s0 =	sadd.s32 $0x1, s0  }
0x247: {  	s2 =	rddreg [dreg:$0x4];
	s1 =	sshll.u32 s0, $0x5  }
0x248: {  	s0 =	sshll.u32 s0, $0x11;
	s1 =	sor.u32 s2, s1  }
0x249: {  	s3 =	rddreg [dreg:$0x2];
	s0 =	sand.u32 $0x1FC0000, s0;
	s2 =	sshll.u32 s1, $0x8  }
0x24a: {  	s28 =	simm.s32 $0x800;
	s0 =	sadd.s32 s3, s0;
	s2 =	sand.u32 $0x3F00, s2  }
0x24b: {  	s30 =	simm.s32 $0x20000;
	p1 =	seq.s32 s7, $0x12;
	s0 =	sadd.s32 s2, s0  }
0x24c: {  	[hbm4b:s0+s28] =	stream.strided.scatter [tilespmem:s5], [sflag:$0x5], $0x8000, s30, s28, $0x38;
	[tilespmem:$0x1C900] =	vst v63  }
0x24d: {  	s0 =	sadd.s32 @!p1 $0x60, s1  }
0x24e: {  	s1 =	sshrl.u32 @!p1 s0, $0x6  }
0x24f: {  	p4 =	sgt.u32 @!p1 s7, $0xF;
	s2 =	sshll.u32 @!p1 s1, $0x1  }
0x250: {  	p4 =	por !p4, p1;
	s0 =	sshll.u32 @!p1 s0, $0xB;
	s3 =	sadd.s32 @!p1 $0xFFFFFFCC, s2  }
0x251: {  	s6 =	rddreg [dreg:$0x0];
	s0 =	sand.u32 @!p1 $0x1F800, s0;
	s3 =	smov.u32 @p4 s1  }
0x252: {  	s2 =	sadd.s32 @!p1 $0xFFFFFFCD, s2;
	s4 =	sshll.u32 @!p1 s3, $0xE;
	s3 =	sshll.u32 @!p1 s3, $0x7  }
0x253: {  	s2 =	smov.u32 @p4 s1;
	s4 =	sand.u32 @!p1 $0xFFFE0000, s4;
	s3 =	sand.u32 @!p1 $0x380, s3  }
0x254: {  	s1 =	sshll.u32 @!p1 s2, $0xE;
	s2 =	sshll.u32 @!p1 s2, $0x7;
	s3 =	sor.u32 @!p1 s4, s3  }
0x255: {  	s1 =	sand.u32 @!p1 $0xFFFE0000, s1;
	s2 =	sand.u32 @!p1 $0x380, s2;
	s3 =	sor.u32 @!p1 s0, s3  }
0x256: {  	s5 =	simm.s32 @!p1 $0x200;
	s1 =	sor.u32 @!p1 s1, s2;
	s3 =	sshrl.u32 @!p1 s3, $0x3  }
0x257: {  	s4 =	simm.s32 @!p1 $0x0;
	s0 =	sor.u32 @!p1 s0, s1;
	s3 =	sadd.s32 @!p1 s6, s3  }
0x258: {  	[tilespmem:s5], [sflag:$0x2] =	stream.linear.gather @!p1 [hbm4b:s3+s4], $0x80, $0x38;
	[tilespmem:$0x1C900] =	vst v63  }
0x259: {  	s0 =	sshrl.u32 @!p1 s0, $0x3;
	s3 =	sadd.s32 @!p1 $0x80, s3;
	s5 =	simm.s32 @!p1 $0x300  }
0x25a: {  	[tilespmem:s5], [sflag:$0x2] =	stream.linear.gather @!p1 [hbm4b:s3+s4], $0x80, $0x38;
	[tilespmem:$0x1C900] =	vst v63  }
0x25b: {  	s31 =	simm.s32 $0x3;
	s1 =	simm.s32 @!p1 $0x280;
	s0 =	sadd.s32 @!p1 s6, s0  }
0x25c: {  	[tilespmem:s1], [sflag:$0x2] =	stream.linear.gather @!p1 [hbm4b:s0+s4], $0x80, $0x38;
	[tilespmem:$0x1C900] =	vst v63  }
.Ltmp13:
0x25d: {  	s0 =	sadd.s32 @!p1 $0x80, s0;
	s1 =	simm.s32 @!p1 $0x380;
	(pc) =	sbr.rel @p2 .LBB2_29-.Ltmp13, $4  }
0x25e: {  	[tilespmem:s1], [sflag:$0x2] =	stream.linear.gather @!p1 [hbm4b:s0+s4], $0x80, $0x38;
	[tilespmem:$0x1C900] =	vst v63  }
0x25f: {  	_ =	swait.ge [sflag:s31], $0x200  }
0x260: {  	[sflag:s31] =	ssyncset.done $0x0  }
0x261: {  	s6 =	simm.s32 $0x10600;
	[sflag:s31] =	ssyncadd.s32 $0xFFFFFE00  }
0x262: {  	s0 =	simm.s32 $0x6  }
0x263: {  	_ =	swait.ge [sflag:s0], $0x8000  }
0x264: {  	[sflag:s0] =	ssyncset.done $0x0  }
0x265: {  	[sflag:s0] =	ssyncadd.s32 $0xFFFF8000;
	s0 =	simm.s32 $0x18800  }
0x266: {  	s1 =	simm.s32 $0x0;
	s2 =	simm.s32 $0x10;
	v6 =	vld [tilespmem:s0+$0x0]  }
.LBB2_25:
0x267: {  	p2 =	sne.s32 s2, $0xF0;
	_ =	sdelay $0x1  }
0x268: {  	v7 =	vmov s1  }
0x269: {  	v8 =	vor.u32 s1, v2;
	s1 =	smov.u32 s2;
	v7 =	vshll.u32 v7, $0x3  }
0x26a: {  	v8 =	vand.u32 $0x7F, v8;
	v7 =	vand.u32 $0x400, v7;
	v9 =	vshll.u32 v6, $0x8  }
0x26b: {  	v7 =	vor.u32 v7, v8;
	v6 =	vshll.u32 v6, $0x7;
	v9 =	vand.u32 $0xFFFFF800, v9  }
0x26c: {  	v6 =	vand.u32 $0x380, v6;
	v7 =	vor.u32 v9, v7  }
0x26d: {  	v6 =	vor.u32 v6, v7;
	_ =	sdelay $0x1  }
.Ltmp14:
0x26e: {  	(pc) =	sbr.rel @p2 .LBB2_25-.Ltmp14, $3  }
0x26f: {  	_ =	sdelay $0x1  }
0x270: {  	s0 =	sadd.s32 $0x10, s0;
	[tilespmem:v6+s6+$0x0] =	vst.idx.msk $0xffff, v0  }
0x271: {  	s2 =	sadd.s32 $0x10, s2;
	v6 =	vld [tilespmem:s0+$0x0]  }
0x272: {  	_ =	sdelay $0x1  }
0x273: {  	v7 =	vmov s1  }
0x274: {  	v8 =	vor.u32 s1, v2;
	v7 =	vshll.u32 v7, $0x3  }
0x275: {  	v8 =	vand.u32 $0x7F, v8;
	v7 =	vand.u32 $0x400, v7;
	v9 =	vshll.u32 v6, $0x8  }
0x276: {  	v7 =	vor.u32 v7, v8;
	v6 =	vshll.u32 v6, $0x7;
	v9 =	vand.u32 $0xFFFFF800, v9  }
0x277: {  	s0 =	rddreg [dreg:$0x10];
	v6 =	vand.u32 $0x380, v6;
	v7 =	vor.u32 v9, v7  }
0x278: {  	p2 =	slt.u32 s0, $0x11;
	v6 =	vor.u32 v6, v7  }
.Ltmp15:
0x279: {  	_ = 	snop;
	(pc) =	sbr.rel @p2 .LBB2_29-.Ltmp15, $2  }
0x27a: {  	_ =	sdelay $0x2  }
0x27b: {  	[tilespmem:v6+s6+$0x0] =	vst.idx.msk $0xffff, v0  }
0x27c: {  	s1 =	simm.s32 $0x0;
	s0 =	simm.s32 $0x18800;
	s3 =	simm.s32 $0x0  }
.LBB2_28:
0x27d: {  	[dreg:$0x16] =	wrdreg s1  }
0x27e: {  	s1 =	rddreg [dreg:$0x16]  }
0x27f: {  	s17 =	sand.u32 $0x70, s3;
	s1 =	sand.u32 $0x100, s1  }
0x280: {  	[dreg:$0x19] =	wrdreg s0;
	s0 =	sor.u32 s17, s1  }
0x281: {  	v6 =	vld [tilespmem:s0+$0x400];
	_ =	sdelay $0x4  }
0x282: {  	(v2sf) =	vpush v6, $0xD  }
0x283: {  	(v2sf) =	vpush v6, $0xC  }
0x284: {  	(v2sf) =	vpush v6, $0xE  }
0x285: {  	(v2sf) =	vpush v6, $0xF  }
0x286: {  	(v2sf) =	vpush v6, $0x9  }
0x287: {  	(v2sf) =	vpush v6, $0x8  }
0x288: {  	(v2sf) =	vpush v6, $0xA;
	_ =	sdelay $0x1  }
0x289: {  	(v2sf) =	vpush v6, $0xB  }
0x28a: {  	(v2sf) =	vpush v6, $0x1;
	_ =	sdelay $0x1  }
0x28b: {  	(v2sf) =	vpush v6, $0x0;
	_ =	sdelay $0x1  }
0x28c: {  	(v2sf) =	vpush v6, $0x2;
	_ =	sdelay $0x1  }
0x28d: {  	(v2sf) =	vpush v6, $0x3;
	s12 =	spop (v2sf)  }
0x28e: {  	s22 =	spop (v2sf)  }
0x28f: {  	(v2sf) =	vpush v6, $0x4;
	s31 =	spop (v2sf)  }
0x290: {  	s9 =	spop (v2sf)  }
0x291: {  	(v2sf) =	vpush v6, $0x5;
	s23 =	spop (v2sf)  }
0x292: {  	s26 =	spop (v2sf)  }
0x293: {  	v7 =	vld [tilespmem:s0+$0x480];
	(v2sf) =	vpush v6, $0x6;
	s24 =	sshra.s32 s23, $0x1F;
	s6 =	spop (v2sf)  }
0x294: {  	s28 =	smul.u32 $0x801302D3, s24;
	s30 =	sshra.s32 s6, $0x1F  }
0x295: {  	(v2sf) =	vpush v6, $0x7;
	s24 =	spop (v2sf);
	s0 =	smul.u32 $0x801302D3, s30  }
0x296: {  	s7 =	spop (v2sf);
	s2 =	sshra.s32 s24, $0x1F  }
0x297: {  	[smem:$0x7C1] =	sst s0;
	s0 =	smul.u32 $0x801302D3, s2  }
0x298: {  	(v2sf) =	vpush v7, $0xD;
	s11 =	spop (v2sf);
	s4 =	sshra.s32 s7, $0x1F  }
0x299: {  	(v2sf) =	vpush v7, $0xC;
	[smem:$0x7C2] =	sst s0;
	s0 =	smul.u32 $0x801302D3, s4  }
0x29a: {  	(v2sf) =	vpush v7, $0xE;
	s5 =	sshra.s32 s11, $0x1F;
	s14 =	spop (v2sf)  }
0x29b: {  	s18 =	sshra.s32 s12, $0x1F;
	[smem:$0x7C3] =	sst s0;
	s0 =	smul.u32 $0x801302D3, s5  }
0x29c: {  	s15 =	smul.u32 $0x801302D3, s18;
	s10 =	sshra.s32 s14, $0x1F;
	s4 =	spop (v2sf)  }
0x29d: {  	s19 =	sshra.s32 s22, $0x1F;
	(v2sf) =	vpush v7, $0xF;
	[smem:$0x7C4] =	sst s0;
	s0 =	smul.u32 $0x801302D3, s10  }
0x29e: {  	s8 =	smul.u32 $0x801302D3, s19;
	s19 =	spop (v2sf);
	s13 =	sshra.s32 s4, $0x1F  }
0x29f: {  	s20 =	sshra.s32 s31, $0x1F;
	[smem:$0x7C5] =	sst s0;
	s0 =	smul.u32 $0x801302D3, s13  }
0x2a0: {  	s16 =	smul.u32 $0x801302D3, s20;
	s17 =	sshra.s32 s19, $0x1F;
	s5 =	spop (v2sf)  }
0x2a1: {  	s21 =	sshra.s32 s9, $0x1F;
	[smem:$0x7C6] =	sst s0;
	s0 =	smul.u32 $0x801302D3, s17  }
0x2a2: {  	s20 =	smul.u32 $0x801302D3, s21;
	s30 =	spop (v2sf);
	s18 =	sshra.s32 s5, $0x1F  }
0x2a3: {  	s25 =	sshra.s32 s26, $0x1F;
	[smem:$0x7C7] =	sst s0;
	s0 =	smul.u32 $0x801302D3, s18  }
0x2a4: {  	(v2sf) =	vpush v7, $0x9;
	s1 =	smul.u32 $0x801302D3, s25;
	s25 =	spop (v2sf);
	s21 =	sshra.s32 s30, $0x1F  }
0x2a5: {  	s10 =	sshra.s32 s25, $0x1F;
	[smem:$0x7C8] =	sst s0;
	s0 =	smul.u32 $0x801302D3, s21  }
0x2a6: {  	s2 =	smul.u32 $0x801302D3, s10  }
0x2a7: {  	[smem:$0x7C9] =	sst s0;
	s0 =	spop (v2sf)  }
0x2a8: {  	[smem:$0x7CA] =	sst s2;
	s2 =	sshra.s32 s0, $0x1F;
	s18 =	spop (v2sf)  }
0x2a9: {  	(v2sf) =	vpush v7, $0x8;
	s10 =	smul.u32 $0x801302D3, s2;
	s13 =	sshra.s32 s18, $0x1F;
	s17 =	spop (v2sf)  }
0x2aa: {  	s21 =	smul.u32 $0x801302D3, s13;
	s2 =	sshra.s32 s17, $0x1F  }
0x2ab: {  	[smem:$0x7CB] =	sst s10;
	s10 =	smul.u32 $0x801302D3, s2  }
0x2ac: {  	[smem:$0x7CC] =	sst s21;
	s21 =	spop (v2sf)  }
0x2ad: {  	[smem:$0x7CD] =	sst s10;
	s10 =	smulhi.u32 $0x801302D3, s12  }
0x2ae: {  	s13 =	smulhi.u32 $0x801302D3, s22;
	s2 =	sshra.s32 s21, $0x1F  }
0x2af: {  	(v2sf) =	vpush v7, $0xA;
	s2 =	smul.u32 $0x801302D3, s2;
	s10 =	ssub.s32 s10, s12  }
0x2b0: {  	s12 =	sadd.s32 s15, s10;
	s15 =	ssub.s32 s13, s22;
	s22 =	smulhi.u32 $0x801302D3, s31  }
0x2b1: {  	[smem:$0x7CE] =	sst s2;
	s13 =	smulhi.u32 $0x801302D3, s9  }
0x2b2: {  	s10 =	smulhi.u32 $0x801302D3, s4;
	[dreg:$0x1c] =	wrdreg s12;
	s2 =	sadd.s32 s8, s15  }
0x2b3: {  	s12 =	spop (v2sf);
	[smem:$0x7D0] =	sst s2;
	s15 =	ssub.s32 s22, s31  }
0x2b4: {  	s22 =	smulhi.u32 $0x801302D3, s23;
	s31 =	sshra.s32 s12, $0x1F;
	s2 =	ssub.s32 s13, s9  }
0x2b5: {  	s9 =	sld [smem:$0x7C1];
	s8 =	sadd.s32 s16, s15;
	s15 =	smul.u32 $0x801302D3, s31  }
0x2b6: {  	(v2sf) =	vpush v7, $0xB;
	s2 =	sadd.s32 s20, s2;
	s20 =	smulhi.u32 $0x801302D3, s26;
	[smem:$0x7D1] =	sst s8  }
0x2b7: {  	[smem:$0x7D3] =	sst s2;
	s16 =	ssub.s32 s22, s23;
	s22 =	smulhi.u32 $0x801302D3, s6  }
0x2b8: {  	s23 =	spop (v2sf);
	[smem:$0x7CF] =	sst s15;
	s2 =	sadd.s32 s28, s16  }
0x2b9: {  	(v2sf) =	vpush v7, $0x1;
	s8 =	ssub.s32 s20, s26;
	s28 =	smulhi.u32 $0x801302D3, s24;
	s20 =	sld [smem:$0x7C2]  }
0x2ba: {  	s31 =	sshra.s32 s23, $0x1F;
	s16 =	smulhi.u32 $0x801302D3, s7;
	[smem:$0x7D2] =	sst s2  }
0x2bb: {  	s26 =	sadd.s32 s1, s8;
	s8 =	ssub.s32 s22, s6;
	s15 =	smul.u32 $0x801302D3, s31  }
0x2bc: {  	s22 =	smulhi.u32 $0x801302D3, s11;
	s31 =	sld [smem:$0x7C3];
	s1 =	sadd.s32 s9, s8  }
0x2bd: {  	s13 =	ssub.s32 s28, s24;
	s24 =	smulhi.u32 $0x801302D3, s14;
	s8 =	sld [smem:$0x7C4]  }
0x2be: {  	(v2sf) =	vpush v7, $0x0;
	[smem:$0x7D4] =	sst s1;
	s1 =	sadd.s32 s20, s13;
	s13 =	spop (v2sf)  }
0x2bf: {  	s2 =	ssub.s32 s16, s7;
	s20 =	smulhi.u32 $0x801302D3, s19;
	[smem:$0x7D5] =	sst s1  }
0x2c0: {  	s28 =	sshra.s32 s13, $0x1F;
	s6 =	sadd.s32 s31, s2;
	s1 =	ssub.s32 s22, s11  }
0x2c1: {  	s9 =	ssub.s32 s24, s14;
	s14 =	sld [smem:$0x7C5];
	s22 =	smulhi.u32 $0x801302D3, s5  }
0x2c2: {  	s2 =	ssub.s32 s10, s4;
	s31 =	sld [smem:$0x7C7];
	s11 =	smul.u32 $0x801302D3, s28  }
0x2c3: {  	s16 =	sadd.s32 s8, s1;
	s28 =	sld [smem:$0x7C6];
	s1 =	ssub.s32 s20, s19  }
0x2c4: {  	s8 =	smulhi.u32 $0x801302D3, s30;
	s20 =	sld [smem:$0x7C8];
	s5 =	ssub.s32 s22, s5  }
0x2c5: {  	(v2sf) =	vpush v7, $0x2;
	s22 =	smulhi.u32 $0x801302D3, s25;
	s7 =	sadd.s32 s14, s9;
	s14 =	spop (v2sf)  }
0x2c6: {  	s10 =	sadd.s32 s31, s1;
	s31 =	smulhi.u32 $0x801302D3, s0;
	s24 =	sshra.s32 s14, $0x1F  }
0x2c7: {  	s4 =	sadd.s32 s28, s2;
	s9 =	sadd.s32 s20, s5;
	s28 =	sld [smem:$0x7C9]  }
0x2c8: {  	(v2sf) =	vpush v7, $0x3;
	s20 =	spop (v2sf);
	s2 =	ssub.s32 s8, s30;
	s30 =	sld [smem:$0x7CA]  }
0x2c9: {  	s8 =	sld [smem:$0x7CB];
	s19 =	smul.u32 $0x801302D3, s24  }
0x2ca: {  	(v2sf) =	vpush v7, $0x4;
	s24 =	sshra.s32 s20, $0x1F;
	s0 =	ssub.s32 s31, s0;
	s31 =	smulhi.u32 $0x801302D3, s18  }
0x2cb: {  	s5 =	ssub.s32 s22, s25;
	s22 =	smul.u32 $0x801302D3, s24;
	s2 =	sadd.s32 s28, s2  }
0x2cc: {  	s25 =	sadd.s32 s30, s5;
	s1 =	sadd.s32 s8, s0;
	s8 =	smulhi.u32 $0x801302D3, s17  }
0x2cd: {  	s28 =	spop (v2sf);
	s5 =	ssub.s32 s31, s18;
	s18 =	smulhi.u32 $0x801302D3, s21  }
0x2ce: {  	s31 =	sld [smem:$0x7CC];
	s30 =	smulhi.u32 $0x801302D3, s23  }
0x2cf: {  	v8 =	vmov s16;
	s24 =	sshra.s32 s28, $0x1F;
	s16 =	smulhi.u32 $0x801302D3, s28;
	s0 =	ssub.s32 s8, s17  }
0x2d0: {  	(v2sf) =	vpush v7, $0x5;
	s17 =	smul.u32 $0x801302D3, s24;
	s8 =	sld [smem:$0x7CD];
	s18 =	ssub.s32 s18, s21  }
0x2d1: {  	s24 =	smulhi.u32 $0x801302D3, s12;
	s21 =	sld [smem:$0x7CE];
	s23 =	ssub.s32 s30, s23  }
0x2d2: {  	(v2sf) =	vpush v7, $0x6;
	s31 =	sadd.s32 s31, s5;
	s15 =	sadd.s32 s15, s23;
	s23 =	smulhi.u32 $0x801302D3, s14  }
0x2d3: {  	v8 =	vnsel vm3, $0x0, v8;
	s16 =	ssub.s32 s16, s28;
	s12 =	ssub.s32 s24, s12;
	s24 =	sld [smem:$0x7CF]  }
0x2d4: {  	v8 =	vsel vm0, s6, v8;
	(v2sf) =	vpush v7, $0x7;
	s5 =	sadd.s32 s21, s18;
	s21 =	spop (v2sf);
	s18 =	smulhi.u32 $0x801302D3, s13  }
0x2d5: {  	v8 =	vsel vm1, s7, v8;
	s7 =	sadd.s32 s17, s16;
	s8 =	sadd.s32 s8, s0;
	s0 =	sshra.s32 s21, $0x1F  }
0x2d6: {  	s28 =	smulhi.u32 $0x801302D3, s21;
	s12 =	sadd.s32 s24, s12;
	s13 =	ssub.s32 s18, s13  }
0x2d7: {  	s24 =	smulhi.u32 $0x801302D3, s20;
	s11 =	sadd.s32 s11, s13;
	s13 =	spop (v2sf)  }
0x2d8: {  	s14 =	ssub.s32 s23, s14;
	s0 =	smul.u32 $0x801302D3, s0;
	s30 =	sshra.s32 s13, $0x1F  }
0x2d9: {  	s23 =	ssub.s32 s24, s20;
	s24 =	sld [smem:$0x7D0];
	s16 =	spop (v2sf)  }
0x2da: {  	s18 =	smul.u32 $0x801302D3, s30;
	s30 =	rddreg [dreg:$0x1c]  }
0x2db: {  	v8 =	vsel vm2, s4, v8;
	s17 =	smulhi.u32 $0x801302D3, s13;
	s6 =	sadd.s32 s22, s23;
	s22 =	sld [smem:$0x7D1]  }
0x2dc: {  	v8 =	vsel vm4, s10, v8;
	s14 =	sadd.s32 s19, s14;
	s23 =	sld [smem:$0x7D2];
	s19 =	smulhi.u32 $0x801302D3, s16  }
0x2dd: {  	v10 =	vmov s26;
	v8 =	vsel vm5, s9, v8;
	s26 =	sshra.s32 s16, $0x1F;
	v9 =	vmov s24;
	s24 =	ssub.s32 s28, s21;
	s28 =	sld [smem:$0x7D3]  }
0x2de: {  	v8 =	vsel vm6, s2, v8;
	s10 =	smul.u32 $0x801302D3, s26;
	s21 =	sld [smem:$0x7D5]  }
0x2df: {  	v8 =	vsel vm7, s25, v8;
	v12 =	vmov s31;
	s4 =	spop (v2sf);
	v9 =	vsel vm0, s30, v9;
	s30 =	sld [smem:$0x7D4];
	s0 =	sadd.s32 s0, s24  }
0x2e0: {  	v11 =	vmov s7;
	v10 =	vsel vm0, s23, v10;
	s23 =	smulhi.u32 $0x801302D3, s4;
	s24 =	sshra.s32 s4, $0x1F;
	v9 =	vsel vm1, s22, v9;
	s22 =	ssub.s32 s17, s13  }
0x2e1: {  	v12 =	vsel vm0, s1, v12;
	v11 =	vnsel vm3, $0x0, v11;
	s13 =	smul.u32 $0x801302D3, s24;
	v9 =	vsel vm2, s28, v9;
	s26 =	sadd.s32 s18, s22;
	s28 =	spop (v2sf)  }
0x2e2: {  	v12 =	vsel vm1, s8, v12;
	v11 =	vsel vm0, s6, v11;
	v10 =	vsel vm1, s30, v10;
	s30 =	ssub.s32 s19, s16;
	s31 =	smulhi.u32 $0x801302D3, s28;
	s16 =	sshra.s32 s28, $0x1F  }
0x2e3: {  	v13 =	vmov s15;
	v12 =	vsel vm2, s5, v12;
	v11 =	vsel vm1, s0, v11;
	s20 =	ssub.s32 s23, s4;
	s19 =	spop (v2sf);
	s18 =	smul.u32 $0x801302D3, s16  }
0x2e4: {  	v13 =	vsel vm0, s12, v13;
	v11 =	vsel vm2, s26, v11;
	v10 =	vsel vm2, s21, v10;
	s17 =	sadd.s32 s10, s30;
	s21 =	smulhi.u32 $0x801302D3, s19;
	s22 =	sshra.s32 s19, $0x1F  }
0x2e5: {  	v13 =	vsel vm1, s11, v13;
	s23 =	sadd.s32 s13, s20;
	v11 =	vsel vm4, s17, v11;
	s24 =	ssub.s32 s31, s28;
	v9 =	vcombine.low v10, v9;
	s5 =	smul.u32 $0x801302D3, s22  }
0x2e6: {  	v8 =	vperm.xlane v8, v5;
	v13 =	vsel vm2, s14, v13;
	v53 =	vsel vm5, s23, v11;
	s25 =	sadd.s32 s18, s24;
	s26 =	ssub.s32 s21, s19  }
0x2e7: {  	v54 =	vcombine.low v13, v12;
	v9 =	vperm.xlane v9, v4;
	v10 =	vsel vm6, s25, v53;
	s28 =	sadd.s32 s5, s26  }
0x2e8: {  	v10 =	vsel vm7, s28, v10  }
0x2e9: {  	v55 =	vperm.xlane v54, v4;
	v8 =	vsel vm8, v8, v9;
	v10 =	vperm.xlane v10, v5  }
0x2ea: {  	v8 =	vadd.s32 v6, v8  }
0x2eb: {  	v9 =	vsel vm8, v10, v55;
	v56 =	vshrl.u32 v8, $0x1F;
	v8 =	vshra.s32 v8, $0xE  }
0x2ec: {  	v8 =	vadd.s32 v56, v8;
	v9 =	vadd.s32 v7, v9  }
0x2ed: {  	v8 =	vmul.u32 $0x7FED, v8;
	v57 =	vshrl.u32 v9, $0x1F;
	v9 =	vshra.s32 v9, $0xE  }
0x2ee: {  	v9 =	vadd.s32 v57, v9  }
0x2ef: {  	v6 =	vsub.s32 v6, v8;
	v58 =	vmul.u32 $0x7FED, v9  }
0x2f0: {  	vm9 =	vlt.s32 v6, $0x0;
	v59 =	vadd.s32 $0x7FED, v6  }
0x2f1: {  	v6 =	vsel vm9, v59, v6;
	v7 =	vsub.s32 v7, v58  }
0x2f2: {  	v6 =	vmul.u32 $0x6D, v6;
	vm9 =	vlt.s32 v7, $0x0;
	v8 =	vadd.s32 $0x6D, v7  }
0x2f3: {  	v7 =	vsel vm9, v8, v7  }
0x2f4: {  	v6 =	vadd.s32 v7, v6  }
0x2f5: {  	v6 =	vmul.u32 $0x1F, v6  }
0x2f6: {  	v7 =	vmov s3  }
0x2f7: {  	v60 =	vor.u32 s3, v2;
	v7 =	vshll.u32 v7, $0x3;
	v6 =	vadd.s32 $0x11, v6  }
0x2f8: {  	v8 =	vand.u32 $0x7F, v60;
	v7 =	vand.u32 $0x400, v7;
	v61 =	vshll.u32 v6, $0x7  }
0x2f9: {  	v7 =	vor.u32 v7, v8;
	v62 =	vshll.u32 v6, $0x8;
	v9 =	vand.u32 $0x380, v61  }
0x2fa: {  	v63 =	vand.u32 $0x7800, v62;
	v7 =	vor.u32 v9, v7  }
0x2fb: {  	v7 =	vor.u32 v63, v7  }
0x2fc: {  	p2 =	sne.s32 s3, $0xF0  }
.Ltmp16:
0x2fd: {  	_ = 	snop;
	(pc) =	sbr.rel @p2 .LBB2_28-.Ltmp16, $4  }
0x2fe: {  	_ = 	snop  }
0x2ff: {  	s6 =	simm.s32 $0x10600;
	s30 =	rddreg [dreg:$0x16]  }
0x300: {  	s31 =	rddreg [dreg:$0x19];
	v6 =	vand.u32 $0x7F, v6;
	[tilespmem:v7+s6+$0x0] =	vst.idx.msk $0xffff, v3  }
0x301: {  	s1 =	sadd.s32 $0x20, s30;
	s0 =	sadd.s32 $0x10, s31;
	s3 =	sadd.s32 $0x10, s3;
	[tilespmem:s31+$0x0] =	vst v6  }
.LBB2_29:
.Ltmp17:
0x302: {  	(pc) =	sbr.rel @!p3 .LBB2_33-.Ltmp17, $1  }
0x303: {  	_ =	sdelay $0x3  }
0x304: {  	s0 =	simm.s32 $0x0  }
0x305: {  	s1 =	sand.u32 $0x400, s0  }
0x306: {  	s2 =	sand.u32 $0x70, s0;
	s1 =	sshrl.u32 s1, $0x2  }
0x307: {  	s1 =	sor.u32 s2, s1  }
0x308: {  	v6 =	vld [tilespmem:s1+$0x400];
	_ =	sdelay $0x4  }
0x309: {  	v6 =	vmul.u32 $0x1F, v6  }
0x30a: {  	v7 =	vmov s0  }
0x30b: {  	v8 =	vor.u32 s0, v2;
	v7 =	vshll.u32 v7, $0x3;
	v6 =	vadd.s32 $0x11, v6  }
0x30c: {  	v8 =	vand.u32 $0x7F, v8;
	v7 =	vand.u32 $0x400, v7;
	v9 =	vshll.u32 v6, $0x7  }
0x30d: {  	v7 =	vor.u32 v7, v8;
	v10 =	vshll.u32 v6, $0x8;
	v9 =	vand.u32 $0x380, v9  }
0x30e: {  	v8 =	vand.u32 $0x7800, v10;
	v7 =	vor.u32 v9, v7  }
0x30f: {  	v7 =	vor.u32 v8, v7;
	_ =	sdelay $0x2  }
0x310: {  	s2 =	simm.s32 $0x80  }
0x311: {  	s0 =	simm.s32 $0x18800;
	s1 =	simm.s32 $0x10;
	s3 =	sand.u32 $0x400, s2  }
0x312: {  	s4 =	sand.u32 $0x70, s1;
	s5 =	sshrl.u32 s3, $0x2;
	s3 =	simm.s32 $0x20;
	v6 =	vand.u32 $0x7F, v6;
	[tilespmem:v7+s6+$0x0] =	vst.idx.msk $0xffff, v3  }
.LBB2_31:
0x313: {  	p2 =	sne.s32 s3, $0xF0;
	s4 =	sor.u32 s4, s5;
	[tilespmem:s0+$0x0] =	vst v6  }
0x314: {  	v6 =	vld [tilespmem:s4+$0x400];
	_ =	sdelay $0x4  }
0x315: {  	v6 =	vmul.u32 $0x1F, v6  }
0x316: {  	v7 =	vmov s1;
	v8 =	vor.u32 s1, v2;
	s1 =	smov.u32 s3  }
0x317: {  	v8 =	vand.u32 $0x7F, v8;
	v7 =	vshll.u32 v7, $0x3;
	v9 =	vadd.s32 $0x11, v6  }
0x318: {  	v7 =	vand.u32 $0x400, v7;
	v6 =	vand.u32 $0x7F, v9;
	v10 =	vshll.u32 v9, $0x7  }
0x319: {  	v7 =	vor.u32 v7, v8;
	v9 =	vshll.u32 v9, $0x8;
	v10 =	vand.u32 $0x380, v10  }
0x31a: {  	v8 =	vand.u32 $0x7800, v9;
	v7 =	vor.u32 v10, v7  }
0x31b: {  	v7 =	vor.u32 v8, v7  }
.Ltmp18:
0x31c: {  	(pc) =	sbr.rel @p2 .LBB2_31-.Ltmp18, $4  }
0x31d: {  	_ = 	snop  }
0x31e: {  	s2 =	sadd.s32 $0x80, s2  }
0x31f: {  	s0 =	sadd.s32 $0x10, s0;
	s5 =	sand.u32 $0x400, s2  }
0x320: {  	s3 =	sadd.s32 $0x10, s3;
	s4 =	sand.u32 $0x70, s1;
	s5 =	sshrl.u32 s5, $0x2;
	[tilespmem:v7+s6+$0x0] =	vst.idx.msk $0xffff, v3  }
0x321: {  	s2 =	sor.u32 s4, s5;
	[tilespmem:s0+$0x0] =	vst v6  }
0x322: {  	v6 =	vld [tilespmem:s2+$0x400];
	_ =	sdelay $0x4  }
0x323: {  	v6 =	vmul.u32 $0x1F, v6  }
0x324: {  	v7 =	vmov s1  }
0x325: {  	v8 =	vor.u32 s1, v2;
	v7 =	vshll.u32 v7, $0x3;
	v6 =	vadd.s32 $0x11, v6  }
0x326: {  	v8 =	vand.u32 $0x7F, v8;
	v7 =	vand.u32 $0x400, v7;
	v9 =	vshll.u32 v6, $0x7  }
0x327: {  	v7 =	vor.u32 v7, v8;
	v10 =	vshll.u32 v6, $0x8;
	v9 =	vand.u32 $0x380, v9  }
0x328: {  	v63 =	vand.u32 $0x7800, v10;
	v7 =	vor.u32 v9, v7  }
0x329: {  	v7 =	vor.u32 v63, v7;
	_ =	sdelay $0x4  }
0x32a: {  	s31 =	sadd.s32 $0x10, s0;
	v6 =	vand.u32 $0x7F, v6;
	[tilespmem:v7+s6+$0x0] =	vst.idx.msk $0xffff, v3  }
0x32b: {  	[tilespmem:s31+$0x0] =	vst v6  }
.LBB2_33:
0x32c: {  	s0 =	rddreg [dreg:$0x11]  }
0x32d: {  	s1 =	sadd.s32 $0x2, s0  }
0x32e: {  	s2 =	rddreg [dreg:$0x4];
	s0 =	sshll.u32 s1, $0x5  }
.Ltmp19:
0x32f: {  	s1 =	sshll.u32 s1, $0x11;
	s0 =	sor.u32 s2, s0;
	(pc) =	sbr.rel @p1 .LBB2_35-.Ltmp19, $4  }
0x330: {  	s3 =	rddreg [dreg:$0x2];
	s1 =	sand.u32 $0x1FC0000, s1;
	s2 =	sshll.u32 s0, $0x8  }
0x331: {  	s30 =	simm.s32 $0x800;
	s1 =	sadd.s32 s3, s1;
	s2 =	sand.u32 $0x3F00, s2  }
0x332: {  	s31 =	simm.s32 $0x20000;
	s7 =	rddreg [dreg:$0x10];
	s1 =	sadd.s32 s2, s1  }
0x333: {  	[hbm4b:s1+s30] =	stream.strided.scatter [tilespmem:s6], [sflag:$0x6], $0x8000, s31, s30, $0x38;
	[tilespmem:$0x1C900] =	vst v63  }
0x334: {  	s0 =	sadd.s32 $0x60, s0  }
0x335: {  	s1 =	sshrl.u32 s0, $0x6  }
0x336: {  	s2 =	sshll.u32 s1, $0x1  }
0x337: {  	p1 =	sgt.u32 s7, $0xF;
	s4 =	smov.u32 s1;
	s3 =	sadd.s32 $0xFFFFFFCC, s2  }
0x338: {  	s26 =	rddreg [dreg:$0x0];
	s5 =	simm.s32 $0x0;
	s4 =	smov.u32 @p1 s3  }
0x339: {  	s0 =	sshll.u32 s0, $0xB;
	s3 =	sshll.u32 s4, $0xE;
	s4 =	sshll.u32 s4, $0x7  }
0x33a: {  	s2 =	sadd.s32 $0xFFFFFFCD, s2;
	s3 =	sand.u32 $0xFFFE0000, s3;
	s4 =	sand.u32 $0x380, s4  }
0x33b: {  	s0 =	sand.u32 $0x1F800, s0;
	s1 =	smov.u32 @p1 s2;
	s3 =	sor.u32 s3, s4  }
0x33c: {  	s2 =	sshll.u32 s1, $0xE;
	s1 =	sshll.u32 s1, $0x7;
	s3 =	sor.u32 s0, s3  }
0x33d: {  	s2 =	sand.u32 $0xFFFE0000, s2;
	s1 =	sand.u32 $0x380, s1;
	s3 =	sshrl.u32 s3, $0x3  }
0x33e: {  	s6 =	simm.s32 $0x400;
	s1 =	sor.u32 s2, s1;
	s3 =	sadd.s32 s26, s3  }
0x33f: {  	[tilespmem:s6], [sflag:$0x3] =	stream.linear.gather [hbm4b:s3+s5], $0x80, $0x38;
	[tilespmem:$0x1C900] =	vst v63  }
0x340: {  	s28 =	simm.s32 $0x500;
	s0 =	sor.u32 s0, s1;
	s3 =	sadd.s32 $0x80, s3  }
0x341: {  	[tilespmem:s28], [sflag:$0x3] =	stream.linear.gather [hbm4b:s3+s5], $0x80, $0x38;
	[tilespmem:$0x1C900] =	vst v63  }
.Ltmp20:
0x342: {  	s0 =	sshrl.u32 s0, $0x3;
	(pc) =	sbr.rel .LBB2_4-.Ltmp20, $4  }
0x343: {  	s30 =	simm.s32 $0x480;
	s0 =	sadd.s32 s26, s0  }
0x344: {  	[tilespmem:s30], [sflag:$0x3] =	stream.linear.gather [hbm4b:s0+s5], $0x80, $0x38;
	[tilespmem:$0x1C900] =	vst v63  }
0x345: {  	s31 =	simm.s32 $0x580;
	s7 =	sadd.s32 $0x1, s7;
	s0 =	sadd.s32 $0x80, s0  }
0x346: {  	[tilespmem:s31], [sflag:$0x3] =	stream.linear.gather [hbm4b:s0+s5], $0x80, $0x38;
	[tilespmem:$0x1C900] =	vst v63  }
.LBB2_35:
0x347: {  	s0 =	simm.s32 $0x1  }
0x348: {  	_ =	swait.ge [sflag:s0], $0x200  }
0x349: {  	[sflag:s0] =	ssyncset.done $0x0  }
0x34a: {  	s31 =	simm.s32 $0x4;
	[sflag:s0] =	ssyncadd.s32 $0xFFFFFE00  }
0x34b: {  	_ =	swait.ge [sflag:s31], $0x8000  }
0x34c: {  	[sflag:s31] =	ssyncset.done $0x0  }
0x34d: {  	s3 =	simm.s32 $0x0;
	s4 =	simm.s32 $0x18600;
	[sflag:s31] =	ssyncadd.s32 $0xFFFF8000  }
0x34e: {  	s1 =	simm.s32 $0x0;
	s2 =	simm.s32 $0x18600;
	s0 =	simm.s32 $0x10;
	v6 =	vld [tilespmem:s4+$0x0]  }
.LBB2_36:
0x34f: {  	p1 =	sne.s32 s0, $0xF0;
	_ =	sdelay $0x1  }
0x350: {  	v7 =	vmov s1  }
0x351: {  	v8 =	vor.u32 s1, v2;
	s1 =	smov.u32 s0;
	v7 =	vshll.u32 v7, $0x3  }
0x352: {  	v8 =	vand.u32 $0x7F, v8;
	v7 =	vand.u32 $0x400, v7;
	v9 =	vshll.u32 v6, $0x8  }
0x353: {  	v7 =	vor.u32 v7, v8;
	v6 =	vshll.u32 v6, $0x7;
	v9 =	vand.u32 $0xFFFFF800, v9  }
0x354: {  	v6 =	vand.u32 $0x380, v6;
	v7 =	vor.u32 v9, v7  }
0x355: {  	v6 =	vor.u32 v6, v7;
	_ =	sdelay $0x1  }
.Ltmp21:
0x356: {  	(pc) =	sbr.rel @p1 .LBB2_36-.Ltmp21, $3  }
0x357: {  	_ =	sdelay $0x1  }
0x358: {  	s2 =	sadd.s32 $0x10, s2;
	[tilespmem:v6+s29+$0x0] =	vst.idx.msk $0xffff, v0  }
0x359: {  	s0 =	sadd.s32 $0x10, s0;
	v6 =	vld [tilespmem:s2+$0x0]  }
0x35a: {  	_ =	sdelay $0x1  }
0x35b: {  	v7 =	vmov s1  }
0x35c: {  	v8 =	vor.u32 s1, v2;
	v7 =	vshll.u32 v7, $0x3  }
0x35d: {  	v8 =	vand.u32 $0x7F, v8;
	v7 =	vand.u32 $0x400, v7;
	v9 =	vshll.u32 v6, $0x8  }
0x35e: {  	v7 =	vor.u32 v7, v8;
	v6 =	vshll.u32 v6, $0x7;
	v9 =	vand.u32 $0xFFFFF800, v9  }
0x35f: {  	v6 =	vand.u32 $0x380, v6;
	v7 =	vor.u32 v9, v7  }
0x360: {  	v6 =	vor.u32 v6, v7;
	_ =	sdelay $0x4  }
0x361: {  	s28 =	simm.s32 $0x0;
	[tilespmem:v6+s29+$0x0] =	vst.idx.msk $0xffff, v0  }
.LBB2_38:
0x362: {  	s0 =	sand.u32 $0x70, s28;
	s1 =	sand.u32 $0x100, s3  }
0x363: {  	s0 =	sor.u32 s0, s1  }
0x364: {  	v6 =	vld [tilespmem:s0+$0x0];
	_ =	sdelay $0x4  }
0x365: {  	(v2sf) =	vpush v6, $0xD  }
0x366: {  	(v2sf) =	vpush v6, $0xC  }
0x367: {  	(v2sf) =	vpush v6, $0xE  }
0x368: {  	(v2sf) =	vpush v6, $0xF  }
0x369: {  	(v2sf) =	vpush v6, $0x9  }
0x36a: {  	(v2sf) =	vpush v6, $0x8  }
0x36b: {  	(v2sf) =	vpush v6, $0xA;
	_ =	sdelay $0x1  }
0x36c: {  	(v2sf) =	vpush v6, $0xB  }
0x36d: {  	(v2sf) =	vpush v6, $0x1;
	_ =	sdelay $0x1  }
0x36e: {  	(v2sf) =	vpush v6, $0x0;
	_ =	sdelay $0x1  }
0x36f: {  	(v2sf) =	vpush v6, $0x2;
	_ =	sdelay $0x1  }
0x370: {  	(v2sf) =	vpush v6, $0x3;
	s30 =	spop (v2sf)  }
0x371: {  	s9 =	spop (v2sf)  }
0x372: {  	(v2sf) =	vpush v6, $0x4;
	s22 =	spop (v2sf)  }
0x373: {  	s20 =	spop (v2sf)  }
0x374: {  	(v2sf) =	vpush v6, $0x5;
	s7 =	spop (v2sf)  }
0x375: {  	s11 =	sshra.s32 s9, $0x1F;
	s16 =	spop (v2sf)  }
0x376: {  	v7 =	vld [tilespmem:s0+$0x80];
	(v2sf) =	vpush v6, $0x6;
	s1 =	smul.u32 $0x801302D3, s11;
	s14 =	sshra.s32 s7, $0x1F;
	s24 =	spop (v2sf)  }
0x377: {  	s11 =	smul.u32 $0x801302D3, s14;
	s17 =	sshra.s32 s24, $0x1F  }
0x378: {  	(v2sf) =	vpush v6, $0x7;
	s14 =	spop (v2sf);
	s0 =	smul.u32 $0x801302D3, s17  }
0x379: {  	s8 =	spop (v2sf);
	s18 =	sshra.s32 s14, $0x1F  }
0x37a: {  	[smem:$0x7AD] =	sst s0;
	s0 =	smul.u32 $0x801302D3, s18  }
0x37b: {  	(v2sf) =	vpush v7, $0xD;
	s31 =	spop (v2sf);
	s19 =	sshra.s32 s8, $0x1F  }
0x37c: {  	s13 =	sshra.s32 s20, $0x1F;
	[smem:$0x7AE] =	sst s0;
	s0 =	smul.u32 $0x801302D3, s19  }
0x37d: {  	(v2sf) =	vpush v7, $0xC;
	s6 =	smul.u32 $0x801302D3, s13;
	s21 =	sshra.s32 s31, $0x1F;
	s13 =	spop (v2sf)  }
0x37e: {  	(v2sf) =	vpush v7, $0xE;
	[smem:$0x7AF] =	sst s0;
	s0 =	smul.u32 $0x801302D3, s21  }
0x37f: {  	[dreg:$0x13] =	wrdreg s4;
	s4 =	spop (v2sf);
	s23 =	sshra.s32 s13, $0x1F  }
0x380: {  	(v2sf) =	vpush v7, $0xF;
	[smem:$0x7B0] =	sst s0;
	s0 =	smul.u32 $0x801302D3, s23  }
0x381: {  	s19 =	spop (v2sf);
	s25 =	sshra.s32 s4, $0x1F  }
0x382: {  	[smem:$0x7B1] =	sst s0;
	s0 =	smul.u32 $0x801302D3, s25  }
0x383: {  	[dreg:$0x12] =	wrdreg s3;
	s26 =	sshra.s32 s19, $0x1F;
	s5 =	spop (v2sf)  }
0x384: {  	s10 =	sshra.s32 s30, $0x1F;
	[smem:$0x7B2] =	sst s0;
	s0 =	smul.u32 $0x801302D3, s26  }
0x385: {  	s2 =	smul.u32 $0x801302D3, s10;
	s10 =	sshra.s32 s5, $0x1F;
	s25 =	spop (v2sf)  }
0x386: {  	s12 =	sshra.s32 s22, $0x1F;
	[smem:$0x7B3] =	sst s0;
	s0 =	smul.u32 $0x801302D3, s10  }
0x387: {  	s3 =	smul.u32 $0x801302D3, s12;
	(v2sf) =	vpush v7, $0x9;
	s23 =	spop (v2sf);
	s12 =	sshra.s32 s25, $0x1F  }
0x388: {  	s10 =	sshra.s32 s23, $0x1F;
	[smem:$0x7B4] =	sst s0;
	s0 =	smul.u32 $0x801302D3, s12  }
0x389: {  	s10 =	smul.u32 $0x801302D3, s10  }
0x38a: {  	[smem:$0x7B5] =	sst s0;
	s0 =	spop (v2sf)  }
0x38b: {  	(v2sf) =	vpush v7, $0x8;
	[smem:$0x7B6] =	sst s10;
	s17 =	sshra.s32 s0, $0x1F  }
0x38c: {  	s18 =	spop (v2sf);
	s10 =	smul.u32 $0x801302D3, s17  }
0x38d: {  	s21 =	sshra.s32 s18, $0x1F;
	s17 =	spop (v2sf)  }
0x38e: {  	[smem:$0x7B7] =	sst s10;
	s10 =	smul.u32 $0x801302D3, s21  }
0x38f: {  	s26 =	sshra.s32 s17, $0x1F;
	s21 =	spop (v2sf)  }
0x390: {  	[smem:$0x7B8] =	sst s10;
	s10 =	smul.u32 $0x801302D3, s26  }
0x391: {  	s12 =	sshra.s32 s21, $0x1F;
	s26 =	smulhi.u32 $0x801302D3, s9  }
0x392: {  	s15 =	sshra.s32 s16, $0x1F;
	s12 =	smul.u32 $0x801302D3, s12  }
0x393: {  	s15 =	smul.u32 $0x801302D3, s15;
	[smem:$0x7B9] =	sst s10  }
0x394: {  	s10 =	smulhi.u32 $0x801302D3, s30;
	[smem:$0x7BA] =	sst s12;
	s12 =	ssub.s32 s26, s9  }
0x395: {  	s26 =	smulhi.u32 $0x801302D3, s22;
	s1 =	sadd.s32 s1, s12  }
0x396: {  	(v2sf) =	vpush v7, $0xA;
	s10 =	ssub.s32 s10, s30;
	[smem:$0x7BB] =	sst s1;
	s30 =	spop (v2sf)  }
0x397: {  	s12 =	ssub.s32 s26, s22;
	s22 =	smulhi.u32 $0x801302D3, s7;
	s2 =	sadd.s32 s2, s10  }
0x398: {  	s10 =	smulhi.u32 $0x801302D3, s20;
	s26 =	sshra.s32 s30, $0x1F;
	[dreg:$0x1d] =	wrdreg s2  }
0x399: {  	(v2sf) =	vpush v7, $0xB;
	s2 =	sadd.s32 s3, s12;
	s9 =	ssub.s32 s22, s7;
	s12 =	smulhi.u32 $0x801302D3, s24  }
0x39a: {  	s7 =	spop (v2sf);
	s22 =	smulhi.u32 $0x801302D3, s14;
	s1 =	ssub.s32 s10, s20  }
0x39b: {  	[smem:$0x7BC] =	sst s2;
	s10 =	smulhi.u32 $0x801302D3, s16;
	s1 =	sadd.s32 s6, s1  }
0x39c: {  	s20 =	smul.u32 $0x801302D3, s26;
	[smem:$0x7BE] =	sst s1  }
0x39d: {  	(v2sf) =	vpush v7, $0x1;
	s1 =	sadd.s32 s11, s9;
	s2 =	ssub.s32 s10, s16;
	s11 =	smulhi.u32 $0x801302D3, s8  }
0x39e: {  	s9 =	sld [smem:$0x7AD];
	s10 =	ssub.s32 s22, s14;
	s14 =	smulhi.u32 $0x801302D3, s31  }
0x39f: {  	s26 =	sshra.s32 s7, $0x1F;
	s22 =	smulhi.u32 $0x801302D3, s13;
	[smem:$0x7BD] =	sst s1  }
0x3a0: {  	s16 =	sadd.s32 s15, s2;
	s1 =	ssub.s32 s12, s24;
	s12 =	sld [smem:$0x7AE]  }
0x3a1: {  	s15 =	smul.u32 $0x801302D3, s26;
	s26 =	sld [smem:$0x7AF];
	s6 =	ssub.s32 s22, s13  }
0x3a2: {  	s13 =	sld [smem:$0x7B1];
	s22 =	smulhi.u32 $0x801302D3, s5;
	s1 =	sadd.s32 s9, s1  }
0x3a3: {  	(v2sf) =	vpush v7, $0x0;
	s2 =	ssub.s32 s11, s8;
	s9 =	smulhi.u32 $0x801302D3, s4;
	[smem:$0x7BF] =	sst s1  }
0x3a4: {  	s1 =	sadd.s32 s12, s10;
	s8 =	sadd.s32 s26, s2;
	s26 =	sld [smem:$0x7B2]  }
0x3a5: {  	s10 =	spop (v2sf);
	[smem:$0x7C0] =	sst s1  }
0x3a6: {  	s5 =	ssub.s32 s22, s5;
	s1 =	ssub.s32 s14, s31;
	s31 =	sld [smem:$0x7B0]  }
0x3a7: {  	s24 =	sshra.s32 s10, $0x1F;
	s6 =	sadd.s32 s13, s6;
	s14 =	smulhi.u32 $0x801302D3, s19  }
0x3a8: {  	(v2sf) =	vpush v7, $0x2;
	s13 =	spop (v2sf);
	s2 =	ssub.s32 s9, s4;
	s9 =	smulhi.u32 $0x801302D3, s25  }
0x3a9: {  	s11 =	smul.u32 $0x801302D3, s24;
	s24 =	sshra.s32 s13, $0x1F;
	s12 =	sadd.s32 s31, s1  }
0x3aa: {  	s1 =	ssub.s32 s14, s19;
	s19 =	smul.u32 $0x801302D3, s24;
	s24 =	sld [smem:$0x7B4]  }
0x3ab: {  	(v2sf) =	vpush v7, $0x3;
	s4 =	sadd.s32 s26, s2;
	s26 =	smulhi.u32 $0x801302D3, s23;
	s31 =	sld [smem:$0x7B3]  }
0x3ac: {  	s22 =	spop (v2sf);
	s3 =	ssub.s32 s9, s25;
	s9 =	smulhi.u32 $0x801302D3, s0  }
0x3ad: {  	s2 =	sadd.s32 s24, s5;
	s5 =	ssub.s32 s26, s23;
	s26 =	sld [smem:$0x7B6]  }
0x3ae: {  	s25 =	sld [smem:$0x7B5];
	s14 =	sadd.s32 s31, s1;
	s31 =	sshra.s32 s22, $0x1F  }
0x3af: {  	s24 =	smul.u32 $0x801302D3, s31  }
0x3b0: {  	s31 =	smulhi.u32 $0x801302D3, s18;
	s23 =	sadd.s32 s26, s5;
	s26 =	sld [smem:$0x7B7]  }
0x3b1: {  	s0 =	ssub.s32 s9, s0;
	s9 =	smulhi.u32 $0x801302D3, s17;
	s3 =	sadd.s32 s25, s3  }
0x3b2: {  	(v2sf) =	vpush v7, $0x4;
	s25 =	spop (v2sf);
	s5 =	ssub.s32 s31, s18;
	s18 =	smulhi.u32 $0x801302D3, s21  }
0x3b3: {  	s31 =	sld [smem:$0x7B8];
	s1 =	sadd.s32 s26, s0;
	s26 =	sshra.s32 s25, $0x1F  }
0x3b4: {  	(v2sf) =	vpush v7, $0x5;
	s0 =	ssub.s32 s18, s21;
	s18 =	smulhi.u32 $0x801302D3, s30;
	s21 =	sld [smem:$0x7BA]  }
0x3b5: {  	s9 =	ssub.s32 s9, s17;
	s17 =	smul.u32 $0x801302D3, s26;
	s26 =	sld [smem:$0x7B9]  }
0x3b6: {  	(v2sf) =	vpush v7, $0x6;
	s31 =	sadd.s32 s31, s5;
	s18 =	ssub.s32 s18, s30;
	s30 =	smulhi.u32 $0x801302D3, s10  }
0x3b7: {  	s5 =	sadd.s32 s21, s0;
	s21 =	spop (v2sf);
	s18 =	sadd.s32 s20, s18  }
0x3b8: {  	(v2sf) =	vpush v7, $0x7;
	s20 =	sld [smem:$0x7BC];
	s9 =	sadd.s32 s26, s9;
	s26 =	smulhi.u32 $0x801302D3, s7  }
0x3b9: {  	s0 =	sshra.s32 s21, $0x1F;
	s10 =	ssub.s32 s30, s10;
	s30 =	smulhi.u32 $0x801302D3, s22  }
0x3ba: {  	v8 =	vmov s12;
	s0 =	smul.u32 $0x801302D3, s0;
	s10 =	sadd.s32 s11, s10;
	s11 =	spop (v2sf)  }
0x3bb: {  	v8 =	vnsel vm3, $0x0, v8;
	s7 =	ssub.s32 s26, s7;
	s26 =	smulhi.u32 $0x801302D3, s13;
	s30 =	ssub.s32 s30, s22  }
0x3bc: {  	v8 =	vsel vm0, s8, v8;
	s22 =	sld [smem:$0x7BB];
	s7 =	sadd.s32 s15, s7;
	s8 =	sadd.s32 s24, s30  }
0x3bd: {  	s15 =	ssub.s32 s26, s13;
	s13 =	smulhi.u32 $0x801302D3, s25;
	s26 =	sshra.s32 s11, $0x1F  }
0x3be: {  	v8 =	vsel vm1, s6, v8;
	s30 =	rddreg [dreg:$0x1d];
	s12 =	sadd.s32 s19, s15;
	s15 =	smul.u32 $0x801302D3, s26  }
0x3bf: {  	v8 =	vsel vm2, s4, v8;
	v9 =	vmov s22;
	s26 =	smulhi.u32 $0x801302D3, s21;
	s22 =	sld [smem:$0x7BD];
	s13 =	ssub.s32 s13, s25  }
0x3c0: {  	v10 =	vmov s16;
	v8 =	vsel vm4, s14, v8;
	s16 =	smulhi.u32 $0x801302D3, s11;
	v9 =	vsel vm0, s30, v9;
	s30 =	sld [smem:$0x7BF];
	s6 =	sadd.s32 s17, s13  }
0x3c1: {  	v8 =	vsel vm5, s2, v8;
	s13 =	spop (v2sf);
	s24 =	ssub.s32 s26, s21;
	s26 =	sld [smem:$0x7BE]  }
0x3c2: {  	v8 =	vsel vm6, s3, v8;
	s21 =	sld [smem:$0x7C0];
	s17 =	smulhi.u32 $0x801302D3, s13;
	s25 =	sshra.s32 s13, $0x1F  }
0x3c3: {  	v8 =	vsel vm7, s23, v8;
	v9 =	vsel vm1, s20, v9;
	s0 =	sadd.s32 s0, s24;
	s4 =	spop (v2sf);
	s20 =	smul.u32 $0x801302D3, s25  }
0x3c4: {  	v12 =	vmov s31;
	v10 =	vsel vm0, s22, v10;
	v11 =	vmov s6;
	s22 =	ssub.s32 s16, s11;
	s24 =	smulhi.u32 $0x801302D3, s4;
	s25 =	sshra.s32 s4, $0x1F  }
0x3c5: {  	v8 =	vperm.xlane v8, v5;
	s2 =	sadd.s32 s15, s22;
	v11 =	vnsel vm3, $0x0, v11;
	v9 =	vsel vm2, s26, v9;
	s26 =	spop (v2sf);
	s11 =	smul.u32 $0x801302D3, s25  }
0x3c6: {  	v12 =	vsel vm0, s1, v12;
	v10 =	vsel vm1, s30, v10;
	v11 =	vsel vm0, s8, v11;
	s30 =	ssub.s32 s17, s13;
	s31 =	smulhi.u32 $0x801302D3, s26;
	s13 =	sshra.s32 s26, $0x1F  }
0x3c7: {  	v12 =	vsel vm1, s9, v12;
	v13 =	vmov s7;
	v11 =	vsel vm1, s0, v11;
	s14 =	sadd.s32 s20, s30;
	s16 =	spop (v2sf);
	s15 =	smul.u32 $0x801302D3, s13  }
0x3c8: {  	v13 =	vsel vm0, s18, v13;
	v10 =	vsel vm2, s21, v10;
	s17 =	ssub.s32 s24, s4;
	v11 =	vsel vm2, s2, v11;
	s18 =	smulhi.u32 $0x801302D3, s16;
	s19 =	sshra.s32 s16, $0x1F  }
0x3c9: {  	v13 =	vsel vm1, s10, v13;
	v9 =	vcombine.low v10, v9;
	s20 =	sadd.s32 s11, s17;
	v11 =	vsel vm4, s14, v11;
	s21 =	ssub.s32 s31, s26;
	s22 =	smul.u32 $0x801302D3, s19  }
0x3ca: {  	v12 =	vsel vm2, s5, v12;
	v13 =	vsel vm2, s12, v13;
	v53 =	vsel vm5, s20, v11;
	s24 =	sadd.s32 s15, s21;
	s25 =	ssub.s32 s18, s16  }
0x3cb: {  	v54 =	vcombine.low v13, v12;
	v9 =	vperm.xlane v9, v4;
	v10 =	vsel vm6, s24, v53;
	s30 =	sadd.s32 s22, s25  }
0x3cc: {  	v10 =	vsel vm7, s30, v10  }
0x3cd: {  	v55 =	vperm.xlane v54, v4;
	v8 =	vsel vm8, v8, v9;
	v10 =	vperm.xlane v10, v5  }
0x3ce: {  	v8 =	vadd.s32 v6, v8  }
0x3cf: {  	v56 =	vshrl.u32 v8, $0x1F;
	v8 =	vshra.s32 v8, $0xE;
	v9 =	vsel vm8, v10, v55  }
0x3d0: {  	v8 =	vadd.s32 v56, v8;
	v9 =	vadd.s32 v7, v9  }
0x3d1: {  	v8 =	vmul.u32 $0x7FED, v8;
	v57 =	vshrl.u32 v9, $0x1F;
	v9 =	vshra.s32 v9, $0xE  }
0x3d2: {  	v9 =	vadd.s32 v57, v9  }
0x3d3: {  	v6 =	vsub.s32 v6, v8;
	v58 =	vmul.u32 $0x7FED, v9  }
0x3d4: {  	vm9 =	vlt.s32 v6, $0x0;
	v59 =	vadd.s32 $0x7FED, v6  }
0x3d5: {  	v6 =	vsel vm9, v59, v6;
	v7 =	vsub.s32 v7, v58  }
0x3d6: {  	v6 =	vmul.u32 $0x6D, v6;
	vm9 =	vlt.s32 v7, $0x0;
	v8 =	vadd.s32 $0x6D, v7  }
0x3d7: {  	v7 =	vsel vm9, v8, v7  }
0x3d8: {  	v6 =	vadd.s32 v7, v6  }
0x3d9: {  	v6 =	vmul.u32 $0x1F, v6  }
0x3da: {  	v7 =	vmov s28  }
0x3db: {  	v60 =	vor.u32 s28, v2;
	v7 =	vshll.u32 v7, $0x3;
	v6 =	vadd.s32 $0x11, v6  }
0x3dc: {  	v8 =	vand.u32 $0x7F, v60;
	v7 =	vand.u32 $0x400, v7;
	v61 =	vshll.u32 v6, $0x7  }
0x3dd: {  	v7 =	vor.u32 v7, v8;
	v62 =	vshll.u32 v6, $0x8;
	v9 =	vand.u32 $0x380, v61  }
0x3de: {  	v63 =	vand.u32 $0x7800, v62;
	v7 =	vor.u32 v9, v7  }
0x3df: {  	v7 =	vor.u32 v63, v7  }
0x3e0: {  	p1 =	sne.s32 s28, $0xF0  }
.Ltmp22:
0x3e1: {  	_ = 	snop;
	(pc) =	sbr.rel @p1 .LBB2_38-.Ltmp22, $4  }
0x3e2: {  	_ = 	snop  }
0x3e3: {  	s26 =	rddreg [dreg:$0x13]  }
0x3e4: {  	s31 =	rddreg [dreg:$0x12];
	v6 =	vand.u32 $0x7F, v6;
	[tilespmem:v7+s29+$0x0] =	vst.idx.msk $0xffff, v3  }
0x3e5: {  	s3 =	sadd.s32 $0x20, s31;
	s4 =	sadd.s32 $0x10, s26;
	s28 =	sadd.s32 $0x10, s28;
	[tilespmem:s26+$0x0] =	vst v6  }
0x3e6: {  	s0 =	rddreg [dreg:$0x8]  }
0x3e7: {  	s1 =	simm.s32 $0x800;
	s2 =	simm.s32 $0x20000;
	s3 =	rddreg [dreg:$0x9]  }
0x3e8: {  	[hbm4b:s0+s1] =	stream.strided.scatter [tilespmem:s29], [sflag:$0x4], $0x8000, s2, s1, $0x38;
	[tilespmem:$0x1C900] =	vst v63  }
0x3e9: {  	s0 =	simm.s32 @!p0 $0x80;
	s1 =	simm.s32 @!p0 $0x400;
	s2 =	simm.s32 @!p0 $0x18900  }
0x3ea: {  	[tilespmem:s2], [sflag:$0x7] =	stream.strided.gather @!p0 [hbm4b:s3+s0], $0x4000, s1, s0, $0x38;
	[tilespmem:$0x1C900] =	vst v63  }
0x3eb: {  	s3 =	simm.s32 @!p0 $0x7  }
0x3ec: {  	_ =	swait.ge @!p0 [sflag:s3], $0x4000  }
0x3ed: {  	[sflag:s3] =	ssyncset.done @!p0 $0x0  }
0x3ee: {  	s4 =	rddreg [dreg:$0xa];
	[sflag:s3] =	ssyncadd.s32 @!p0 $0xFFFFC000  }
0x3ef: {  	[hbm4b:s4+s0] =	stream.strided.scatter @!p0 [tilespmem:s2], [sflag:$0x7], $0x4000, s1, s0, $0x38;
	[tilespmem:$0x1C900] =	vst v63  }
0x3f0: {  	_ =	swait.ge @!p0 [sflag:s3], $0x4000  }
0x3f1: {  	[sflag:s3] =	ssyncset.done @!p0 $0x0  }
0x3f2: {  	s25 =	simm.s32 $0x4;
	[sflag:s3] =	ssyncadd.s32 @!p0 $0xFFFFC000  }
0x3f3: {  	_ =	swait.ge [sflag:s25], $0x8000  }
0x3f4: {  	[sflag:s25] =	ssyncset.done $0x0  }
0x3f5: {  	s26 =	simm.s32 $0x5;
	[sflag:s25] =	ssyncadd.s32 $0xFFFF8000  }
0x3f6: {  	_ =	swait.ge [sflag:s26], $0x8000  }
0x3f7: {  	[sflag:s26] =	ssyncset.done $0x0  }
0x3f8: {  	s28 =	simm.s32 $0x6;
	[sflag:s26] =	ssyncadd.s32 $0xFFFF8000  }
0x3f9: {  	_ =	swait.ge [sflag:s28], $0x8000  }
0x3fa: {  	s30 =	rddreg [dreg:$0xf]  }
0x3fb: {  	s31 =	rddreg [dreg:$0xb];
	s2 =	sadd.s32 $0x1, s30  }
0x3fc: {  	p1 =	sne.s32 s2, s31  }
.Ltmp23:
0x3fd: {  	_ = 	snop;
	(pc) =	sbr.rel @p1 .LBB2_1-.Ltmp23, $3  }
0x3fe: {  	_ =	sdelay $0x1  }
0x3ff: {  	[sflag:s28] =	ssyncset.done $0x0  }
0x400: {  	[sflag:s28] =	ssyncadd.s32 $0xFFFF8000  }
0x401: {  	_ =	sfence.sel $0x180000  }
0x402: {  	[bflag:$0x0] =	sbarrier.arrive $0xFFFF  }
0x403: {  	_ =	strace $0x90000047  }
0x404: {  	s0 =	stileid.u32;
	[bflag:$0x2] =	sbarrier.arrive $0xFFFF  }
0x405: {  	p0 =	sne.s32 s0, $0x0;
	s0 =	rddreg [dreg:$0x3]  }
0x406: {  	s0 =	sadd.s32 @!p0 $0x100000, s0  }
0x407: {  	[sflag:s0] =	ssyncadd.tile.s32 @!p0 $0x1;
	_ =	shalt  }
.Lfunc_end2:
_tile_overlayer_lowered:
.L_overlay_start_2:
0x408: {  	(tag) =	ssettag $0x2  }
0x409: {  	s0 =	rddreg [dreg:$0x0];
	s2 =	stileid.u32  }
0x40a: {  	s1 =	rddreg [dreg:$0x1];
	p0 =	sne.s32 s2, $0x0  }
0x40b: {  	s3 =	rddreg [dreg:$0x2];
	[bflag:$0x3] =	sbarrier.arrive $0xFFFF;
	s2 =	simm.s32 @!p0 $0x1C07  }
0x40c: {  	[timem:s3], [sflag:s2] =	dma.local @!p0 [hbm:s0], s1  }
0x40d: {  	s0 =	simm.s32 @!p0 $0x7  }
0x40e: {  	_ =	swait.ge @!p0 [sflag:s0], s1  }
0x40f: {  	s1 =	ssub.s32 @!p0 $0x0, s1;
	[sflag:s0] =	ssyncset.done @!p0 $0x0  }
0x410: {  	[sflag:s0] =	ssyncadd.s32 @!p0 s1  }
0x411: {  	[bflag:$0x3] =	sbarrier.arrive $0xFFFF  }
0x412: {  	_ =	shalt  }

</sc_bundles>
